<compile_context>
chip_gen: v7x
topology: tpu7x:2x2x1
jax: 0.10.2.dev20260603
libtpu: 0.0.44.dev20260713+nightly
codegen_flags: <defaults>
</compile_context>

<pallas_src>
import functools

import jax
import jax.numpy as jnp
from jax import lax
from jax.experimental import pallas as pl
from jax.experimental.pallas import tpu as pltpu
from jax.experimental.pallas import tpu_sc as plsc

G, M, DEG, H, OUT, CUTOFF = 250, 40, 16, 128, 12, 5.0
N = G * M
E = N * DEG
NC, NS = 2, 16
NW = NC * NS
NPW0 = 312
NLAST = N - (NW - 1) * NPW0
EMAX = NLAST * DEG
CMAX = NLAST * M
GB = 5
GSTEPS = G // GB


def _sc_count_body(ei_hbm, zeros_hbm, out_hbm, dst_v, c_v):
    wid = lax.axis_index("s") * NC + lax.axis_index("c")
    pltpu.sync_copy(ei_hbm.at[1, pl.ds(wid * NPW0 * DEG, EMAX)], dst_v)
    pltpu.sync_copy(zeros_hbm, c_v)

    ones16 = jnp.ones((16,), jnp.float32)

    def node_body(i, _):
        dvec = dst_v[pl.ds(i * DEG, DEG)]
        lj = lax.rem(dvec, M)
        plsc.addupdate_scatter(c_v, [lj + i * M], ones16)
        return 0

    lax.fori_loop(0, NPW0, node_body, 0, unroll=8)

    @pl.when(wid == NW - 1)
    def _():
        lax.fori_loop(NPW0, NLAST, node_body, 0, unroll=8)
    pltpu.sync_copy(c_v.at[pl.ds(0, NPW0 * M)],
                    out_hbm.at[pl.ds(wid * NPW0 * M, NPW0 * M)])

    @pl.when(wid == NW - 1)
    def _():
        pltpu.sync_copy(
            c_v.at[pl.ds(NPW0 * M, (NLAST - NPW0) * M)],
            out_hbm.at[pl.ds(NW * NPW0 * M, (NLAST - NPW0) * M)])


@functools.cache
def _sc_count():
    return pl.kernel(
        _sc_count_body,
        out_type=jax.ShapeDtypeStruct((N * M,), jnp.float32),
        mesh=plsc.VectorSubcoreMesh(core_axis_name="c", subcore_axis_name="s",
                                    num_cores=NC, num_subcores=NS),
        compiler_params=pltpu.CompilerParams(needs_layout_passes=False),
        scratch_types=[
            pltpu.VMEM((EMAX,), jnp.int32),
            pltpu.VMEM((CMAX,), jnp.float32),
        ],
    )

_DOT = dict(preferred_element_type=jnp.float32, precision=lax.Precision.HIGHEST)
_F32 = dict(preferred_element_type=jnp.float32)


def _split_bf16(v):
    hi = v.astype(jnp.bfloat16)
    lo = (v - hi.astype(jnp.float32)).astype(jnp.bfloat16)
    return hi, lo


def _dot_exact_bf16(a_bf, v_hi, v_lo, dims):
    return (lax.dot_general(a_bf, v_hi, dims, **_F32) +
            lax.dot_general(a_bf, v_lo, dims, **_F32))


BM = GB * M
HB = 2
STEP_G = HB * GB
TSTEPS = G // STEP_G


def _tc_main_body(z_ref, pt_ref, ptt_ref, cnt_ref, emb_ref, wmsg_ref, pw_ref,
                  pb_ref, eye_ref, sel_ref, out_ref, c_scr):
    embv = emb_ref[...]
    wmsg = wmsg_ref[...]
    pb = pb_ref[...]
    eyef = eye_ref[...]
    kiota = lax.broadcasted_iota(jnp.int32, (100, BM), 0)
    emb_hi, emb_lo = _split_bf16(embv)

    @pl.when(pl.program_id(0) == 0)
    def _():
        c_scr[...] = jnp.zeros((HB, BM, BM), jnp.float32)

    for h in range(HB):
        for i in range(GB):
            r = h * BM + M * i
            c_scr[h, M * i:M * i + M, M * i:M * i + M] = \
                cnt_ref[0, r:r + M, :]

    for h in range(HB):
        cblk = c_scr[h]

        zall = z_ref[0, :, h * BM:(h + 1) * BM]
        onehot_t = (jnp.broadcast_to(zall, (100, BM)) == kiota
                    ).astype(jnp.bfloat16)
        x0 = _dot_exact_bf16(onehot_t, emb_hi, emb_lo,
                             (((0,), (0,)), ((), ())))

        pall = pt_ref[0, h * BM:(h + 1) * BM, :]
        prow = ptt_ref[0, :, h * BM:(h + 1) * BM]
        dx = pall[:, 0:1] - prow[0:1, :]
        dy = pall[:, 1:2] - prow[1:2, :]
        dz = pall[:, 2:3] - prow[2:3, :]
        d2 = jnp.minimum(dx * dx + dy * dy + dz * dz,
                         CUTOFF * CUTOFF)
        wm = (1.0 + d2 * (-0.098696012 + d2 * (0.00324695392 +
              d2 * (-4.27248512e-05 + d2 * (3.008280832e-07 +
              d2 * (-1.2982083584e-09 + d2 * 3.26407553024e-12))))))

        m1 = cblk * wm
        agg = lax.dot_general(m1, x0, (((0,), (0,)), ((), ())), **_DOT)
        pre = x0 + lax.dot_general(agg, wmsg,
                                   (((1,), (0,)), ((), ())), **_DOT)
        x = pre * jax.nn.sigmoid(pre)

        cblk_t = lax.dot_general(
            cblk.astype(jnp.bfloat16), eyef.astype(jnp.bfloat16),
            (((0,), (0,)), ((), ())), preferred_element_type=jnp.float32)
        adj_bf = ((cblk + cblk_t) > 0.0).astype(jnp.bfloat16)

        w_hi, w_lo = _split_bf16(x)
        ss = [jnp.sum(x.reshape(GB, M, H), axis=1)]
        for k in range(5):
            walk = _dot_exact_bf16(adj_bf, w_hi, w_lo,
                                   (((1,), (0,)), ((), ()))) * x
            w_hi, w_lo = _split_bf16(walk)
            ss.append(jnp.sum(walk.reshape(GB, M, H), axis=1))
        sflat = jnp.concatenate(ss, axis=1)
        o = pb + lax.dot_general(sflat, pw_ref[...],
                                 (((1,), (0,)), ((), ())), **_DOT)
        out_ref[0, h * GB:(h + 1) * GB, :] = o


def kernel(z, pos, batch, edge_index, emb, W_msg, proj_W, proj_b):
    zeros_c = jnp.zeros((CMAX,), jnp.float32)
    cflat = _sc_count()(edge_index, zeros_c)
    cnt3 = cflat.reshape(TSTEPS, STEP_G * M, M)

    z3 = z.reshape(TSTEPS, 1, HB * BM)
    pt3 = pos.reshape(TSTEPS, HB * BM, 3)
    ptt3 = pt3.transpose(0, 2, 1)
    pb2 = proj_b.reshape(1, OUT)
    eyef = jnp.eye(BM, dtype=jnp.float32)
    sel = (jnp.arange(BM, dtype=jnp.int32)[None, :] // M ==
           jnp.arange(GB, dtype=jnp.int32)[:, None]).astype(jnp.float32)

    out3 = pl.pallas_call(
        _tc_main_body,
        grid=(TSTEPS,),
        in_specs=[
            pl.BlockSpec((1, 1, HB * BM), lambda g: (g, 0, 0)),
            pl.BlockSpec((1, HB * BM, 3), lambda g: (g, 0, 0)),
            pl.BlockSpec((1, 3, HB * BM), lambda g: (g, 0, 0)),
            pl.BlockSpec((1, STEP_G * M, M), lambda g: (g, 0, 0)),
            pl.BlockSpec((100, H), lambda g: (0, 0)),
            pl.BlockSpec((H, H), lambda g: (0, 0)),
            pl.BlockSpec((6 * H, OUT), lambda g: (0, 0)),
            pl.BlockSpec((1, OUT), lambda g: (0, 0)),
            pl.BlockSpec((BM, BM), lambda g: (0, 0)),
            pl.BlockSpec((GB, BM), lambda g: (0, 0)),
        ],
        out_specs=pl.BlockSpec((1, STEP_G, OUT), lambda g: (g, 0, 0)),
        out_shape=jax.ShapeDtypeStruct((TSTEPS, STEP_G, OUT), jnp.float32),
        scratch_shapes=[pltpu.VMEM((HB, BM, BM), jnp.float32)],
    )(z3, pt3, ptt3, cnt3, emb, W_msg, proj_W, pb2, eyef, sel)
    return out3.reshape(G, OUT)

# --- scband reference (transcript-rebuilt; emitter-appended) ---
"""Pipeline reference for scband-torch-md-net-8117488189528 (READ-ONLY COPY).

The authoritative reference and input builder live on the scoring server;
editing this copy changes nothing except your own understanding.
"""

import jax, jax.numpy as jnp
import numpy as np

G, M, DEG, H, MAX_Z, OUT, CUTOFF = 250, 40, 16, 128, 100, 12, 5.0
N = G * M
E = N * DEG


def setup_inputs(seed: int = 0) -> dict:
    key = jax.random.key(seed)
    ks = jax.random.split(key, 6)
    rng = np.random.RandomState(0)
    # atomic numbers
    z = jnp.asarray(rng.randint(1, MAX_Z, size=N), dtype=jnp.int32)
    # positions
    pos = jax.random.normal(ks[0], (N, 3), dtype=jnp.float32) * 1.5
    # graph assignment: 250 uniform graphs of 40 nodes, sorted
    batch = jnp.asarray(np.repeat(np.arange(G), M), dtype=jnp.int32)
    # intra-graph random edges (no self loops), deg=16 per node
    src = np.repeat(np.arange(N), DEG)
    off = rng.randint(1, M, size=E)
    dst = (src // M) * M + ((src % M) + off) % M
    edge_index = jnp.asarray(np.stack([src, dst]), dtype=jnp.int32)
    # learned parameters (emulated representation model + n_gram_projection)
    emb = jax.random.normal(ks[1], (MAX_Z, H), dtype=jnp.float32) * 0.1
    W_msg = jax.random.normal(ks[2], (H, H), dtype=jnp.float32) * (1.0 / np.sqrt(H))
    proj_W = jax.random.normal(ks[3], (6 * H, OUT), dtype=jnp.float32) * (1.0 / np.sqrt(6 * H))
    proj_b = jnp.zeros((OUT,), dtype=jnp.float32)
    return {"z": z, "pos": pos, "batch": batch, "edge_index": edge_index,
            "emb": emb, "W_msg": W_msg, "proj_W": proj_W, "proj_b": proj_b}


def reference(z, pos, batch, edge_index, emb, W_msg, proj_W, proj_b):
    src, dst = edge_index[0], edge_index[1]
    # --- representation model (message passing over radius-style graph) ---
    x0 = emb[z]
    rij = pos[dst] - pos[src]
    edge_weight = jnp.sqrt(jnp.sum(rij * rij, axis=-1) + 1e-12)
    w = 0.5 * (jnp.cos(jnp.pi * jnp.clip(edge_weight / CUTOFF, 0.0, 1.0)) + 1.0)
    agg = jax.ops.segment_sum(x0[src] * w[:, None], dst, num_segments=N)
    x = jax.nn.silu(x0 + agg @ W_msg)
    # --- N-gram style graph embedding (vectorized version of the python loops) ---
    li_node = jnp.arange(N) - batch * M  # local index within each graph
    X = jnp.zeros((G, M, H), dtype=x.dtype).at[batch, li_node].set(x)
    gi = batch[src]
    li = src - gi * M
    lj = dst - batch[dst] * M
    A = jnp.zeros((G, M, M), dtype=x.dtype)
    A = A.at[gi, li, lj].set(1.0)
    A = A.at[gi, lj, li].set(1.0)
    walk = X
    vs = [walk.sum(axis=1)]
    for _ in range(5):
        walk = jnp.einsum('gmn,gnh->gmh', A, walk) * X
        vs.append(walk.sum(axis=1))
    out = jnp.stack(vs, axis=1).reshape(G, 6 * H)
    out = out @ proj_W + proj_b
    return out

if __name__ == "__main__":
    import jax
    _d = setup_inputs()
    print(jax.jit(kernel)(*tuple(_d.values())))

</pallas_src>

<mosaic_0001>
#map = affine_map<(d0, d1) -> (0, 0)>
#map1 = affine_map<(d0, d1) -> (0)>
module attributes {stable_mosaic.version = 14 : i64} {
  func.func @_sc_count_body(%arg0: i32, %arg1: i32, %arg2: memref<2x160000xi32, #tpu.memory_space<hbm>>, %arg3: memref<13120xf32, #tpu.memory_space<hbm>>, %arg4: memref<400000xf32, #tpu.memory_space<hbm>>, %arg5: memref<5248xi32, #tpu.memory_space<vmem>>, %arg6: memref<13120xf32, #tpu.memory_space<vmem>>) attributes {dimension_semantics = [#tpu.dimension_semantics<core_parallel>, #tpu.dimension_semantics<subcore_parallel>], iteration_bounds = array<i64: 2, 16>, scalar_prefetch = 0 : i64, scratch_operands = 2 : i64, tpu.core_type = #tpu.core_type<sc_vector_subcore>, window_params = [{transform_indices = #map}, {transform_indices = #map1}, {transform_indices = #map1}]} {
    %mul3A = arith.constant 2 : i32
    %mul3A_0 = arith.muli %arg1, %mul3A : i32
    %add3A = arith.addi %mul3A_0, %arg0 : i32
    %mul3A_1 = arith.constant 312 : i32
    %mul3A_2 = arith.muli %add3A, %mul3A_1 : i32
    %mul3A_3 = arith.constant 16 : i32
    %mul3A_4 = arith.muli %mul3A_2, %mul3A_3 : i32
    %run_scoped3A = arith.constant 1 : i32
    "tpu.region"() ({
      %run_scoped3A_23 = tpu.sem_alloc : memref<!tpu.dma_semaphore, #tpu.memory_space<semaphore_mem>>
      %dma_start3A = tpu.memref_slice %arg2[%run_scoped3A, %mul3A_4] : memref<2x160000xi32, #tpu.memory_space<hbm>> -> memref<1x5248xi32, #tpu.memory_space<hbm>>
      %dma_start3A_24 = tpu.memref_squeeze %dma_start3A : memref<1x5248xi32, #tpu.memory_space<hbm>> -> memref<5248xi32, #tpu.memory_space<hbm>>
      %dma_start3A_25 = tpu.memref_slice %arg2[%run_scoped3A, %mul3A_4] : memref<2x160000xi32, #tpu.memory_space<hbm>> -> memref<1x5248xi32, #tpu.memory_space<hbm>>
      %dma_start3A_26 = tpu.memref_squeeze %dma_start3A_25 : memref<1x5248xi32, #tpu.memory_space<hbm>> -> memref<5248xi32, #tpu.memory_space<hbm>>
      tpu.enqueue_dma source(%dma_start3A_26 : memref<5248xi32, #tpu.memory_space<hbm>>) target(%arg5 : memref<5248xi32, #tpu.memory_space<vmem>>) target_semaphore(%run_scoped3A_23 : memref<!tpu.dma_semaphore, #tpu.memory_space<semaphore_mem>>)
      %dma_wait3A = tpu.memref_slice %arg2[%run_scoped3A, %mul3A_4] : memref<2x160000xi32, #tpu.memory_space<hbm>> -> memref<1x5248xi32, #tpu.memory_space<hbm>>
      %dma_wait3A_27 = tpu.memref_squeeze %dma_wait3A : memref<1x5248xi32, #tpu.memory_space<hbm>> -> memref<5248xi32, #tpu.memory_space<hbm>>
      %dma_wait3A_28 = tpu.memref_slice %arg2[%run_scoped3A, %mul3A_4] : memref<2x160000xi32, #tpu.memory_space<hbm>> -> memref<1x5248xi32, #tpu.memory_space<hbm>>
      %dma_wait3A_29 = tpu.memref_squeeze %dma_wait3A_28 : memref<1x5248xi32, #tpu.memory_space<hbm>> -> memref<5248xi32, #tpu.memory_space<hbm>>
      tpu.wait_dma2 semaphore(%run_scoped3A_23 : memref<!tpu.dma_semaphore, #tpu.memory_space<semaphore_mem>>) src(%dma_wait3A_29 : memref<5248xi32, #tpu.memory_space<hbm>>) dst(%arg5 : memref<5248xi32, #tpu.memory_space<vmem>>)
      tpu.yield
    }) : () -> ()
    "tpu.region"() ({
      %run_scoped3A_23 = tpu.sem_alloc : memref<!tpu.dma_semaphore, #tpu.memory_space<semaphore_mem>>
      tpu.enqueue_dma source(%arg3 : memref<13120xf32, #tpu.memory_space<hbm>>) target(%arg6 : memref<13120xf32, #tpu.memory_space<vmem>>) target_semaphore(%run_scoped3A_23 : memref<!tpu.dma_semaphore, #tpu.memory_space<semaphore_mem>>)
      tpu.wait_dma2 semaphore(%run_scoped3A_23 : memref<!tpu.dma_semaphore, #tpu.memory_space<semaphore_mem>>) src(%arg3 : memref<13120xf32, #tpu.memory_space<hbm>>) dst(%arg6 : memref<13120xf32, #tpu.memory_space<vmem>>)
      tpu.yield
    }) : () -> ()
    %broadcast_in_dim3A = arith.constant 1.000000e+00 : f32
    %broadcast_in_dim3A_5 = vector.broadcast %broadcast_in_dim3A : f32 to vector<16xf32>
    %scan3A = arith.constant 0 : i32
    %scan3A_6 = arith.constant 0 : i32
    %scan3A_7 = arith.constant 312 : i32
    %scan3A_8 = arith.addi %scan3A_6, %scan3A_7 : i32
    %scan3A_9 = arith.constant 8 : i32
    %scan3A_10 = scf.for %scan3A_23 = %scan3A_6 to %scan3A_8 step %scan3A_9 iter_args(%scan3A_24 = %scan3A) -> (i32)  : i32 {
      %mul3A_25 = arith.constant 16 : i32
      %mul3A_26 = arith.muli %scan3A_23, %mul3A_25 : i32
      %get3A = arith.index_cast %mul3A_26 : i32 to index
      %get3A_27 = tpu.vector_load %arg5[%get3A] {strides = array<i32>} : memref<5248xi32, #tpu.memory_space<vmem>>, vector<16xi32>,
      %rem3A = arith.constant 40 : i32
      %rem3A_28 = vector.broadcast %rem3A : i32 to vector<16xi32>
      %rem3A_29 = arith.remsi %get3A_27, %rem3A_28 : vector<16xi32>
      %mul3A_30 = arith.constant 40 : i32
      %mul3A_31 = arith.muli %scan3A_23, %mul3A_30 : i32
      %add3A_32 = vector.broadcast %mul3A_31 : i32 to vector<16xi32>
      %add3A_33 = arith.addi %rem3A_29, %add3A_32 : vector<16xi32>
      tpu.vector_store_idx %arg6[%add3A_33], %broadcast_in_dim3A_5 {add = true} : memref<13120xf32, #tpu.memory_space<vmem>>[vector<16xi32>], vector<16xf32>,
      %scan3A_34 = arith.constant 0 : i32
      %scan3A_35 = arith.constant 1 : i32
      %scan3A_36 = arith.addi %scan3A_23, %scan3A_35 : i32
      %mul3A_37 = arith.constant 16 : i32
      %mul3A_38 = arith.muli %scan3A_36, %mul3A_37 : i32
      %get3A_39 = arith.index_cast %mul3A_38 : i32 to index
      %get3A_40 = tpu.vector_load %arg5[%get3A_39] {strides = array<i32>} : memref<5248xi32, #tpu.memory_space<vmem>>, vector<16xi32>,
      %rem3A_41 = arith.constant 40 : i32
      %rem3A_42 = vector.broadcast %rem3A_41 : i32 to vector<16xi32>
      %rem3A_43 = arith.remsi %get3A_40, %rem3A_42 : vector<16xi32>
      %mul3A_44 = arith.constant 40 : i32
      %mul3A_45 = arith.muli %scan3A_36, %mul3A_44 : i32
      %add3A_46 = vector.broadcast %mul3A_45 : i32 to vector<16xi32>
      %add3A_47 = arith.addi %rem3A_43, %add3A_46 : vector<16xi32>
      tpu.vector_store_idx %arg6[%add3A_47], %broadcast_in_dim3A_5 {add = true} : memref<13120xf32, #tpu.memory_space<vmem>>[vector<16xi32>], vector<16xf32>,
      %scan3A_48 = arith.constant 0 : i32
      %scan3A_49 = arith.constant 2 : i32
      %scan3A_50 = arith.addi %scan3A_23, %scan3A_49 : i32
      %mul3A_51 = arith.constant 16 : i32
      %mul3A_52 = arith.muli %scan3A_50, %mul3A_51 : i32
      %get3A_53 = arith.index_cast %mul3A_52 : i32 to index
      %get3A_54 = tpu.vector_load %arg5[%get3A_53] {strides = array<i32>} : memref<5248xi32, #tpu.memory_space<vmem>>, vector<16xi32>,
      %rem3A_55 = arith.constant 40 : i32
      %rem3A_56 = vector.broadcast %rem3A_55 : i32 to vector<16xi32>
      %rem3A_57 = arith.remsi %get3A_54, %rem3A_56 : vector<16xi32>
      %mul3A_58 = arith.constant 40 : i32
      %mul3A_59 = arith.muli %scan3A_50, %mul3A_58 : i32
      %add3A_60 = vector.broadcast %mul3A_59 : i32 to vector<16xi32>
      %add3A_61 = arith.addi %rem3A_57, %add3A_60 : vector<16xi32>
      tpu.vector_store_idx %arg6[%add3A_61], %broadcast_in_dim3A_5 {add = true} : memref<13120xf32, #tpu.memory_space<vmem>>[vector<16xi32>], vector<16xf32>,
      %scan3A_62 = arith.constant 0 : i32
      %scan3A_63 = arith.constant 3 : i32
      %scan3A_64 = arith.addi %scan3A_23, %scan3A_63 : i32
      %mul3A_65 = arith.constant 16 : i32
      %mul3A_66 = arith.muli %scan3A_64, %mul3A_65 : i32
      %get3A_67 = arith.index_cast %mul3A_66 : i32 to index
      %get3A_68 = tpu.vector_load %arg5[%get3A_67] {strides = array<i32>} : memref<5248xi32, #tpu.memory_space<vmem>>, vector<16xi32>,
      %rem3A_69 = arith.constant 40 : i32
      %rem3A_70 = vector.broadcast %rem3A_69 : i32 to vector<16xi32>
      %rem3A_71 = arith.remsi %get3A_68, %rem3A_70 : vector<16xi32>
      %mul3A_72 = arith.constant 40 : i32
      %mul3A_73 = arith.muli %scan3A_64, %mul3A_72 : i32
      %add3A_74 = vector.broadcast %mul3A_73 : i32 to vector<16xi32>
      %add3A_75 = arith.addi %rem3A_71, %add3A_74 : vector<16xi32>
      tpu.vector_store_idx %arg6[%add3A_75], %broadcast_in_dim3A_5 {add = true} : memref<13120xf32, #tpu.memory_space<vmem>>[vector<16xi32>], vector<16xf32>,
      %scan3A_76 = arith.constant 0 : i32
      %scan3A_77 = arith.constant 4 : i32
      %scan3A_78 = arith.addi %scan3A_23, %scan3A_77 : i32
      %mul3A_79 = arith.constant 16 : i32
      %mul3A_80 = arith.muli %scan3A_78, %mul3A_79 : i32
      %get3A_81 = arith.index_cast %mul3A_80 : i32 to index
      %get3A_82 = tpu.vector_load %arg5[%get3A_81] {strides = array<i32>} : memref<5248xi32, #tpu.memory_space<vmem>>, vector<16xi32>,
      %rem3A_83 = arith.constant 40 : i32
      %rem3A_84 = vector.broadcast %rem3A_83 : i32 to vector<16xi32>
      %rem3A_85 = arith.remsi %get3A_82, %rem3A_84 : vector<16xi32>
      %mul3A_86 = arith.constant 40 : i32
      %mul3A_87 = arith.muli %scan3A_78, %mul3A_86 : i32
      %add3A_88 = vector.broadcast %mul3A_87 : i32 to vector<16xi32>
      %add3A_89 = arith.addi %rem3A_85, %add3A_88 : vector<16xi32>
      tpu.vector_store_idx %arg6[%add3A_89], %broadcast_in_dim3A_5 {add = true} : memref<13120xf32, #tpu.memory_space<vmem>>[vector<16xi32>], vector<16xf32>,
      %scan3A_90 = arith.constant 0 : i32
      %scan3A_91 = arith.constant 5 : i32
      %scan3A_92 = arith.addi %scan3A_23, %scan3A_91 : i32
      %mul3A_93 = arith.constant 16 : i32
      %mul3A_94 = arith.muli %scan3A_92, %mul3A_93 : i32
      %get3A_95 = arith.index_cast %mul3A_94 : i32 to index
      %get3A_96 = tpu.vector_load %arg5[%get3A_95] {strides = array<i32>} : memref<5248xi32, #tpu.memory_space<vmem>>, vector<16xi32>,
      %rem3A_97 = arith.constant 40 : i32
      %rem3A_98 = vector.broadcast %rem3A_97 : i32 to vector<16xi32>
      %rem3A_99 = arith.remsi %get3A_96, %rem3A_98 : vector<16xi32>
      %mul3A_100 = arith.constant 40 : i32
      %mul3A_101 = arith.muli %scan3A_92, %mul3A_100 : i32
      %add3A_102 = vector.broadcast %mul3A_101 : i32 to vector<16xi32>
      %add3A_103 = arith.addi %rem3A_99, %add3A_102 : vector<16xi32>
      tpu.vector_store_idx %arg6[%add3A_103], %broadcast_in_dim3A_5 {add = true} : memref<13120xf32, #tpu.memory_space<vmem>>[vector<16xi32>], vector<16xf32>,
      %scan3A_104 = arith.constant 0 : i32
      %scan3A_105 = arith.constant 6 : i32
      %scan3A_106 = arith.addi %scan3A_23, %scan3A_105 : i32
      %mul3A_107 = arith.constant 16 : i32
      %mul3A_108 = arith.muli %scan3A_106, %mul3A_107 : i32
      %get3A_109 = arith.index_cast %mul3A_108 : i32 to index
      %get3A_110 = tpu.vector_load %arg5[%get3A_109] {strides = array<i32>} : memref<5248xi32, #tpu.memory_space<vmem>>, vector<16xi32>,
      %rem3A_111 = arith.constant 40 : i32
      %rem3A_112 = vector.broadcast %rem3A_111 : i32 to vector<16xi32>
      %rem3A_113 = arith.remsi %get3A_110, %rem3A_112 : vector<16xi32>
      %mul3A_114 = arith.constant 40 : i32
      %mul3A_115 = arith.muli %scan3A_106, %mul3A_114 : i32
      %add3A_116 = vector.broadcast %mul3A_115 : i32 to vector<16xi32>
      %add3A_117 = arith.addi %rem3A_113, %add3A_116 : vector<16xi32>
      tpu.vector_store_idx %arg6[%add3A_117], %broadcast_in_dim3A_5 {add = true} : memref<13120xf32, #tpu.memory_space<vmem>>[vector<16xi32>], vector<16xf32>,
      %scan3A_118 = arith.constant 0 : i32
      %scan3A_119 = arith.constant 7 : i32
      %scan3A_120 = arith.addi %scan3A_23, %scan3A_119 : i32
      %mul3A_121 = arith.constant 16 : i32
      %mul3A_122 = arith.muli %scan3A_120, %mul3A_121 : i32
      %get3A_123 = arith.index_cast %mul3A_122 : i32 to index
      %get3A_124 = tpu.vector_load %arg5[%get3A_123] {strides = array<i32>} : memref<5248xi32, #tpu.memory_space<vmem>>, vector<16xi32>,
      %rem3A_125 = arith.constant 40 : i32
      %rem3A_126 = vector.broadcast %rem3A_125 : i32 to vector<16xi32>
      %rem3A_127 = arith.remsi %get3A_124, %rem3A_126 : vector<16xi32>
      %mul3A_128 = arith.constant 40 : i32
      %mul3A_129 = arith.muli %scan3A_120, %mul3A_128 : i32
      %add3A_130 = vector.broadcast %mul3A_129 : i32 to vector<16xi32>
      %add3A_131 = arith.addi %rem3A_127, %add3A_130 : vector<16xi32>
      tpu.vector_store_idx %arg6[%add3A_131], %broadcast_in_dim3A_5 {add = true} : memref<13120xf32, #tpu.memory_space<vmem>>[vector<16xi32>], vector<16xf32>,
      %scan3A_132 = arith.constant 0 : i32
      scf.yield %scan3A_132 : i32
    }
    %scan3A_11 = arith.constant 312 : i32
    %eq3A = arith.constant 31 : i32
    %eq3A_12 = arith.cmpi eq, %add3A, %eq3A : i32
    %convert_element_type3A = arith.extui %eq3A_12 : i1 to i32
    %cond3A = arith.constant 0 : i32
    %cond3A_13 = arith.cmpi ne, %convert_element_type3A, %cond3A : i32
    scf.if %cond3A_13 {
      %scan3A_23 = arith.constant 0 : i32
      %scan3A_24 = arith.constant 312 : i32
      %scan3A_25 = arith.constant 16 : i32
      %scan3A_26 = arith.addi %scan3A_24, %scan3A_25 : i32
      %scan3A_27 = arith.constant 8 : i32
      %scan3A_28 = scf.for %scan3A_30 = %scan3A_24 to %scan3A_26 step %scan3A_27 iter_args(%scan3A_31 = %scan3A_23) -> (i32)  : i32 {
        %mul3A_32 = arith.constant 16 : i32
        %mul3A_33 = arith.muli %scan3A_30, %mul3A_32 : i32
        %get3A = arith.index_cast %mul3A_33 : i32 to index
        %get3A_34 = tpu.vector_load %arg5[%get3A] {strides = array<i32>} : memref<5248xi32, #tpu.memory_space<vmem>>, vector<16xi32>,
        %rem3A = arith.constant 40 : i32
        %rem3A_35 = vector.broadcast %rem3A : i32 to vector<16xi32>
        %rem3A_36 = arith.remsi %get3A_34, %rem3A_35 : vector<16xi32>
        %mul3A_37 = arith.constant 40 : i32
        %mul3A_38 = arith.muli %scan3A_30, %mul3A_37 : i32
        %add3A_39 = vector.broadcast %mul3A_38 : i32 to vector<16xi32>
        %add3A_40 = arith.addi %rem3A_36, %add3A_39 : vector<16xi32>
        tpu.vector_store_idx %arg6[%add3A_40], %broadcast_in_dim3A_5 {add = true} : memref<13120xf32, #tpu.memory_space<vmem>>[vector<16xi32>], vector<16xf32>,
        %scan3A_41 = arith.constant 0 : i32
        %scan3A_42 = arith.constant 1 : i32
        %scan3A_43 = arith.addi %scan3A_30, %scan3A_42 : i32
        %mul3A_44 = arith.constant 16 : i32
        %mul3A_45 = arith.muli %scan3A_43, %mul3A_44 : i32
        %get3A_46 = arith.index_cast %mul3A_45 : i32 to index
        %get3A_47 = tpu.vector_load %arg5[%get3A_46] {strides = array<i32>} : memref<5248xi32, #tpu.memory_space<vmem>>, vector<16xi32>,
        %rem3A_48 = arith.constant 40 : i32
        %rem3A_49 = vector.broadcast %rem3A_48 : i32 to vector<16xi32>
        %rem3A_50 = arith.remsi %get3A_47, %rem3A_49 : vector<16xi32>
        %mul3A_51 = arith.constant 40 : i32
        %mul3A_52 = arith.muli %scan3A_43, %mul3A_51 : i32
        %add3A_53 = vector.broadcast %mul3A_52 : i32 to vector<16xi32>
        %add3A_54 = arith.addi %rem3A_50, %add3A_53 : vector<16xi32>
        tpu.vector_store_idx %arg6[%add3A_54], %broadcast_in_dim3A_5 {add = true} : memref<13120xf32, #tpu.memory_space<vmem>>[vector<16xi32>], vector<16xf32>,
        %scan3A_55 = arith.constant 0 : i32
        %scan3A_56 = arith.constant 2 : i32
        %scan3A_57 = arith.addi %scan3A_30, %scan3A_56 : i32
        %mul3A_58 = arith.constant 16 : i32
        %mul3A_59 = arith.muli %scan3A_57, %mul3A_58 : i32
        %get3A_60 = arith.index_cast %mul3A_59 : i32 to index
        %get3A_61 = tpu.vector_load %arg5[%get3A_60] {strides = array<i32>} : memref<5248xi32, #tpu.memory_space<vmem>>, vector<16xi32>,
        %rem3A_62 = arith.constant 40 : i32
        %rem3A_63 = vector.broadcast %rem3A_62 : i32 to vector<16xi32>
        %rem3A_64 = arith.remsi %get3A_61, %rem3A_63 : vector<16xi32>
        %mul3A_65 = arith.constant 40 : i32
        %mul3A_66 = arith.muli %scan3A_57, %mul3A_65 : i32
        %add3A_67 = vector.broadcast %mul3A_66 : i32 to vector<16xi32>
        %add3A_68 = arith.addi %rem3A_64, %add3A_67 : vector<16xi32>
        tpu.vector_store_idx %arg6[%add3A_68], %broadcast_in_dim3A_5 {add = true} : memref<13120xf32, #tpu.memory_space<vmem>>[vector<16xi32>], vector<16xf32>,
        %scan3A_69 = arith.constant 0 : i32
        %scan3A_70 = arith.constant 3 : i32
        %scan3A_71 = arith.addi %scan3A_30, %scan3A_70 : i32
        %mul3A_72 = arith.constant 16 : i32
        %mul3A_73 = arith.muli %scan3A_71, %mul3A_72 : i32
        %get3A_74 = arith.index_cast %mul3A_73 : i32 to index
        %get3A_75 = tpu.vector_load %arg5[%get3A_74] {strides = array<i32>} : memref<5248xi32, #tpu.memory_space<vmem>>, vector<16xi32>,
        %rem3A_76 = arith.constant 40 : i32
        %rem3A_77 = vector.broadcast %rem3A_76 : i32 to vector<16xi32>
        %rem3A_78 = arith.remsi %get3A_75, %rem3A_77 : vector<16xi32>
        %mul3A_79 = arith.constant 40 : i32
        %mul3A_80 = arith.muli %scan3A_71, %mul3A_79 : i32
        %add3A_81 = vector.broadcast %mul3A_80 : i32 to vector<16xi32>
        %add3A_82 = arith.addi %rem3A_78, %add3A_81 : vector<16xi32>
        tpu.vector_store_idx %arg6[%add3A_82], %broadcast_in_dim3A_5 {add = true} : memref<13120xf32, #tpu.memory_space<vmem>>[vector<16xi32>], vector<16xf32>,
        %scan3A_83 = arith.constant 0 : i32
        %scan3A_84 = arith.constant 4 : i32
        %scan3A_85 = arith.addi %scan3A_30, %scan3A_84 : i32
        %mul3A_86 = arith.constant 16 : i32
        %mul3A_87 = arith.muli %scan3A_85, %mul3A_86 : i32
        %get3A_88 = arith.index_cast %mul3A_87 : i32 to index
        %get3A_89 = tpu.vector_load %arg5[%get3A_88] {strides = array<i32>} : memref<5248xi32, #tpu.memory_space<vmem>>, vector<16xi32>,
        %rem3A_90 = arith.constant 40 : i32
        %rem3A_91 = vector.broadcast %rem3A_90 : i32 to vector<16xi32>
        %rem3A_92 = arith.remsi %get3A_89, %rem3A_91 : vector<16xi32>
        %mul3A_93 = arith.constant 40 : i32
        %mul3A_94 = arith.muli %scan3A_85, %mul3A_93 : i32
        %add3A_95 = vector.broadcast %mul3A_94 : i32 to vector<16xi32>
        %add3A_96 = arith.addi %rem3A_92, %add3A_95 : vector<16xi32>
        tpu.vector_store_idx %arg6[%add3A_96], %broadcast_in_dim3A_5 {add = true} : memref<13120xf32, #tpu.memory_space<vmem>>[vector<16xi32>], vector<16xf32>,
        %scan3A_97 = arith.constant 0 : i32
        %scan3A_98 = arith.constant 5 : i32
        %scan3A_99 = arith.addi %scan3A_30, %scan3A_98 : i32
        %mul3A_100 = arith.constant 16 : i32
        %mul3A_101 = arith.muli %scan3A_99, %mul3A_100 : i32
        %get3A_102 = arith.index_cast %mul3A_101 : i32 to index
        %get3A_103 = tpu.vector_load %arg5[%get3A_102] {strides = array<i32>} : memref<5248xi32, #tpu.memory_space<vmem>>, vector<16xi32>,
        %rem3A_104 = arith.constant 40 : i32
        %rem3A_105 = vector.broadcast %rem3A_104 : i32 to vector<16xi32>
        %rem3A_106 = arith.remsi %get3A_103, %rem3A_105 : vector<16xi32>
        %mul3A_107 = arith.constant 40 : i32
        %mul3A_108 = arith.muli %scan3A_99, %mul3A_107 : i32
        %add3A_109 = vector.broadcast %mul3A_108 : i32 to vector<16xi32>
        %add3A_110 = arith.addi %rem3A_106, %add3A_109 : vector<16xi32>
        tpu.vector_store_idx %arg6[%add3A_110], %broadcast_in_dim3A_5 {add = true} : memref<13120xf32, #tpu.memory_space<vmem>>[vector<16xi32>], vector<16xf32>,
        %scan3A_111 = arith.constant 0 : i32
        %scan3A_112 = arith.constant 6 : i32
        %scan3A_113 = arith.addi %scan3A_30, %scan3A_112 : i32
        %mul3A_114 = arith.constant 16 : i32
        %mul3A_115 = arith.muli %scan3A_113, %mul3A_114 : i32
        %get3A_116 = arith.index_cast %mul3A_115 : i32 to index
        %get3A_117 = tpu.vector_load %arg5[%get3A_116] {strides = array<i32>} : memref<5248xi32, #tpu.memory_space<vmem>>, vector<16xi32>,
        %rem3A_118 = arith.constant 40 : i32
        %rem3A_119 = vector.broadcast %rem3A_118 : i32 to vector<16xi32>
        %rem3A_120 = arith.remsi %get3A_117, %rem3A_119 : vector<16xi32>
        %mul3A_121 = arith.constant 40 : i32
        %mul3A_122 = arith.muli %scan3A_113, %mul3A_121 : i32
        %add3A_123 = vector.broadcast %mul3A_122 : i32 to vector<16xi32>
        %add3A_124 = arith.addi %rem3A_120, %add3A_123 : vector<16xi32>
        tpu.vector_store_idx %arg6[%add3A_124], %broadcast_in_dim3A_5 {add = true} : memref<13120xf32, #tpu.memory_space<vmem>>[vector<16xi32>], vector<16xf32>,
        %scan3A_125 = arith.constant 0 : i32
        %scan3A_126 = arith.constant 7 : i32
        %scan3A_127 = arith.addi %scan3A_30, %scan3A_126 : i32
        %mul3A_128 = arith.constant 16 : i32
        %mul3A_129 = arith.muli %scan3A_127, %mul3A_128 : i32
        %get3A_130 = arith.index_cast %mul3A_129 : i32 to index
        %get3A_131 = tpu.vector_load %arg5[%get3A_130] {strides = array<i32>} : memref<5248xi32, #tpu.memory_space<vmem>>, vector<16xi32>,
        %rem3A_132 = arith.constant 40 : i32
        %rem3A_133 = vector.broadcast %rem3A_132 : i32 to vector<16xi32>
        %rem3A_134 = arith.remsi %get3A_131, %rem3A_133 : vector<16xi32>
        %mul3A_135 = arith.constant 40 : i32
        %mul3A_136 = arith.muli %scan3A_127, %mul3A_135 : i32
        %add3A_137 = vector.broadcast %mul3A_136 : i32 to vector<16xi32>
        %add3A_138 = arith.addi %rem3A_134, %add3A_137 : vector<16xi32>
        tpu.vector_store_idx %arg6[%add3A_138], %broadcast_in_dim3A_5 {add = true} : memref<13120xf32, #tpu.memory_space<vmem>>[vector<16xi32>], vector<16xf32>,
        %scan3A_139 = arith.constant 0 : i32
        scf.yield %scan3A_139 : i32
      }
      %scan3A_29 = arith.constant 16 : i32
    } else {
    }
    %mul3A_14 = arith.constant 312 : i32
    %mul3A_15 = arith.muli %add3A, %mul3A_14 : i32
    %mul3A_16 = arith.constant 40 : i32
    %mul3A_17 = arith.muli %mul3A_15, %mul3A_16 : i32
    "tpu.region"() ({
      %run_scoped3A_23 = tpu.sem_alloc : memref<!tpu.dma_semaphore, #tpu.memory_space<semaphore_mem>>
      %dma_start3A = arith.constant 0 : i32
      %dma_start3A_24 = tpu.memref_slice %arg6[%dma_start3A] : memref<13120xf32, #tpu.memory_space<vmem>> -> memref<12480xf32, #tpu.memory_space<vmem>>
      %dma_start3A_25 = tpu.memref_slice %arg4[%mul3A_17] : memref<400000xf32, #tpu.memory_space<hbm>> -> memref<12480xf32, #tpu.memory_space<hbm>>
      %dma_start3A_26 = tpu.memref_slice %arg4[%mul3A_17] : memref<400000xf32, #tpu.memory_space<hbm>> -> memref<12480xf32, #tpu.memory_space<hbm>>
      %dma_start3A_27 = arith.constant 0 : i32
      %dma_start3A_28 = tpu.memref_slice %arg6[%dma_start3A_27] : memref<13120xf32, #tpu.memory_space<vmem>> -> memref<12480xf32, #tpu.memory_space<vmem>>
      tpu.enqueue_dma source(%dma_start3A_28 : memref<12480xf32, #tpu.memory_space<vmem>>) target(%dma_start3A_26 : memref<12480xf32, #tpu.memory_space<hbm>>) target_semaphore(%run_scoped3A_23 : memref<!tpu.dma_semaphore, #tpu.memory_space<semaphore_mem>>)
      %dma_wait3A = arith.constant 0 : i32
      %dma_wait3A_29 = tpu.memref_slice %arg6[%dma_wait3A] : memref<13120xf32, #tpu.memory_space<vmem>> -> memref<12480xf32, #tpu.memory_space<vmem>>
      %dma_wait3A_30 = tpu.memref_slice %arg4[%mul3A_17] : memref<400000xf32, #tpu.memory_space<hbm>> -> memref<12480xf32, #tpu.memory_space<hbm>>
      %dma_wait3A_31 = tpu.memref_slice %arg4[%mul3A_17] : memref<400000xf32, #tpu.memory_space<hbm>> -> memref<12480xf32, #tpu.memory_space<hbm>>
      %dma_wait3A_32 = arith.constant 0 : i32
      %dma_wait3A_33 = tpu.memref_slice %arg6[%dma_wait3A_32] : memref<13120xf32, #tpu.memory_space<vmem>> -> memref<12480xf32, #tpu.memory_space<vmem>>
      tpu.wait_dma2 semaphore(%run_scoped3A_23 : memref<!tpu.dma_semaphore, #tpu.memory_space<semaphore_mem>>) src(%dma_wait3A_33 : memref<12480xf32, #tpu.memory_space<vmem>>) dst(%dma_wait3A_31 : memref<12480xf32, #tpu.memory_space<hbm>>)
      tpu.yield
    }) : () -> ()
    %eq3A_18 = arith.constant 31 : i32
    %eq3A_19 = arith.cmpi eq, %add3A, %eq3A_18 : i32
    %convert_element_type3A_20 = arith.extui %eq3A_19 : i1 to i32
    %cond3A_21 = arith.constant 0 : i32
    %cond3A_22 = arith.cmpi ne, %convert_element_type3A_20, %cond3A_21 : i32
    scf.if %cond3A_22 {
      "tpu.region"() ({
        %run_scoped3A_23 = tpu.sem_alloc : memref<!tpu.dma_semaphore, #tpu.memory_space<semaphore_mem>>
        %dma_start3A = arith.constant 12480 : i32
        %dma_start3A_24 = tpu.memref_slice %arg6[%dma_start3A] : memref<13120xf32, #tpu.memory_space<vmem>> -> memref<640xf32, #tpu.memory_space<vmem>>
        %dma_start3A_25 = arith.constant 399360 : i32
        %dma_start3A_26 = tpu.memref_slice %arg4[%dma_start3A_25] : memref<400000xf32, #tpu.memory_space<hbm>> -> memref<640xf32, #tpu.memory_space<hbm>>
        %dma_start3A_27 = arith.constant 399360 : i32
        %dma_start3A_28 = tpu.memref_slice %arg4[%dma_start3A_27] : memref<400000xf32, #tpu.memory_space<hbm>> -> memref<640xf32, #tpu.memory_space<hbm>>
        %dma_start3A_29 = arith.constant 12480 : i32
        %dma_start3A_30 = tpu.memref_slice %arg6[%dma_start3A_29] : memref<13120xf32, #tpu.memory_space<vmem>> -> memref<640xf32, #tpu.memory_space<vmem>>
        tpu.enqueue_dma source(%dma_start3A_30 : memref<640xf32, #tpu.memory_space<vmem>>) target(%dma_start3A_28 : memref<640xf32, #tpu.memory_space<hbm>>) target_semaphore(%run_scoped3A_23 : memref<!tpu.dma_semaphore, #tpu.memory_space<semaphore_mem>>)
        %dma_wait3A = arith.constant 12480 : i32
        %dma_wait3A_31 = tpu.memref_slice %arg6[%dma_wait3A] : memref<13120xf32, #tpu.memory_space<vmem>> -> memref<640xf32, #tpu.memory_space<vmem>>
        %dma_wait3A_32 = arith.constant 399360 : i32
        %dma_wait3A_33 = tpu.memref_slice %arg4[%dma_wait3A_32] : memref<400000xf32, #tpu.memory_space<hbm>> -> memref<640xf32, #tpu.memory_space<hbm>>
        %dma_wait3A_34 = arith.constant 399360 : i32
        %dma_wait3A_35 = tpu.memref_slice %arg4[%dma_wait3A_34] : memref<400000xf32, #tpu.memory_space<hbm>> -> memref<640xf32, #tpu.memory_space<hbm>>
        %dma_wait3A_36 = arith.constant 12480 : i32
        %dma_wait3A_37 = tpu.memref_slice %arg6[%dma_wait3A_36] : memref<13120xf32, #tpu.memory_space<vmem>> -> memref<640xf32, #tpu.memory_space<vmem>>
        tpu.wait_dma2 semaphore(%run_scoped3A_23 : memref<!tpu.dma_semaphore, #tpu.memory_space<semaphore_mem>>) src(%dma_wait3A_37 : memref<640xf32, #tpu.memory_space<vmem>>) dst(%dma_wait3A_35 : memref<640xf32, #tpu.memory_space<hbm>>)
        tpu.yield
      }) : () -> ()
    } else {
    }
    return
  }
}

module attributes {stable_mosaic.version = 14 : i64} {
  func.func @_tc_main_body(%arg0: i32, %arg1: memref<1x1x400xi32, #tpu.memory_space<vmem>>, %arg2: memref<1x400x3xf32, #tpu.memory_space<vmem>>, %arg3: memref<1x3x400xf32, #tpu.memory_space<vmem>>, %arg4: memref<1x400x40xf32, #tpu.memory_space<vmem>>, %arg5: memref<100x128xf32, #tpu.memory_space<vmem>>, %arg6: memref<128x128xf32, #tpu.memory_space<vmem>>, %arg7: memref<768x12xf32, #tpu.memory_space<vmem>>, %arg8: memref<1x12xf32, #tpu.memory_space<vmem>>, %arg9: memref<200x200xf32, #tpu.memory_space<vmem>>, %arg10: memref<5x200xf32, #tpu.memory_space<vmem>>, %arg11: memref<1x10x12xf32, #tpu.memory_space<vmem>>, %arg12: memref<2x200x200xf32, #tpu.memory_space<vmem>>) attributes {dimension_semantics = [#tpu.dimension_semantics<arbitrary>], iteration_bounds = array<i64: 25>, scalar_prefetch = 0 : i64, scratch_operands = 1 : i64, tpu.core_type = #tpu.core_type<tc>, window_params = [{transform_indices = @transform_0, window_bounds = array<i64: 1, 1, 400>}, {transform_indices = @transform_1, window_bounds = array<i64: 1, 400, 3>}, {transform_indices = @transform_2, window_bounds = array<i64: 1, 3, 400>}, {transform_indices = @transform_3, window_bounds = array<i64: 1, 400, 40>}, {pipeline_mode = #tpu.pipeline_mode<synchronous>, transform_indices = @transform_4, window_bounds = array<i64: 100, 128>}, {pipeline_mode = #tpu.pipeline_mode<synchronous>, transform_indices = @transform_5, window_bounds = array<i64: 128, 128>}, {pipeline_mode = #tpu.pipeline_mode<synchronous>, transform_indices = @transform_6, window_bounds = array<i64: 768, 12>}, {pipeline_mode = #tpu.pipeline_mode<synchronous>, transform_indices = @transform_7, window_bounds = array<i64: 1, 12>}, {pipeline_mode = #tpu.pipeline_mode<synchronous>, transform_indices = @transform_8, window_bounds = array<i64: 200, 200>}, {pipeline_mode = #tpu.pipeline_mode<synchronous>, transform_indices = @transform_9, window_bounds = array<i64: 5, 200>}, {transform_indices = @transform_10, window_bounds = array<i64: 1, 10, 12>}]} {
    %get3A = arith.constant 0 : index
    %get3A_0 = arith.constant 0 : index
    %get3A_1 = vector.load %arg5[%get3A, %get3A_0] : memref<100x128xf32, #tpu.memory_space<vmem>>, vector<100x128xf32>
    %get3A_2 = arith.constant 0 : index
    %get3A_3 = arith.constant 0 : index
    %get3A_4 = vector.load %arg6[%get3A_2, %get3A_3] : memref<128x128xf32, #tpu.memory_space<vmem>>, vector<128x128xf32>
    %get3A_5 = arith.constant 0 : index
    %get3A_6 = arith.constant 0 : index
    %get3A_7 = vector.load %arg8[%get3A_5, %get3A_6] : memref<1x12xf32, #tpu.memory_space<vmem>>, vector<1x12xf32>
    %get3A_8 = arith.constant 0 : index
    %get3A_9 = arith.constant 0 : index
    %get3A_10 = vector.load %arg9[%get3A_8, %get3A_9] : memref<200x200xf32, #tpu.memory_space<vmem>>, vector<200x200xf32>
    %iota3A = tpu.iota {dimensions = array<i32: 0>} : vector<100x200xi32>
    %convert_element_type3A = arith.truncf %get3A_1 : vector<100x128xf32> to vector<100x128xbf16>
    %convert_element_type3A_11 = arith.extf %convert_element_type3A : vector<100x128xbf16> to vector<100x128xf32>
    %sub3A = arith.subf %get3A_1, %convert_element_type3A_11 : vector<100x128xf32>
    %convert_element_type3A_12 = arith.truncf %sub3A : vector<100x128xf32> to vector<100x128xbf16>
    %eq3A = arith.constant 0 : i32
    %eq3A_13 = arith.cmpi eq, %arg0, %eq3A : i32
    %convert_element_type3A_14 = arith.extui %eq3A_13 : i1 to i32
    %cond3A = arith.constant 0 : i32
    %cond3A_15 = arith.cmpi ne, %convert_element_type3A_14, %cond3A : i32
    scf.if %cond3A_15 {
      %broadcast_in_dim3A_486 = arith.constant 0.000000e+00 : f32
      %broadcast_in_dim3A_487 = vector.broadcast %broadcast_in_dim3A_486 : f32 to vector<2x200x200xf32>
      %swap3A_488 = arith.constant 0 : index
      %swap3A_489 = arith.constant 0 : index
      %swap3A_490 = arith.constant 0 : index
      %swap3A_491 = vector.load %arg12[%swap3A_488, %swap3A_489, %swap3A_490] : memref<2x200x200xf32, #tpu.memory_space<vmem>>, vector<2x200x200xf32>
      tpu.vector_store %arg12[%swap3A_488, %swap3A_489, %swap3A_490], %broadcast_in_dim3A_487 {strides = array<i32>} : memref<2x200x200xf32, #tpu.memory_space<vmem>>, vector<2x200x200xf32>,
    } else {
    }
    %get3A_16 = arith.constant 0 : index
    %get3A_17 = arith.constant 0 : index
    %get3A_18 = arith.constant 0 : index
    %get3A_19 = vector.load %arg4[%get3A_16, %get3A_17, %get3A_18] : memref<1x400x40xf32, #tpu.memory_space<vmem>>, vector<1x40x40xf32>
    %get3A_20 = vector.shape_cast %get3A_19 : vector<1x40x40xf32> to vector<40x40xf32>
    %swap3A = arith.constant 0 : index
    %swap3A_21 = arith.constant 0 : index
    %swap3A_22 = arith.constant 0 : index
    %swap3A_23 = vector.load %arg12[%swap3A, %swap3A_21, %swap3A_22] : memref<2x200x200xf32, #tpu.memory_space<vmem>>, vector<1x40x40xf32>
    %swap3A_24 = vector.shape_cast %swap3A_23 : vector<1x40x40xf32> to vector<40x40xf32>
    %swap3A_25 = vector.shape_cast %get3A_20 : vector<40x40xf32> to vector<1x40x40xf32>
    tpu.vector_store %arg12[%swap3A, %swap3A_21, %swap3A_22], %swap3A_25 {strides = array<i32>} : memref<2x200x200xf32, #tpu.memory_space<vmem>>, vector<1x40x40xf32>,
    %get3A_26 = arith.constant 0 : index
    %get3A_27 = arith.constant 40 : index
    %get3A_28 = arith.constant 0 : index
    %get3A_29 = vector.load %arg4[%get3A_26, %get3A_27, %get3A_28] : memref<1x400x40xf32, #tpu.memory_space<vmem>>, vector<1x40x40xf32>
    %get3A_30 = vector.shape_cast %get3A_29 : vector<1x40x40xf32> to vector<40x40xf32>
    %swap3A_31 = arith.constant 0 : index
    %swap3A_32 = arith.constant 40 : index
    %swap3A_33 = arith.constant 40 : index
    %swap3A_34 = vector.load %arg12[%swap3A_31, %swap3A_32, %swap3A_33] : memref<2x200x200xf32, #tpu.memory_space<vmem>>, vector<1x40x40xf32>
    %swap3A_35 = vector.shape_cast %swap3A_34 : vector<1x40x40xf32> to vector<40x40xf32>
    %swap3A_36 = vector.shape_cast %get3A_30 : vector<40x40xf32> to vector<1x40x40xf32>
    tpu.vector_store %arg12[%swap3A_31, %swap3A_32, %swap3A_33], %swap3A_36 {strides = array<i32>} : memref<2x200x200xf32, #tpu.memory_space<vmem>>, vector<1x40x40xf32>,
    %get3A_37 = arith.constant 0 : index
    %get3A_38 = arith.constant 80 : index
    %get3A_39 = arith.constant 0 : index
    %get3A_40 = vector.load %arg4[%get3A_37, %get3A_38, %get3A_39] : memref<1x400x40xf32, #tpu.memory_space<vmem>>, vector<1x40x40xf32>
    %get3A_41 = vector.shape_cast %get3A_40 : vector<1x40x40xf32> to vector<40x40xf32>
    %swap3A_42 = arith.constant 0 : index
    %swap3A_43 = arith.constant 80 : index
    %swap3A_44 = arith.constant 80 : index
    %swap3A_45 = vector.load %arg12[%swap3A_42, %swap3A_43, %swap3A_44] : memref<2x200x200xf32, #tpu.memory_space<vmem>>, vector<1x40x40xf32>
    %swap3A_46 = vector.shape_cast %swap3A_45 : vector<1x40x40xf32> to vector<40x40xf32>
    %swap3A_47 = vector.shape_cast %get3A_41 : vector<40x40xf32> to vector<1x40x40xf32>
    tpu.vector_store %arg12[%swap3A_42, %swap3A_43, %swap3A_44], %swap3A_47 {strides = array<i32>} : memref<2x200x200xf32, #tpu.memory_space<vmem>>, vector<1x40x40xf32>,
    %get3A_48 = arith.constant 0 : index
    %get3A_49 = arith.constant 120 : index
    %get3A_50 = arith.constant 0 : index
    %get3A_51 = vector.load %arg4[%get3A_48, %get3A_49, %get3A_50] : memref<1x400x40xf32, #tpu.memory_space<vmem>>, vector<1x40x40xf32>
    %get3A_52 = vector.shape_cast %get3A_51 : vector<1x40x40xf32> to vector<40x40xf32>
    %swap3A_53 = arith.constant 0 : index
    %swap3A_54 = arith.constant 120 : index
    %swap3A_55 = arith.constant 120 : index
    %swap3A_56 = vector.load %arg12[%swap3A_53, %swap3A_54, %swap3A_55] : memref<2x200x200xf32, #tpu.memory_space<vmem>>, vector<1x40x40xf32>
    %swap3A_57 = vector.shape_cast %swap3A_56 : vector<1x40x40xf32> to vector<40x40xf32>
    %swap3A_58 = vector.shape_cast %get3A_52 : vector<40x40xf32> to vector<1x40x40xf32>
    tpu.vector_store %arg12[%swap3A_53, %swap3A_54, %swap3A_55], %swap3A_58 {strides = array<i32>} : memref<2x200x200xf32, #tpu.memory_space<vmem>>, vector<1x40x40xf32>,
    %get3A_59 = arith.constant 0 : index
    %get3A_60 = arith.constant 160 : index
    %get3A_61 = arith.constant 0 : index
    %get3A_62 = vector.load %arg4[%get3A_59, %get3A_60, %get3A_61] : memref<1x400x40xf32, #tpu.memory_space<vmem>>, vector<1x40x40xf32>
    %get3A_63 = vector.shape_cast %get3A_62 : vector<1x40x40xf32> to vector<40x40xf32>
    %swap3A_64 = arith.constant 0 : index
    %swap3A_65 = arith.constant 160 : index
    %swap3A_66 = arith.constant 160 : index
    %swap3A_67 = vector.load %arg12[%swap3A_64, %swap3A_65, %swap3A_66] : memref<2x200x200xf32, #tpu.memory_space<vmem>>, vector<1x40x40xf32>
    %swap3A_68 = vector.shape_cast %swap3A_67 : vector<1x40x40xf32> to vector<40x40xf32>
    %swap3A_69 = vector.shape_cast %get3A_63 : vector<40x40xf32> to vector<1x40x40xf32>
    tpu.vector_store %arg12[%swap3A_64, %swap3A_65, %swap3A_66], %swap3A_69 {strides = array<i32>} : memref<2x200x200xf32, #tpu.memory_space<vmem>>, vector<1x40x40xf32>,
    %get3A_70 = arith.constant 0 : index
    %get3A_71 = arith.constant 200 : index
    %get3A_72 = arith.constant 0 : index
    %get3A_73 = vector.load %arg4[%get3A_70, %get3A_71, %get3A_72] : memref<1x400x40xf32, #tpu.memory_space<vmem>>, vector<1x40x40xf32>
    %get3A_74 = vector.shape_cast %get3A_73 : vector<1x40x40xf32> to vector<40x40xf32>
    %swap3A_75 = arith.constant 1 : index
    %swap3A_76 = arith.constant 0 : index
    %swap3A_77 = arith.constant 0 : index
    %swap3A_78 = vector.load %arg12[%swap3A_75, %swap3A_76, %swap3A_77] : memref<2x200x200xf32, #tpu.memory_space<vmem>>, vector<1x40x40xf32>
    %swap3A_79 = vector.shape_cast %swap3A_78 : vector<1x40x40xf32> to vector<40x40xf32>
    %swap3A_80 = vector.shape_cast %get3A_74 : vector<40x40xf32> to vector<1x40x40xf32>
    tpu.vector_store %arg12[%swap3A_75, %swap3A_76, %swap3A_77], %swap3A_80 {strides = array<i32>} : memref<2x200x200xf32, #tpu.memory_space<vmem>>, vector<1x40x40xf32>,
    %get3A_81 = arith.constant 0 : index
    %get3A_82 = arith.constant 240 : index
    %get3A_83 = arith.constant 0 : index
    %get3A_84 = vector.load %arg4[%get3A_81, %get3A_82, %get3A_83] : memref<1x400x40xf32, #tpu.memory_space<vmem>>, vector<1x40x40xf32>
    %get3A_85 = vector.shape_cast %get3A_84 : vector<1x40x40xf32> to vector<40x40xf32>
    %swap3A_86 = arith.constant 1 : index
    %swap3A_87 = arith.constant 40 : index
    %swap3A_88 = arith.constant 40 : index
    %swap3A_89 = vector.load %arg12[%swap3A_86, %swap3A_87, %swap3A_88] : memref<2x200x200xf32, #tpu.memory_space<vmem>>, vector<1x40x40xf32>
    %swap3A_90 = vector.shape_cast %swap3A_89 : vector<1x40x40xf32> to vector<40x40xf32>
    %swap3A_91 = vector.shape_cast %get3A_85 : vector<40x40xf32> to vector<1x40x40xf32>
    tpu.vector_store %arg12[%swap3A_86, %swap3A_87, %swap3A_88], %swap3A_91 {strides = array<i32>} : memref<2x200x200xf32, #tpu.memory_space<vmem>>, vector<1x40x40xf32>,
    %get3A_92 = arith.constant 0 : index
    %get3A_93 = arith.constant 280 : index
    %get3A_94 = arith.constant 0 : index
    %get3A_95 = vector.load %arg4[%get3A_92, %get3A_93, %get3A_94] : memref<1x400x40xf32, #tpu.memory_space<vmem>>, vector<1x40x40xf32>
    %get3A_96 = vector.shape_cast %get3A_95 : vector<1x40x40xf32> to vector<40x40xf32>
    %swap3A_97 = arith.constant 1 : index
    %swap3A_98 = arith.constant 80 : index
    %swap3A_99 = arith.constant 80 : index
    %swap3A_100 = vector.load %arg12[%swap3A_97, %swap3A_98, %swap3A_99] : memref<2x200x200xf32, #tpu.memory_space<vmem>>, vector<1x40x40xf32>
    %swap3A_101 = vector.shape_cast %swap3A_100 : vector<1x40x40xf32> to vector<40x40xf32>
    %swap3A_102 = vector.shape_cast %get3A_96 : vector<40x40xf32> to vector<1x40x40xf32>
    tpu.vector_store %arg12[%swap3A_97, %swap3A_98, %swap3A_99], %swap3A_102 {strides = array<i32>} : memref<2x200x200xf32, #tpu.memory_space<vmem>>, vector<1x40x40xf32>,
    %get3A_103 = arith.constant 0 : index
    %get3A_104 = arith.constant 320 : index
    %get3A_105 = arith.constant 0 : index
    %get3A_106 = vector.load %arg4[%get3A_103, %get3A_104, %get3A_105] : memref<1x400x40xf32, #tpu.memory_space<vmem>>, vector<1x40x40xf32>
    %get3A_107 = vector.shape_cast %get3A_106 : vector<1x40x40xf32> to vector<40x40xf32>
    %swap3A_108 = arith.constant 1 : index
    %swap3A_109 = arith.constant 120 : index
    %swap3A_110 = arith.constant 120 : index
    %swap3A_111 = vector.load %arg12[%swap3A_108, %swap3A_109, %swap3A_110] : memref<2x200x200xf32, #tpu.memory_space<vmem>>, vector<1x40x40xf32>
    %swap3A_112 = vector.shape_cast %swap3A_111 : vector<1x40x40xf32> to vector<40x40xf32>
    %swap3A_113 = vector.shape_cast %get3A_107 : vector<40x40xf32> to vector<1x40x40xf32>
    tpu.vector_store %arg12[%swap3A_108, %swap3A_109, %swap3A_110], %swap3A_113 {strides = array<i32>} : memref<2x200x200xf32, #tpu.memory_space<vmem>>, vector<1x40x40xf32>,
    %get3A_114 = arith.constant 0 : index
    %get3A_115 = arith.constant 360 : index
    %get3A_116 = arith.constant 0 : index
    %get3A_117 = vector.load %arg4[%get3A_114, %get3A_115, %get3A_116] : memref<1x400x40xf32, #tpu.memory_space<vmem>>, vector<1x40x40xf32>
    %get3A_118 = vector.shape_cast %get3A_117 : vector<1x40x40xf32> to vector<40x40xf32>
    %swap3A_119 = arith.constant 1 : index
    %swap3A_120 = arith.constant 160 : index
    %swap3A_121 = arith.constant 160 : index
    %swap3A_122 = vector.load %arg12[%swap3A_119, %swap3A_120, %swap3A_121] : memref<2x200x200xf32, #tpu.memory_space<vmem>>, vector<1x40x40xf32>
    %swap3A_123 = vector.shape_cast %swap3A_122 : vector<1x40x40xf32> to vector<40x40xf32>
    %swap3A_124 = vector.shape_cast %get3A_118 : vector<40x40xf32> to vector<1x40x40xf32>
    tpu.vector_store %arg12[%swap3A_119, %swap3A_120, %swap3A_121], %swap3A_124 {strides = array<i32>} : memref<2x200x200xf32, #tpu.memory_space<vmem>>, vector<1x40x40xf32>,
    %get3A_125 = arith.constant 0 : index
    %get3A_126 = arith.constant 0 : index
    %get3A_127 = arith.constant 0 : index
    %get3A_128 = vector.load %arg12[%get3A_125, %get3A_126, %get3A_127] : memref<2x200x200xf32, #tpu.memory_space<vmem>>, vector<1x200x200xf32>
    %get3A_129 = vector.shape_cast %get3A_128 : vector<1x200x200xf32> to vector<200x200xf32>
    %get3A_130 = arith.constant 0 : index
    %get3A_131 = arith.constant 0 : index
    %get3A_132 = arith.constant 0 : index
    %get3A_133 = vector.load %arg1[%get3A_130, %get3A_131, %get3A_132] : memref<1x1x400xi32, #tpu.memory_space<vmem>>, vector<1x1x200xi32>
    %get3A_134 = vector.shape_cast %get3A_133 : vector<1x1x200xi32> to vector<1x200xi32>
    %broadcast_in_dim3A = vector.shape_cast %get3A_134 : vector<1x200xi32> to vector<1x200xi32>
    %broadcast_in_dim3A_135 = vector.broadcast %broadcast_in_dim3A : vector<1x200xi32> to vector<100x200xi32>
    %eq3A_136 = arith.cmpi eq, %broadcast_in_dim3A_135, %iota3A : vector<100x200xi32>
    %convert_element_type3A_137 = arith.extui %eq3A_136 : vector<100x200xi1> to vector<100x200xi32>
    %convert_element_type3A_138 = arith.sitofp %convert_element_type3A_137 : vector<100x200xi32> to vector<100x200xf32>
    %convert_element_type3A_139 = arith.truncf %convert_element_type3A_138 : vector<100x200xf32> to vector<100x200xbf16>
    %dot_general3A = arith.constant dense<0.000000e+00> : vector<200x128xf32>
    %dot_general3A_140 = tpu.matmul %convert_element_type3A_139, %convert_element_type3A, %dot_general3A {dimension_numbers = #tpu.dot_dimension_numbers<[0], [0], [1], [1], [0, 1, 1, 1], [], []>, transpose_lhs_hint = false} : vector<100x200xbf16>, vector<100x128xbf16>, vector<200x128xf32> -> vector<200x128xf32>
    %dot_general3A_141 = arith.constant dense<0.000000e+00> : vector<200x128xf32>
    %dot_general3A_142 = tpu.matmul %convert_element_type3A_139, %convert_element_type3A_12, %dot_general3A_141 {dimension_numbers = #tpu.dot_dimension_numbers<[0], [0], [1], [1], [0, 1, 1, 1], [], []>, transpose_lhs_hint = false} : vector<100x200xbf16>, vector<100x128xbf16>, vector<200x128xf32> -> vector<200x128xf32>
    %add3A = arith.addf %dot_general3A_140, %dot_general3A_142 : vector<200x128xf32>
    %get3A_143 = arith.constant 0 : index
    %get3A_144 = arith.constant 0 : index
    %get3A_145 = arith.constant 0 : index
    %get3A_146 = vector.load %arg2[%get3A_143, %get3A_144, %get3A_145] : memref<1x400x3xf32, #tpu.memory_space<vmem>>, vector<1x200x3xf32>
    %get3A_147 = vector.shape_cast %get3A_146 : vector<1x200x3xf32> to vector<200x3xf32>
    %get3A_148 = arith.constant 0 : index
    %get3A_149 = arith.constant 0 : index
    %get3A_150 = arith.constant 0 : index
    %get3A_151 = vector.load %arg3[%get3A_148, %get3A_149, %get3A_150] : memref<1x3x400xf32, #tpu.memory_space<vmem>>, vector<1x3x200xf32>
    %get3A_152 = vector.shape_cast %get3A_151 : vector<1x3x200xf32> to vector<3x200xf32>
    %slice3A = vector.extract_strided_slice %get3A_147 {offsets = [0, 0], sizes = [200, 1], strides = [1, 1]} : vector<200x3xf32> to vector<200x1xf32>
    %slice3A_153 = vector.extract_strided_slice %get3A_152 {offsets = [0, 0], sizes = [1, 200], strides = [1, 1]} : vector<3x200xf32> to vector<1x200xf32>
    %sub3A_154 = vector.broadcast %slice3A : vector<200x1xf32> to vector<200x200xf32>
    %sub3A_155 = vector.broadcast %slice3A_153 : vector<1x200xf32> to vector<200x200xf32>
    %sub3A_156 = arith.subf %sub3A_154, %sub3A_155 : vector<200x200xf32>
    %slice3A_157 = vector.extract_strided_slice %get3A_147 {offsets = [0, 1], sizes = [200, 1], strides = [1, 1]} : vector<200x3xf32> to vector<200x1xf32>
    %slice3A_158 = vector.extract_strided_slice %get3A_152 {offsets = [1, 0], sizes = [1, 200], strides = [1, 1]} : vector<3x200xf32> to vector<1x200xf32>
    %sub3A_159 = vector.broadcast %slice3A_157 : vector<200x1xf32> to vector<200x200xf32>
    %sub3A_160 = vector.broadcast %slice3A_158 : vector<1x200xf32> to vector<200x200xf32>
    %sub3A_161 = arith.subf %sub3A_159, %sub3A_160 : vector<200x200xf32>
    %slice3A_162 = vector.extract_strided_slice %get3A_147 {offsets = [0, 2], sizes = [200, 1], strides = [1, 1]} : vector<200x3xf32> to vector<200x1xf32>
    %slice3A_163 = vector.extract_strided_slice %get3A_152 {offsets = [2, 0], sizes = [1, 200], strides = [1, 1]} : vector<3x200xf32> to vector<1x200xf32>
    %sub3A_164 = vector.broadcast %slice3A_162 : vector<200x1xf32> to vector<200x200xf32>
    %sub3A_165 = vector.broadcast %slice3A_163 : vector<1x200xf32> to vector<200x200xf32>
    %sub3A_166 = arith.subf %sub3A_164, %sub3A_165 : vector<200x200xf32>
    %mul3A = arith.mulf %sub3A_156, %sub3A_156 : vector<200x200xf32>
    %mul3A_167 = arith.mulf %sub3A_161, %sub3A_161 : vector<200x200xf32>
    %add3A_168 = arith.addf %mul3A, %mul3A_167 : vector<200x200xf32>
    %mul3A_169 = arith.mulf %sub3A_166, %sub3A_166 : vector<200x200xf32>
    %add3A_170 = arith.addf %add3A_168, %mul3A_169 : vector<200x200xf32>
    %min3A = arith.constant 2.500000e+01 : f32
    %min3A_171 = vector.broadcast %min3A : f32 to vector<200x200xf32>
    %min3A_172 = arith.minimumf %add3A_170, %min3A_171 : vector<200x200xf32>
    %mul3A_173 = arith.constant 3.26407542E-12 : f32
    %mul3A_174 = vector.broadcast %mul3A_173 : f32 to vector<200x200xf32>
    %mul3A_175 = arith.mulf %min3A_172, %mul3A_174 : vector<200x200xf32>
    %add3A_176 = arith.constant -1.29820832E-9 : f32
    %add3A_177 = vector.broadcast %add3A_176 : f32 to vector<200x200xf32>
    %add3A_178 = arith.addf %add3A_177, %mul3A_175 : vector<200x200xf32>
    %mul3A_179 = arith.mulf %min3A_172, %add3A_178 : vector<200x200xf32>
    %add3A_180 = arith.constant 3.00828077E-7 : f32
    %add3A_181 = vector.broadcast %add3A_180 : f32 to vector<200x200xf32>
    %add3A_182 = arith.addf %add3A_181, %mul3A_179 : vector<200x200xf32>
    %mul3A_183 = arith.mulf %min3A_172, %add3A_182 : vector<200x200xf32>
    %add3A_184 = arith.constant -4.27248524E-5 : f32
    %add3A_185 = vector.broadcast %add3A_184 : f32 to vector<200x200xf32>
    %add3A_186 = arith.addf %add3A_185, %mul3A_183 : vector<200x200xf32>
    %mul3A_187 = arith.mulf %min3A_172, %add3A_186 : vector<200x200xf32>
    %add3A_188 = arith.constant 0.00324695394 : f32
    %add3A_189 = vector.broadcast %add3A_188 : f32 to vector<200x200xf32>
    %add3A_190 = arith.addf %add3A_189, %mul3A_187 : vector<200x200xf32>
    %mul3A_191 = arith.mulf %min3A_172, %add3A_190 : vector<200x200xf32>
    %add3A_192 = arith.constant -0.0986960083 : f32
    %add3A_193 = vector.broadcast %add3A_192 : f32 to vector<200x200xf32>
    %add3A_194 = arith.addf %add3A_193, %mul3A_191 : vector<200x200xf32>
    %mul3A_195 = arith.mulf %min3A_172, %add3A_194 : vector<200x200xf32>
    %add3A_196 = arith.constant 1.000000e+00 : f32
    %add3A_197 = vector.broadcast %add3A_196 : f32 to vector<200x200xf32>
    %add3A_198 = arith.addf %add3A_197, %mul3A_195 : vector<200x200xf32>
    %mul3A_199 = arith.mulf %get3A_129, %add3A_198 : vector<200x200xf32>
    %dot_general3A_200 = arith.constant dense<0.000000e+00> : vector<200x128xf32>
    %dot_general3A_201 = tpu.matmul %mul3A_199, %add3A, %dot_general3A_200 {dimension_numbers = #tpu.dot_dimension_numbers<[0], [0], [1], [1], [0, 1, 1, 1], [], []>, precision = #tpu.contract_precision<fp32>, transpose_lhs_hint = false} : vector<200x200xf32>, vector<200x128xf32>, vector<200x128xf32> -> vector<200x128xf32>
    %dot_general3A_202 = arith.constant dense<0.000000e+00> : vector<200x128xf32>
    %dot_general3A_203 = tpu.matmul %dot_general3A_201, %get3A_4, %dot_general3A_202 {dimension_numbers = #tpu.dot_dimension_numbers<[1], [0], [0], [1], [0, 0, 1, 1], [], []>, precision = #tpu.contract_precision<fp32>, transpose_lhs_hint = false} : vector<200x128xf32>, vector<128x128xf32>, vector<200x128xf32> -> vector<200x128xf32>
    %add3A_204 = arith.addf %add3A, %dot_general3A_203 : vector<200x128xf32>
    %logistic3A = arith.negf %add3A_204 : vector<200x128xf32>
    %logistic3A_205 = math.exp %logistic3A : vector<200x128xf32>
    %logistic3A_206 = arith.constant 1.000000e+00 : f32
    %logistic3A_207 = vector.broadcast %logistic3A_206 : f32 to vector<200x128xf32>
    %logistic3A_208 = arith.addf %logistic3A_207, %logistic3A_205 : vector<200x128xf32>
    %logistic3A_209 = arith.divf %logistic3A_207, %logistic3A_208 : vector<200x128xf32>
    %mul3A_210 = arith.mulf %add3A_204, %logistic3A_209 : vector<200x128xf32>
    %convert_element_type3A_211 = arith.truncf %get3A_129 : vector<200x200xf32> to vector<200x200xbf16>
    %convert_element_type3A_212 = arith.truncf %get3A_10 : vector<200x200xf32> to vector<200x200xbf16>
    %dot_general3A_213 = arith.constant dense<0.000000e+00> : vector<200x200xf32>
    %dot_general3A_214 = tpu.matmul %convert_element_type3A_211, %convert_element_type3A_212, %dot_general3A_213 {dimension_numbers = #tpu.dot_dimension_numbers<[0], [0], [1], [1], [0, 1, 1, 1], [], []>, transpose_lhs_hint = false} : vector<200x200xbf16>, vector<200x200xbf16>, vector<200x200xf32> -> vector<200x200xf32>
    %add3A_215 = arith.addf %get3A_129, %dot_general3A_214 : vector<200x200xf32>
    %gt3A = arith.constant 0.000000e+00 : f32
    %gt3A_216 = vector.broadcast %gt3A : f32 to vector<200x200xf32>
    %gt3A_217 = arith.cmpf ogt, %add3A_215, %gt3A_216 : vector<200x200xf32>
    %convert_element_type3A_218 = arith.extui %gt3A_217 : vector<200x200xi1> to vector<200x200xi32>
    %convert_element_type3A_219 = arith.sitofp %convert_element_type3A_218 : vector<200x200xi32> to vector<200x200xf32>
    %convert_element_type3A_220 = arith.truncf %convert_element_type3A_219 : vector<200x200xf32> to vector<200x200xbf16>
    %convert_element_type3A_221 = arith.truncf %mul3A_210 : vector<200x128xf32> to vector<200x128xbf16>
    %convert_element_type3A_222 = arith.extf %convert_element_type3A_221 : vector<200x128xbf16> to vector<200x128xf32>
    %sub3A_223 = arith.subf %mul3A_210, %convert_element_type3A_222 : vector<200x128xf32>
    %convert_element_type3A_224 = arith.truncf %sub3A_223 : vector<200x128xf32> to vector<200x128xbf16>
    %reshape3A = vector.shape_cast %mul3A_210 : vector<200x128xf32> to vector<5x40x128xf32>
    %reduce_sum3A = arith.constant dense<0.000000e+00> : vector<5x128xf32>
    %reduce_sum3A_225 = vector.multi_reduction <add>, %reshape3A, %reduce_sum3A [1] : vector<5x40x128xf32> to vector<5x128xf32>
    %dot_general3A_226 = arith.constant dense<0.000000e+00> : vector<200x128xf32>
    %dot_general3A_227 = tpu.matmul %convert_element_type3A_220, %convert_element_type3A_221, %dot_general3A_226 {dimension_numbers = #tpu.dot_dimension_numbers<[1], [0], [0], [1], [0, 0, 1, 1], [], []>, transpose_lhs_hint = false} : vector<200x200xbf16>, vector<200x128xbf16>, vector<200x128xf32> -> vector<200x128xf32>
    %dot_general3A_228 = arith.constant dense<0.000000e+00> : vector<200x128xf32>
    %dot_general3A_229 = tpu.matmul %convert_element_type3A_220, %convert_element_type3A_224, %dot_general3A_228 {dimension_numbers = #tpu.dot_dimension_numbers<[1], [0], [0], [1], [0, 0, 1, 1], [], []>, transpose_lhs_hint = false} : vector<200x200xbf16>, vector<200x128xbf16>, vector<200x128xf32> -> vector<200x128xf32>
    %add3A_230 = arith.addf %dot_general3A_227, %dot_general3A_229 : vector<200x128xf32>
    %mul3A_231 = arith.mulf %add3A_230, %mul3A_210 : vector<200x128xf32>
    %convert_element_type3A_232 = arith.truncf %mul3A_231 : vector<200x128xf32> to vector<200x128xbf16>
    %convert_element_type3A_233 = arith.extf %convert_element_type3A_232 : vector<200x128xbf16> to vector<200x128xf32>
    %sub3A_234 = arith.subf %mul3A_231, %convert_element_type3A_233 : vector<200x128xf32>
    %convert_element_type3A_235 = arith.truncf %sub3A_234 : vector<200x128xf32> to vector<200x128xbf16>
    %reshape3A_236 = vector.shape_cast %mul3A_231 : vector<200x128xf32> to vector<5x40x128xf32>
    %reduce_sum3A_237 = arith.constant dense<0.000000e+00> : vector<5x128xf32>
    %reduce_sum3A_238 = vector.multi_reduction <add>, %reshape3A_236, %reduce_sum3A_237 [1] : vector<5x40x128xf32> to vector<5x128xf32>
    %dot_general3A_239 = arith.constant dense<0.000000e+00> : vector<200x128xf32>
    %dot_general3A_240 = tpu.matmul %convert_element_type3A_220, %convert_element_type3A_232, %dot_general3A_239 {dimension_numbers = #tpu.dot_dimension_numbers<[1], [0], [0], [1], [0, 0, 1, 1], [], []>, transpose_lhs_hint = false} : vector<200x200xbf16>, vector<200x128xbf16>, vector<200x128xf32> -> vector<200x128xf32>
    %dot_general3A_241 = arith.constant dense<0.000000e+00> : vector<200x128xf32>
    %dot_general3A_242 = tpu.matmul %convert_element_type3A_220, %convert_element_type3A_235, %dot_general3A_241 {dimension_numbers = #tpu.dot_dimension_numbers<[1], [0], [0], [1], [0, 0, 1, 1], [], []>, transpose_lhs_hint = false} : vector<200x200xbf16>, vector<200x128xbf16>, vector<200x128xf32> -> vector<200x128xf32>
    %add3A_243 = arith.addf %dot_general3A_240, %dot_general3A_242 : vector<200x128xf32>
    %mul3A_244 = arith.mulf %add3A_243, %mul3A_210 : vector<200x128xf32>
    %convert_element_type3A_245 = arith.truncf %mul3A_244 : vector<200x128xf32> to vector<200x128xbf16>
    %convert_element_type3A_246 = arith.extf %convert_element_type3A_245 : vector<200x128xbf16> to vector<200x128xf32>
    %sub3A_247 = arith.subf %mul3A_244, %convert_element_type3A_246 : vector<200x128xf32>
    %convert_element_type3A_248 = arith.truncf %sub3A_247 : vector<200x128xf32> to vector<200x128xbf16>
    %reshape3A_249 = vector.shape_cast %mul3A_244 : vector<200x128xf32> to vector<5x40x128xf32>
    %reduce_sum3A_250 = arith.constant dense<0.000000e+00> : vector<5x128xf32>
    %reduce_sum3A_251 = vector.multi_reduction <add>, %reshape3A_249, %reduce_sum3A_250 [1] : vector<5x40x128xf32> to vector<5x128xf32>
    %dot_general3A_252 = arith.constant dense<0.000000e+00> : vector<200x128xf32>
    %dot_general3A_253 = tpu.matmul %convert_element_type3A_220, %convert_element_type3A_245, %dot_general3A_252 {dimension_numbers = #tpu.dot_dimension_numbers<[1], [0], [0], [1], [0, 0, 1, 1], [], []>, transpose_lhs_hint = false} : vector<200x200xbf16>, vector<200x128xbf16>, vector<200x128xf32> -> vector<200x128xf32>
    %dot_general3A_254 = arith.constant dense<0.000000e+00> : vector<200x128xf32>
    %dot_general3A_255 = tpu.matmul %convert_element_type3A_220, %convert_element_type3A_248, %dot_general3A_254 {dimension_numbers = #tpu.dot_dimension_numbers<[1], [0], [0], [1], [0, 0, 1, 1], [], []>, transpose_lhs_hint = false} : vector<200x200xbf16>, vector<200x128xbf16>, vector<200x128xf32> -> vector<200x128xf32>
    %add3A_256 = arith.addf %dot_general3A_253, %dot_general3A_255 : vector<200x128xf32>
    %mul3A_257 = arith.mulf %add3A_256, %mul3A_210 : vector<200x128xf32>
    %convert_element_type3A_258 = arith.truncf %mul3A_257 : vector<200x128xf32> to vector<200x128xbf16>
    %convert_element_type3A_259 = arith.extf %convert_element_type3A_258 : vector<200x128xbf16> to vector<200x128xf32>
    %sub3A_260 = arith.subf %mul3A_257, %convert_element_type3A_259 : vector<200x128xf32>
    %convert_element_type3A_261 = arith.truncf %sub3A_260 : vector<200x128xf32> to vector<200x128xbf16>
    %reshape3A_262 = vector.shape_cast %mul3A_257 : vector<200x128xf32> to vector<5x40x128xf32>
    %reduce_sum3A_263 = arith.constant dense<0.000000e+00> : vector<5x128xf32>
    %reduce_sum3A_264 = vector.multi_reduction <add>, %reshape3A_262, %reduce_sum3A_263 [1] : vector<5x40x128xf32> to vector<5x128xf32>
    %dot_general3A_265 = arith.constant dense<0.000000e+00> : vector<200x128xf32>
    %dot_general3A_266 = tpu.matmul %convert_element_type3A_220, %convert_element_type3A_258, %dot_general3A_265 {dimension_numbers = #tpu.dot_dimension_numbers<[1], [0], [0], [1], [0, 0, 1, 1], [], []>, transpose_lhs_hint = false} : vector<200x200xbf16>, vector<200x128xbf16>, vector<200x128xf32> -> vector<200x128xf32>
    %dot_general3A_267 = arith.constant dense<0.000000e+00> : vector<200x128xf32>
    %dot_general3A_268 = tpu.matmul %convert_element_type3A_220, %convert_element_type3A_261, %dot_general3A_267 {dimension_numbers = #tpu.dot_dimension_numbers<[1], [0], [0], [1], [0, 0, 1, 1], [], []>, transpose_lhs_hint = false} : vector<200x200xbf16>, vector<200x128xbf16>, vector<200x128xf32> -> vector<200x128xf32>
    %add3A_269 = arith.addf %dot_general3A_266, %dot_general3A_268 : vector<200x128xf32>
    %mul3A_270 = arith.mulf %add3A_269, %mul3A_210 : vector<200x128xf32>
    %convert_element_type3A_271 = arith.truncf %mul3A_270 : vector<200x128xf32> to vector<200x128xbf16>
    %convert_element_type3A_272 = arith.extf %convert_element_type3A_271 : vector<200x128xbf16> to vector<200x128xf32>
    %sub3A_273 = arith.subf %mul3A_270, %convert_element_type3A_272 : vector<200x128xf32>
    %convert_element_type3A_274 = arith.truncf %sub3A_273 : vector<200x128xf32> to vector<200x128xbf16>
    %reshape3A_275 = vector.shape_cast %mul3A_270 : vector<200x128xf32> to vector<5x40x128xf32>
    %reduce_sum3A_276 = arith.constant dense<0.000000e+00> : vector<5x128xf32>
    %reduce_sum3A_277 = vector.multi_reduction <add>, %reshape3A_275, %reduce_sum3A_276 [1] : vector<5x40x128xf32> to vector<5x128xf32>
    %dot_general3A_278 = arith.constant dense<0.000000e+00> : vector<200x128xf32>
    %dot_general3A_279 = tpu.matmul %convert_element_type3A_220, %convert_element_type3A_271, %dot_general3A_278 {dimension_numbers = #tpu.dot_dimension_numbers<[1], [0], [0], [1], [0, 0, 1, 1], [], []>, transpose_lhs_hint = false} : vector<200x200xbf16>, vector<200x128xbf16>, vector<200x128xf32> -> vector<200x128xf32>
    %dot_general3A_280 = arith.constant dense<0.000000e+00> : vector<200x128xf32>
    %dot_general3A_281 = tpu.matmul %convert_element_type3A_220, %convert_element_type3A_274, %dot_general3A_280 {dimension_numbers = #tpu.dot_dimension_numbers<[1], [0], [0], [1], [0, 0, 1, 1], [], []>, transpose_lhs_hint = false} : vector<200x200xbf16>, vector<200x128xbf16>, vector<200x128xf32> -> vector<200x128xf32>
    %add3A_282 = arith.addf %dot_general3A_279, %dot_general3A_281 : vector<200x128xf32>
    %mul3A_283 = arith.mulf %add3A_282, %mul3A_210 : vector<200x128xf32>
    %reshape3A_284 = vector.shape_cast %mul3A_283 : vector<200x128xf32> to vector<5x40x128xf32>
    %reduce_sum3A_285 = arith.constant dense<0.000000e+00> : vector<5x128xf32>
    %reduce_sum3A_286 = vector.multi_reduction <add>, %reshape3A_284, %reduce_sum3A_285 [1] : vector<5x40x128xf32> to vector<5x128xf32>
    %concatenate3A = tpu.concatenate %reduce_sum3A_225, %reduce_sum3A_238, %reduce_sum3A_251, %reduce_sum3A_264, %reduce_sum3A_277, %reduce_sum3A_286 in 1 : vector<5x128xf32>, vector<5x128xf32>, vector<5x128xf32>, vector<5x128xf32>, vector<5x128xf32>, vector<5x128xf32> -> vector<5x768xf32>
    %get3A_287 = arith.constant 0 : index
    %get3A_288 = arith.constant 0 : index
    %get3A_289 = vector.load %arg7[%get3A_287, %get3A_288] : memref<768x12xf32, #tpu.memory_space<vmem>>, vector<768x12xf32>
    %dot_general3A_290 = arith.constant dense<0.000000e+00> : vector<5x12xf32>
    %dot_general3A_291 = tpu.matmul %concatenate3A, %get3A_289, %dot_general3A_290 {dimension_numbers = #tpu.dot_dimension_numbers<[1], [0], [0], [1], [0, 0, 1, 1], [], []>, precision = #tpu.contract_precision<fp32>, transpose_lhs_hint = false} : vector<5x768xf32>, vector<768x12xf32>, vector<5x12xf32> -> vector<5x12xf32>
    %add3A_292 = vector.broadcast %get3A_7 : vector<1x12xf32> to vector<5x12xf32>
    %add3A_293 = arith.addf %add3A_292, %dot_general3A_291 : vector<5x12xf32>
    %swap3A_294 = arith.constant 0 : index
    %swap3A_295 = arith.constant 0 : index
    %swap3A_296 = arith.constant 0 : index
    %swap3A_297 = vector.load %arg11[%swap3A_294, %swap3A_295, %swap3A_296] : memref<1x10x12xf32, #tpu.memory_space<vmem>>, vector<1x5x12xf32>
    %swap3A_298 = vector.shape_cast %swap3A_297 : vector<1x5x12xf32> to vector<5x12xf32>
    %swap3A_299 = vector.shape_cast %add3A_293 : vector<5x12xf32> to vector<1x5x12xf32>
    tpu.vector_store %arg11[%swap3A_294, %swap3A_295, %swap3A_296], %swap3A_299 {strides = array<i32>} : memref<1x10x12xf32, #tpu.memory_space<vmem>>, vector<1x5x12xf32>,
    %get3A_300 = arith.constant 1 : index
    %get3A_301 = arith.constant 0 : index
    %get3A_302 = arith.constant 0 : index
    %get3A_303 = vector.load %arg12[%get3A_300, %get3A_301, %get3A_302] : memref<2x200x200xf32, #tpu.memory_space<vmem>>, vector<1x200x200xf32>
    %get3A_304 = vector.shape_cast %get3A_303 : vector<1x200x200xf32> to vector<200x200xf32>
    %get3A_305 = arith.constant 0 : index
    %get3A_306 = arith.constant 0 : index
    %get3A_307 = arith.constant 200 : index
    %get3A_308 = vector.load %arg1[%get3A_305, %get3A_306, %get3A_307] : memref<1x1x400xi32, #tpu.memory_space<vmem>>, vector<1x1x200xi32>
    %get3A_309 = vector.shape_cast %get3A_308 : vector<1x1x200xi32> to vector<1x200xi32>
    %broadcast_in_dim3A_310 = vector.shape_cast %get3A_309 : vector<1x200xi32> to vector<1x200xi32>
    %broadcast_in_dim3A_311 = vector.broadcast %broadcast_in_dim3A_310 : vector<1x200xi32> to vector<100x200xi32>
    %eq3A_312 = arith.cmpi eq, %broadcast_in_dim3A_311, %iota3A : vector<100x200xi32>
    %convert_element_type3A_313 = arith.extui %eq3A_312 : vector<100x200xi1> to vector<100x200xi32>
    %convert_element_type3A_314 = arith.sitofp %convert_element_type3A_313 : vector<100x200xi32> to vector<100x200xf32>
    %convert_element_type3A_315 = arith.truncf %convert_element_type3A_314 : vector<100x200xf32> to vector<100x200xbf16>
    %dot_general3A_316 = arith.constant dense<0.000000e+00> : vector<200x128xf32>
    %dot_general3A_317 = tpu.matmul %convert_element_type3A_315, %convert_element_type3A, %dot_general3A_316 {dimension_numbers = #tpu.dot_dimension_numbers<[0], [0], [1], [1], [0, 1, 1, 1], [], []>, transpose_lhs_hint = false} : vector<100x200xbf16>, vector<100x128xbf16>, vector<200x128xf32> -> vector<200x128xf32>
    %dot_general3A_318 = arith.constant dense<0.000000e+00> : vector<200x128xf32>
    %dot_general3A_319 = tpu.matmul %convert_element_type3A_315, %convert_element_type3A_12, %dot_general3A_318 {dimension_numbers = #tpu.dot_dimension_numbers<[0], [0], [1], [1], [0, 1, 1, 1], [], []>, transpose_lhs_hint = false} : vector<100x200xbf16>, vector<100x128xbf16>, vector<200x128xf32> -> vector<200x128xf32>
    %add3A_320 = arith.addf %dot_general3A_317, %dot_general3A_319 : vector<200x128xf32>
    %get3A_321 = arith.constant 0 : index
    %get3A_322 = arith.constant 200 : index
    %get3A_323 = arith.constant 0 : index
    %get3A_324 = vector.load %arg2[%get3A_321, %get3A_322, %get3A_323] : memref<1x400x3xf32, #tpu.memory_space<vmem>>, vector<1x200x3xf32>
    %get3A_325 = vector.shape_cast %get3A_324 : vector<1x200x3xf32> to vector<200x3xf32>
    %get3A_326 = arith.constant 0 : index
    %get3A_327 = arith.constant 0 : index
    %get3A_328 = arith.constant 200 : index
    %get3A_329 = vector.load %arg3[%get3A_326, %get3A_327, %get3A_328] : memref<1x3x400xf32, #tpu.memory_space<vmem>>, vector<1x3x200xf32>
    %get3A_330 = vector.shape_cast %get3A_329 : vector<1x3x200xf32> to vector<3x200xf32>
    %slice3A_331 = vector.extract_strided_slice %get3A_325 {offsets = [0, 0], sizes = [200, 1], strides = [1, 1]} : vector<200x3xf32> to vector<200x1xf32>
    %slice3A_332 = vector.extract_strided_slice %get3A_330 {offsets = [0, 0], sizes = [1, 200], strides = [1, 1]} : vector<3x200xf32> to vector<1x200xf32>
    %sub3A_333 = vector.broadcast %slice3A_331 : vector<200x1xf32> to vector<200x200xf32>
    %sub3A_334 = vector.broadcast %slice3A_332 : vector<1x200xf32> to vector<200x200xf32>
    %sub3A_335 = arith.subf %sub3A_333, %sub3A_334 : vector<200x200xf32>
    %slice3A_336 = vector.extract_strided_slice %get3A_325 {offsets = [0, 1], sizes = [200, 1], strides = [1, 1]} : vector<200x3xf32> to vector<200x1xf32>
    %slice3A_337 = vector.extract_strided_slice %get3A_330 {offsets = [1, 0], sizes = [1, 200], strides = [1, 1]} : vector<3x200xf32> to vector<1x200xf32>
    %sub3A_338 = vector.broadcast %slice3A_336 : vector<200x1xf32> to vector<200x200xf32>
    %sub3A_339 = vector.broadcast %slice3A_337 : vector<1x200xf32> to vector<200x200xf32>
    %sub3A_340 = arith.subf %sub3A_338, %sub3A_339 : vector<200x200xf32>
    %slice3A_341 = vector.extract_strided_slice %get3A_325 {offsets = [0, 2], sizes = [200, 1], strides = [1, 1]} : vector<200x3xf32> to vector<200x1xf32>
    %slice3A_342 = vector.extract_strided_slice %get3A_330 {offsets = [2, 0], sizes = [1, 200], strides = [1, 1]} : vector<3x200xf32> to vector<1x200xf32>
    %sub3A_343 = vector.broadcast %slice3A_341 : vector<200x1xf32> to vector<200x200xf32>
    %sub3A_344 = vector.broadcast %slice3A_342 : vector<1x200xf32> to vector<200x200xf32>
    %sub3A_345 = arith.subf %sub3A_343, %sub3A_344 : vector<200x200xf32>
    %mul3A_346 = arith.mulf %sub3A_335, %sub3A_335 : vector<200x200xf32>
    %mul3A_347 = arith.mulf %sub3A_340, %sub3A_340 : vector<200x200xf32>
    %add3A_348 = arith.addf %mul3A_346, %mul3A_347 : vector<200x200xf32>
    %mul3A_349 = arith.mulf %sub3A_345, %sub3A_345 : vector<200x200xf32>
    %add3A_350 = arith.addf %add3A_348, %mul3A_349 : vector<200x200xf32>
    %min3A_351 = arith.constant 2.500000e+01 : f32
    %min3A_352 = vector.broadcast %min3A_351 : f32 to vector<200x200xf32>
    %min3A_353 = arith.minimumf %add3A_350, %min3A_352 : vector<200x200xf32>
    %mul3A_354 = arith.constant 3.26407542E-12 : f32
    %mul3A_355 = vector.broadcast %mul3A_354 : f32 to vector<200x200xf32>
    %mul3A_356 = arith.mulf %min3A_353, %mul3A_355 : vector<200x200xf32>
    %add3A_357 = arith.constant -1.29820832E-9 : f32
    %add3A_358 = vector.broadcast %add3A_357 : f32 to vector<200x200xf32>
    %add3A_359 = arith.addf %add3A_358, %mul3A_356 : vector<200x200xf32>
    %mul3A_360 = arith.mulf %min3A_353, %add3A_359 : vector<200x200xf32>
    %add3A_361 = arith.constant 3.00828077E-7 : f32
    %add3A_362 = vector.broadcast %add3A_361 : f32 to vector<200x200xf32>
    %add3A_363 = arith.addf %add3A_362, %mul3A_360 : vector<200x200xf32>
    %mul3A_364 = arith.mulf %min3A_353, %add3A_363 : vector<200x200xf32>
    %add3A_365 = arith.constant -4.27248524E-5 : f32
    %add3A_366 = vector.broadcast %add3A_365 : f32 to vector<200x200xf32>
    %add3A_367 = arith.addf %add3A_366, %mul3A_364 : vector<200x200xf32>
    %mul3A_368 = arith.mulf %min3A_353, %add3A_367 : vector<200x200xf32>
    %add3A_369 = arith.constant 0.00324695394 : f32
    %add3A_370 = vector.broadcast %add3A_369 : f32 to vector<200x200xf32>
    %add3A_371 = arith.addf %add3A_370, %mul3A_368 : vector<200x200xf32>
    %mul3A_372 = arith.mulf %min3A_353, %add3A_371 : vector<200x200xf32>
    %add3A_373 = arith.constant -0.0986960083 : f32
    %add3A_374 = vector.broadcast %add3A_373 : f32 to vector<200x200xf32>
    %add3A_375 = arith.addf %add3A_374, %mul3A_372 : vector<200x200xf32>
    %mul3A_376 = arith.mulf %min3A_353, %add3A_375 : vector<200x200xf32>
    %add3A_377 = arith.constant 1.000000e+00 : f32
    %add3A_378 = vector.broadcast %add3A_377 : f32 to vector<200x200xf32>
    %add3A_379 = arith.addf %add3A_378, %mul3A_376 : vector<200x200xf32>
    %mul3A_380 = arith.mulf %get3A_304, %add3A_379 : vector<200x200xf32>
    %dot_general3A_381 = arith.constant dense<0.000000e+00> : vector<200x128xf32>
    %dot_general3A_382 = tpu.matmul %mul3A_380, %add3A_320, %dot_general3A_381 {dimension_numbers = #tpu.dot_dimension_numbers<[0], [0], [1], [1], [0, 1, 1, 1], [], []>, precision = #tpu.contract_precision<fp32>, transpose_lhs_hint = false} : vector<200x200xf32>, vector<200x128xf32>, vector<200x128xf32> -> vector<200x128xf32>
    %dot_general3A_383 = arith.constant dense<0.000000e+00> : vector<200x128xf32>
    %dot_general3A_384 = tpu.matmul %dot_general3A_382, %get3A_4, %dot_general3A_383 {dimension_numbers = #tpu.dot_dimension_numbers<[1], [0], [0], [1], [0, 0, 1, 1], [], []>, precision = #tpu.contract_precision<fp32>, transpose_lhs_hint = false} : vector<200x128xf32>, vector<128x128xf32>, vector<200x128xf32> -> vector<200x128xf32>
    %add3A_385 = arith.addf %add3A_320, %dot_general3A_384 : vector<200x128xf32>
    %logistic3A_386 = arith.negf %add3A_385 : vector<200x128xf32>
    %logistic3A_387 = math.exp %logistic3A_386 : vector<200x128xf32>
    %logistic3A_388 = arith.constant 1.000000e+00 : f32
    %logistic3A_389 = vector.broadcast %logistic3A_388 : f32 to vector<200x128xf32>
    %logistic3A_390 = arith.addf %logistic3A_389, %logistic3A_387 : vector<200x128xf32>
    %logistic3A_391 = arith.divf %logistic3A_389, %logistic3A_390 : vector<200x128xf32>
    %mul3A_392 = arith.mulf %add3A_385, %logistic3A_391 : vector<200x128xf32>
    %convert_element_type3A_393 = arith.truncf %get3A_304 : vector<200x200xf32> to vector<200x200xbf16>
    %convert_element_type3A_394 = arith.truncf %get3A_10 : vector<200x200xf32> to vector<200x200xbf16>
    %dot_general3A_395 = arith.constant dense<0.000000e+00> : vector<200x200xf32>
    %dot_general3A_396 = tpu.matmul %convert_element_type3A_393, %convert_element_type3A_394, %dot_general3A_395 {dimension_numbers = #tpu.dot_dimension_numbers<[0], [0], [1], [1], [0, 1, 1, 1], [], []>, transpose_lhs_hint = false} : vector<200x200xbf16>, vector<200x200xbf16>, vector<200x200xf32> -> vector<200x200xf32>
    %add3A_397 = arith.addf %get3A_304, %dot_general3A_396 : vector<200x200xf32>
    %gt3A_398 = arith.constant 0.000000e+00 : f32
    %gt3A_399 = vector.broadcast %gt3A_398 : f32 to vector<200x200xf32>
    %gt3A_400 = arith.cmpf ogt, %add3A_397, %gt3A_399 : vector<200x200xf32>
    %convert_element_type3A_401 = arith.extui %gt3A_400 : vector<200x200xi1> to vector<200x200xi32>
    %convert_element_type3A_402 = arith.sitofp %convert_element_type3A_401 : vector<200x200xi32> to vector<200x200xf32>
    %convert_element_type3A_403 = arith.truncf %convert_element_type3A_402 : vector<200x200xf32> to vector<200x200xbf16>
    %convert_element_type3A_404 = arith.truncf %mul3A_392 : vector<200x128xf32> to vector<200x128xbf16>
    %convert_element_type3A_405 = arith.extf %convert_element_type3A_404 : vector<200x128xbf16> to vector<200x128xf32>
    %sub3A_406 = arith.subf %mul3A_392, %convert_element_type3A_405 : vector<200x128xf32>
    %convert_element_type3A_407 = arith.truncf %sub3A_406 : vector<200x128xf32> to vector<200x128xbf16>
    %reshape3A_408 = vector.shape_cast %mul3A_392 : vector<200x128xf32> to vector<5x40x128xf32>
    %reduce_sum3A_409 = arith.constant dense<0.000000e+00> : vector<5x128xf32>
    %reduce_sum3A_410 = vector.multi_reduction <add>, %reshape3A_408, %reduce_sum3A_409 [1] : vector<5x40x128xf32> to vector<5x128xf32>
    %dot_general3A_411 = arith.constant dense<0.000000e+00> : vector<200x128xf32>
    %dot_general3A_412 = tpu.matmul %convert_element_type3A_403, %convert_element_type3A_404, %dot_general3A_411 {dimension_numbers = #tpu.dot_dimension_numbers<[1], [0], [0], [1], [0, 0, 1, 1], [], []>, transpose_lhs_hint = false} : vector<200x200xbf16>, vector<200x128xbf16>, vector<200x128xf32> -> vector<200x128xf32>
    %dot_general3A_413 = arith.constant dense<0.000000e+00> : vector<200x128xf32>
    %dot_general3A_414 = tpu.matmul %convert_element_type3A_403, %convert_element_type3A_407, %dot_general3A_413 {dimension_numbers = #tpu.dot_dimension_numbers<[1], [0], [0], [1], [0, 0, 1, 1], [], []>, transpose_lhs_hint = false} : vector<200x200xbf16>, vector<200x128xbf16>, vector<200x128xf32> -> vector<200x128xf32>
    %add3A_415 = arith.addf %dot_general3A_412, %dot_general3A_414 : vector<200x128xf32>
    %mul3A_416 = arith.mulf %add3A_415, %mul3A_392 : vector<200x128xf32>
    %convert_element_type3A_417 = arith.truncf %mul3A_416 : vector<200x128xf32> to vector<200x128xbf16>
    %convert_element_type3A_418 = arith.extf %convert_element_type3A_417 : vector<200x128xbf16> to vector<200x128xf32>
    %sub3A_419 = arith.subf %mul3A_416, %convert_element_type3A_418 : vector<200x128xf32>
    %convert_element_type3A_420 = arith.truncf %sub3A_419 : vector<200x128xf32> to vector<200x128xbf16>
    %reshape3A_421 = vector.shape_cast %mul3A_416 : vector<200x128xf32> to vector<5x40x128xf32>
    %reduce_sum3A_422 = arith.constant dense<0.000000e+00> : vector<5x128xf32>
    %reduce_sum3A_423 = vector.multi_reduction <add>, %reshape3A_421, %reduce_sum3A_422 [1] : vector<5x40x128xf32> to vector<5x128xf32>
    %dot_general3A_424 = arith.constant dense<0.000000e+00> : vector<200x128xf32>
    %dot_general3A_425 = tpu.matmul %convert_element_type3A_403, %convert_element_type3A_417, %dot_general3A_424 {dimension_numbers = #tpu.dot_dimension_numbers<[1], [0], [0], [1], [0, 0, 1, 1], [], []>, transpose_lhs_hint = false} : vector<200x200xbf16>, vector<200x128xbf16>, vector<200x128xf32> -> vector<200x128xf32>
    %dot_general3A_426 = arith.constant dense<0.000000e+00> : vector<200x128xf32>
    %dot_general3A_427 = tpu.matmul %convert_element_type3A_403, %convert_element_type3A_420, %dot_general3A_426 {dimension_numbers = #tpu.dot_dimension_numbers<[1], [0], [0], [1], [0, 0, 1, 1], [], []>, transpose_lhs_hint = false} : vector<200x200xbf16>, vector<200x128xbf16>, vector<200x128xf32> -> vector<200x128xf32>
    %add3A_428 = arith.addf %dot_general3A_425, %dot_general3A_427 : vector<200x128xf32>
    %mul3A_429 = arith.mulf %add3A_428, %mul3A_392 : vector<200x128xf32>
    %convert_element_type3A_430 = arith.truncf %mul3A_429 : vector<200x128xf32> to vector<200x128xbf16>
    %convert_element_type3A_431 = arith.extf %convert_element_type3A_430 : vector<200x128xbf16> to vector<200x128xf32>
    %sub3A_432 = arith.subf %mul3A_429, %convert_element_type3A_431 : vector<200x128xf32>
    %convert_element_type3A_433 = arith.truncf %sub3A_432 : vector<200x128xf32> to vector<200x128xbf16>
    %reshape3A_434 = vector.shape_cast %mul3A_429 : vector<200x128xf32> to vector<5x40x128xf32>
    %reduce_sum3A_435 = arith.constant dense<0.000000e+00> : vector<5x128xf32>
    %reduce_sum3A_436 = vector.multi_reduction <add>, %reshape3A_434, %reduce_sum3A_435 [1] : vector<5x40x128xf32> to vector<5x128xf32>
    %dot_general3A_437 = arith.constant dense<0.000000e+00> : vector<200x128xf32>
    %dot_general3A_438 = tpu.matmul %convert_element_type3A_403, %convert_element_type3A_430, %dot_general3A_437 {dimension_numbers = #tpu.dot_dimension_numbers<[1], [0], [0], [1], [0, 0, 1, 1], [], []>, transpose_lhs_hint = false} : vector<200x200xbf16>, vector<200x128xbf16>, vector<200x128xf32> -> vector<200x128xf32>
    %dot_general3A_439 = arith.constant dense<0.000000e+00> : vector<200x128xf32>
    %dot_general3A_440 = tpu.matmul %convert_element_type3A_403, %convert_element_type3A_433, %dot_general3A_439 {dimension_numbers = #tpu.dot_dimension_numbers<[1], [0], [0], [1], [0, 0, 1, 1], [], []>, transpose_lhs_hint = false} : vector<200x200xbf16>, vector<200x128xbf16>, vector<200x128xf32> -> vector<200x128xf32>
    %add3A_441 = arith.addf %dot_general3A_438, %dot_general3A_440 : vector<200x128xf32>
    %mul3A_442 = arith.mulf %add3A_441, %mul3A_392 : vector<200x128xf32>
    %convert_element_type3A_443 = arith.truncf %mul3A_442 : vector<200x128xf32> to vector<200x128xbf16>
    %convert_element_type3A_444 = arith.extf %convert_element_type3A_443 : vector<200x128xbf16> to vector<200x128xf32>
    %sub3A_445 = arith.subf %mul3A_442, %convert_element_type3A_444 : vector<200x128xf32>
    %convert_element_type3A_446 = arith.truncf %sub3A_445 : vector<200x128xf32> to vector<200x128xbf16>
    %reshape3A_447 = vector.shape_cast %mul3A_442 : vector<200x128xf32> to vector<5x40x128xf32>
    %reduce_sum3A_448 = arith.constant dense<0.000000e+00> : vector<5x128xf32>
    %reduce_sum3A_449 = vector.multi_reduction <add>, %reshape3A_447, %reduce_sum3A_448 [1] : vector<5x40x128xf32> to vector<5x128xf32>
    %dot_general3A_450 = arith.constant dense<0.000000e+00> : vector<200x128xf32>
    %dot_general3A_451 = tpu.matmul %convert_element_type3A_403, %convert_element_type3A_443, %dot_general3A_450 {dimension_numbers = #tpu.dot_dimension_numbers<[1], [0], [0], [1], [0, 0, 1, 1], [], []>, transpose_lhs_hint = false} : vector<200x200xbf16>, vector<200x128xbf16>, vector<200x128xf32> -> vector<200x128xf32>
    %dot_general3A_452 = arith.constant dense<0.000000e+00> : vector<200x128xf32>
    %dot_general3A_453 = tpu.matmul %convert_element_type3A_403, %convert_element_type3A_446, %dot_general3A_452 {dimension_numbers = #tpu.dot_dimension_numbers<[1], [0], [0], [1], [0, 0, 1, 1], [], []>, transpose_lhs_hint = false} : vector<200x200xbf16>, vector<200x128xbf16>, vector<200x128xf32> -> vector<200x128xf32>
    %add3A_454 = arith.addf %dot_general3A_451, %dot_general3A_453 : vector<200x128xf32>
    %mul3A_455 = arith.mulf %add3A_454, %mul3A_392 : vector<200x128xf32>
    %convert_element_type3A_456 = arith.truncf %mul3A_455 : vector<200x128xf32> to vector<200x128xbf16>
    %convert_element_type3A_457 = arith.extf %convert_element_type3A_456 : vector<200x128xbf16> to vector<200x128xf32>
    %sub3A_458 = arith.subf %mul3A_455, %convert_element_type3A_457 : vector<200x128xf32>
    %convert_element_type3A_459 = arith.truncf %sub3A_458 : vector<200x128xf32> to vector<200x128xbf16>
    %reshape3A_460 = vector.shape_cast %mul3A_455 : vector<200x128xf32> to vector<5x40x128xf32>
    %reduce_sum3A_461 = arith.constant dense<0.000000e+00> : vector<5x128xf32>
    %reduce_sum3A_462 = vector.multi_reduction <add>, %reshape3A_460, %reduce_sum3A_461 [1] : vector<5x40x128xf32> to vector<5x128xf32>
    %dot_general3A_463 = arith.constant dense<0.000000e+00> : vector<200x128xf32>
    %dot_general3A_464 = tpu.matmul %convert_element_type3A_403, %convert_element_type3A_456, %dot_general3A_463 {dimension_numbers = #tpu.dot_dimension_numbers<[1], [0], [0], [1], [0, 0, 1, 1], [], []>, transpose_lhs_hint = false} : vector<200x200xbf16>, vector<200x128xbf16>, vector<200x128xf32> -> vector<200x128xf32>
    %dot_general3A_465 = arith.constant dense<0.000000e+00> : vector<200x128xf32>
    %dot_general3A_466 = tpu.matmul %convert_element_type3A_403, %convert_element_type3A_459, %dot_general3A_465 {dimension_numbers = #tpu.dot_dimension_numbers<[1], [0], [0], [1], [0, 0, 1, 1], [], []>, transpose_lhs_hint = false} : vector<200x200xbf16>, vector<200x128xbf16>, vector<200x128xf32> -> vector<200x128xf32>
    %add3A_467 = arith.addf %dot_general3A_464, %dot_general3A_466 : vector<200x128xf32>
    %mul3A_468 = arith.mulf %add3A_467, %mul3A_392 : vector<200x128xf32>
    %reshape3A_469 = vector.shape_cast %mul3A_468 : vector<200x128xf32> to vector<5x40x128xf32>
    %reduce_sum3A_470 = arith.constant dense<0.000000e+00> : vector<5x128xf32>
    %reduce_sum3A_471 = vector.multi_reduction <add>, %reshape3A_469, %reduce_sum3A_470 [1] : vector<5x40x128xf32> to vector<5x128xf32>
    %concatenate3A_472 = tpu.concatenate %reduce_sum3A_410, %reduce_sum3A_423, %reduce_sum3A_436, %reduce_sum3A_449, %reduce_sum3A_462, %reduce_sum3A_471 in 1 : vector<5x128xf32>, vector<5x128xf32>, vector<5x128xf32>, vector<5x128xf32>, vector<5x128xf32>, vector<5x128xf32> -> vector<5x768xf32>
    %get3A_473 = arith.constant 0 : index
    %get3A_474 = arith.constant 0 : index
    %get3A_475 = vector.load %arg7[%get3A_473, %get3A_474] : memref<768x12xf32, #tpu.memory_space<vmem>>, vector<768x12xf32>
    %dot_general3A_476 = arith.constant dense<0.000000e+00> : vector<5x12xf32>
    %dot_general3A_477 = tpu.matmul %concatenate3A_472, %get3A_475, %dot_general3A_476 {dimension_numbers = #tpu.dot_dimension_numbers<[1], [0], [0], [1], [0, 0, 1, 1], [], []>, precision = #tpu.contract_precision<fp32>, transpose_lhs_hint = false} : vector<5x768xf32>, vector<768x12xf32>, vector<5x12xf32> -> vector<5x12xf32>
    %add3A_478 = vector.broadcast %get3A_7 : vector<1x12xf32> to vector<5x12xf32>
    %add3A_479 = arith.addf %add3A_478, %dot_general3A_477 : vector<5x12xf32>
    %swap3A_480 = arith.constant 0 : index
    %swap3A_481 = arith.constant 5 : index
    %swap3A_482 = arith.constant 0 : index
    %swap3A_483 = vector.load %arg11[%swap3A_480, %swap3A_481, %swap3A_482] : memref<1x10x12xf32, #tpu.memory_space<vmem>>, vector<1x5x12xf32>
    %swap3A_484 = vector.shape_cast %swap3A_483 : vector<1x5x12xf32> to vector<5x12xf32>
    %swap3A_485 = vector.shape_cast %add3A_479 : vector<5x12xf32> to vector<1x5x12xf32>
    tpu.vector_store %arg11[%swap3A_480, %swap3A_481, %swap3A_482], %swap3A_485 {strides = array<i32>} : memref<1x10x12xf32, #tpu.memory_space<vmem>>, vector<1x5x12xf32>,
    return
  }
  func.func @transform_0(%arg0: i32) -> (i32, i32, i32) {
    %c0_i32 = arith.constant 0 : i32
    %c0_i32_0 = arith.constant 0 : i32
    %c0_i32_1 = arith.constant 0 : i32
    return %arg0, %c0_i32, %c0_i32_0 : i32, i32, i32
  }
  func.func @transform_1(%arg0: i32) -> (i32, i32, i32) {
    %c0_i32 = arith.constant 0 : i32
    %c0_i32_0 = arith.constant 0 : i32
    %c0_i32_1 = arith.constant 0 : i32
    return %arg0, %c0_i32, %c0_i32_0 : i32, i32, i32
  }
  func.func @transform_2(%arg0: i32) -> (i32, i32, i32) {
    %c0_i32 = arith.constant 0 : i32
    %c0_i32_0 = arith.constant 0 : i32
    %c0_i32_1 = arith.constant 0 : i32
    return %arg0, %c0_i32, %c0_i32_0 : i32, i32, i32
  }
  func.func @transform_3(%arg0: i32) -> (i32, i32, i32) {
    %c0_i32 = arith.constant 0 : i32
    %c0_i32_0 = arith.constant 0 : i32
    %c0_i32_1 = arith.constant 0 : i32
    return %arg0, %c0_i32, %c0_i32_0 : i32, i32, i32
  }
  func.func @transform_4(%arg0: i32) -> (i32, i32) {
    %c0_i32 = arith.constant 0 : i32
    %c0_i32_0 = arith.constant 0 : i32
    %c0_i32_1 = arith.constant 0 : i32
    return %c0_i32, %c0_i32_0 : i32, i32
  }
  func.func @transform_5(%arg0: i32) -> (i32, i32) {
    %c0_i32 = arith.constant 0 : i32
    %c0_i32_0 = arith.constant 0 : i32
    %c0_i32_1 = arith.constant 0 : i32
    return %c0_i32, %c0_i32_0 : i32, i32
  }
  func.func @transform_6(%arg0: i32) -> (i32, i32) {
    %c0_i32 = arith.constant 0 : i32
    %c0_i32_0 = arith.constant 0 : i32
    %c0_i32_1 = arith.constant 0 : i32
    return %c0_i32, %c0_i32_0 : i32, i32
  }
  func.func @transform_7(%arg0: i32) -> (i32, i32) {
    %c0_i32 = arith.constant 0 : i32
    %c0_i32_0 = arith.constant 0 : i32
    %c0_i32_1 = arith.constant 0 : i32
    return %c0_i32, %c0_i32_0 : i32, i32
  }
  func.func @transform_8(%arg0: i32) -> (i32, i32) {
    %c0_i32 = arith.constant 0 : i32
    %c0_i32_0 = arith.constant 0 : i32
    %c0_i32_1 = arith.constant 0 : i32
    return %c0_i32, %c0_i32_0 : i32, i32
  }
  func.func @transform_9(%arg0: i32) -> (i32, i32) {
    %c0_i32 = arith.constant 0 : i32
    %c0_i32_0 = arith.constant 0 : i32
    %c0_i32_1 = arith.constant 0 : i32
    return %c0_i32, %c0_i32_0 : i32, i32
  }
  func.func @transform_10(%arg0: i32) -> (i32, i32, i32) {
    %c0_i32 = arith.constant 0 : i32
    %c0_i32_0 = arith.constant 0 : i32
    %c0_i32_1 = arith.constant 0 : i32
    return %arg0, %c0_i32, %c0_i32_0 : i32, i32, i32
  }
}

</mosaic_0001>

<sc_bundles>
// kernel: kernel.4.cloned.1.call-start
scs
__scs_entry_jumppad:
0x0: {  	(pc) =	sbr.rel $0x88, $3  }
0x1: {  	(tag) =	ssettag $0x0;
	lr =	simm.s32 $0x1  }
0x2: {  	[smem:$0x3F9A] =	sst lr;
	_ =	strace $0xD0000000  }
0x3: {  	_ = 	snop  }
0x4: {  	_ = 	snop  }
0x5: {  	_ = 	snop  }
0x6: {  	_ = 	snop  }
0x7: {  	_ = 	snop  }
__scs_overlays_trampoline_lowered:
0x8: {  	[smem:$0x3FA9] =	sst s0  }
0x9: {  	[smem:$0x3FAA] =	sst s1  }
0xa: {  	[smem:$0x3FAB] =	sst s2  }
0xb: {  	[smem:$0x3FAC] =	sst s3  }
0xc: {  	[smem:$0x3FAD] =	sst s4  }
0xd: {  	[smem:$0x3FAE] =	sst s5  }
0xe: {  	[smem:$0x3FAF] =	sst s6  }
0xf: {  	[smem:$0x3FB0] =	sst s7  }
0x10: {  	[smem:$0x3FB1] =	sst s8  }
0x11: {  	[smem:$0x3FB2] =	sst s9;
	s0 =	simm.s32 @!p0 $0x0  }
0x12: {  	s1 =	sld [smem:$0x3F98];
	s0 =	simm.s32 @p0 $0x1  }
0x13: {  	[smem:$0x3FB3] =	sst s0;
	s0 =	simm.s32 @!p1 $0x0  }
0x14: {  	s2 =	sld [smem:$0x3F97];
	s0 =	simm.s32 @p1 $0x1  }
0x15: {  	[smem:$0x3FB4] =	sst s0;
	s0 =	simm.s32 @!p2 $0x0  }
0x16: {  	s3 =	sld [smem:$0x3FDB];
	s0 =	simm.s32 @p2 $0x1  }
0x17: {  	s4 =	simm.s32 $0x1BF5;
	[smem:$0x3FB6] =	sst s0  }
0x18: {  	s0 =	sld [smem:$0x3F99];
	_ =	swait.ge [sflag:s4], $0x0  }
0x19: {  	s7 =	sld [smem:$0x3F9A]  }
0x1a: {  	s8 =	sadd.s32 $0xFFFFE003, lr  }
0x1b: {  	s9 =	sadd.s32 $0xFFFFFEF7, lr;
	s5 =	simm.s32 $0xFFFFFFFF;
	p2 =	slt.u32 s8, $0xFFFFF086  }
0x1c: {  	p1 =	slt.u32 s9, $0xF7A;
	s5 =	simm.s32 @!p2 $0x0  }
0x1d: {  	s5 =	simm.s32 @p1 $0x1;
	p0 =	seq.s32 s7, s2  }
0x1e: {  	s7 =	smul.u32 @!p0 $0xF7A, s2;
	p2 =	seq.s32 @!p0 s5, $0x0  }
0x1f: {  	s9 =	smul.u32 $0xF7A, s1;
	s8 =	simm.s32 @!p0 $0x1BF5;
	p2 =	por !p2, p0  }
0x20: {  	[sflag:s8] =	ssyncset.s32 @!p0 $0xFFFFF086;
	s6 =	sadd.s32 @!p0 s3, s7;
	s7 =	simm.s32 @!p0 $0x108  }
0x21: {  	s3 =	sadd.s32 s3, s9;
	s6 =	sadd.s32 @!p0 $0x88, s6;
	s7 =	simm.s32 @p2 $0x1082  }
0x22: {  	[simem:s7], [sflag:s8] =	dma.local @!p0 [hbm:s6], $0xF7A  }
0x23: {  	s9 =	sor.u32 $0xD0000000, s2;
	s6 =	simm.s32 $0x108;
	_ =	swait.ge @!p0 [sflag:s8], $0x0  }
0x24: {  	s3 =	sadd.s32 $0x88, s3;
	s6 =	simm.s32 @!p1 $0x1082;
	[sflag:s4] =	ssyncset.s32 $0xFFFFF086  }
0x25: {  	[simem:s6], [sflag:s4] =	dma.local [hbm:s3], $0xF7A  }
0x26: {  	[smem:$0x3F9A] =	sst s1;
	(tag) =	ssettag s2;
	_ =	strace s9  }
0x27: {  	s1 =	sld [smem:$0x3FAA]  }
0x28: {  	s2 =	sld [smem:$0x3FAB]  }
0x29: {  	s4 =	sld [smem:$0x3FAD]  }
0x2a: {  	p0 =	seq.s32 s5, $0x0;
	s5 =	sld [smem:$0x3FAE]  }
0x2b: {  	s6 =	sld [smem:$0x3FAF]  }
0x2c: {  	s7 =	sld [smem:$0x3FB0]  }
0x2d: {  	s3 =	simm.s32 $0x108;
	s8 =	sld [smem:$0x3FB1]  }
0x2e: {  	s3 =	simm.s32 @!p0 $0x1082;
	s9 =	sld [smem:$0x3FB2]  }
0x2f: {  	lr =	sadd.s32 s0, s3;
	s0 =	sld [smem:$0x3FA9]  }
0x30: {  	s3 =	sld [smem:$0x3FAC]  }
0x31: {  	[smem:$0x3FB5] =	sst s10  }
0x32: {  	s10 =	sld [smem:$0x3FB3];
	_ =	sdelay $0x3  }
0x33: {  	p0 =	seq.s32 s10, $0x1;
	s10 =	sld [smem:$0x3FB5];
	_ =	sdelay $0x3  }
0x34: {  	[smem:$0x3FB5] =	sst s10  }
0x35: {  	s10 =	sld [smem:$0x3FB4];
	_ =	sdelay $0x3  }
0x36: {  	p1 =	seq.s32 s10, $0x1;
	s10 =	sld [smem:$0x3FB5];
	_ =	sdelay $0x3  }
0x37: {  	[smem:$0x3FB5] =	sst s10  }
0x38: {  	s10 =	sld [smem:$0x3FB6]  }
0x39: {  	_ = 	snop;
	(pc) =	sbr.ind lr, $3  }
0x3a: {  	_ = 	snop  }
0x3b: {  	_ = 	snop  }
0x3c: {  	p2 =	seq.s32 s10, $0x1;
	s10 =	sld [smem:$0x3FB5]  }
0x3d: {  	_ =	shalt  }
0x3e: {  	_ =	shalt  }
0x3f: {  	_ =	shalt  }
0x40: {  	_ =	shalt  }
0x41: {  	_ =	shalt  }
0x42: {  	_ =	shalt  }
0x43: {  	_ =	shalt  }
0x44: {  	_ =	shalt  }
0x45: {  	_ =	shalt  }
0x46: {  	_ =	shalt  }
0x47: {  	_ =	shalt  }
0x48: {  	_ =	shalt  }
0x49: {  	_ =	shalt  }
0x4a: {  	_ =	shalt  }
0x4b: {  	_ =	shalt  }
0x4c: {  	_ =	shalt  }
0x4d: {  	_ =	shalt  }
0x4e: {  	_ =	shalt  }
0x4f: {  	_ =	shalt  }
0x50: {  	_ =	shalt  }
0x51: {  	_ =	shalt  }
0x52: {  	_ =	shalt  }
0x53: {  	_ =	shalt  }
0x54: {  	_ =	shalt  }
0x55: {  	_ =	shalt  }
0x56: {  	_ =	shalt  }
0x57: {  	_ =	shalt  }
0x58: {  	_ =	shalt  }
0x59: {  	_ =	shalt  }
0x5a: {  	_ =	shalt  }
0x5b: {  	_ =	shalt  }
0x5c: {  	_ =	shalt  }
0x5d: {  	_ =	shalt  }
0x5e: {  	_ =	shalt  }
0x5f: {  	_ =	shalt  }
0x60: {  	_ =	shalt  }
0x61: {  	_ =	shalt  }
0x62: {  	_ =	shalt  }
0x63: {  	_ =	shalt  }
0x64: {  	_ =	shalt  }
0x65: {  	_ =	shalt  }
0x66: {  	_ =	shalt  }
0x67: {  	_ =	shalt  }
0x68: {  	_ =	shalt  }
0x69: {  	_ =	shalt  }
0x6a: {  	_ =	shalt  }
0x6b: {  	_ =	shalt  }
0x6c: {  	_ =	shalt  }
0x6d: {  	_ =	shalt  }
0x6e: {  	_ =	shalt  }
0x6f: {  	_ =	shalt  }
0x70: {  	_ =	shalt  }
0x71: {  	_ =	shalt  }
0x72: {  	_ =	shalt  }
0x73: {  	_ =	shalt  }
0x74: {  	_ =	shalt  }
0x75: {  	_ =	shalt  }
0x76: {  	_ =	shalt  }
0x77: {  	_ =	shalt  }
0x78: {  	_ =	shalt  }
0x79: {  	_ =	shalt  }
0x7a: {  	_ =	shalt  }
0x7b: {  	_ =	shalt  }
0x7c: {  	_ =	shalt  }
0x7d: {  	_ =	shalt  }
0x7e: {  	_ =	shalt  }
0x7f: {  	_ =	shalt  }
0x80: {  	_ =	shalt  }
0x81: {  	_ =	shalt  }
0x82: {  	_ =	shalt  }
0x83: {  	_ =	shalt  }
0x84: {  	_ =	shalt  }
0x85: {  	_ =	shalt  }
0x86: {  	_ =	shalt  }
0x87: {  	_ =	shalt  }
.Lfunc_end0:
.L_simem_size_0:
called_computation_lowered:
.L_overlay_start_0:
0x88: {  	s2 =	sld [smem:$0x3FD9]  }
0x89: {  	s3 =	sld [smem:$0x3FFE];
	_ =	sdelay $0x1  }
0x8a: {  	s1 =	srdreg.scid  }
0x8b: {  	s0 =	sand.u32 $0x1, s1  }
0x8c: {  	s17 =	sshll.u32 s0, $0xA;
	s2 =	sadd.s32 s3, s2  }
0x8d: {  	s2 =	sadd.s32 s2, s17  }
0x8e: {  	[smem:$0x3FC1] =	sst s2  }
0x8f: {  	_ = 	snop  }
0x90: {  	s2 =	sld [smem:$0x3FC7];
	(tm) =	ssettm $0x1  }
0x91: {  	s18 =	sld [smem:$0x3FFB];
	_ =	sdelay $0x3  }
0x92: {  	_ =	strace s18  }
0x93: {  	s3 =	sld [smem:$0x3FFC];
	_ =	sdelay $0x3  }
0x94: {  	_ =	strace s3  }
0x95: {  	s3 =	sld [smem:$0x3FFD];
	_ =	sdelay $0x3  }
0x96: {  	_ =	strace s3  }
0x97: {  	_ =	strace $0x8FFFFFFF  }
0x98: {  	s19 =	sld [smem:$0x3FDB];
	_ =	sdelay $0x1  }
0x99: {  	s4 =	simm.s32 $_scs_section_size  }
0x9a: {  	s5 =	simm.s32 $_size__tile_overlayer_lowered;
	s6 =	simm.s32 $_tile_overlayer_lowered  }
0x9b: {  	s22 =	simm.s32 $0x1BFF;
	s21 =	sshll.u32 s6, $0x1;
	s3 =	sadd.s32 s4, s19  }
0x9c: {  	s7 =	simm.s32 $0x0;
	s20 =	sshll.u32 s5, $0x1;
	s5 =	sadd.s32 s21, s3  }
0x9d: {  	[timem:s7], [sflag:s22] =	dma.local [hbm:s5], s20  }
0x9e: {  	_ =	swait.ge [sflag:s22], s20  }
0x9f: {  	s4 =	ssub.s32 $0x0, s20;
	[sflag:s22] =	ssyncset.done $0x0  }
0xa0: {  	[sflag:s22] =	ssyncadd.s32 s4;
	_ =	sdelay $0x1  }
0xa1: {  	s23 =	simm.s32 $0x1B8B  }
0xa2: {  	_ =	swait.ge [sflag:s23], $0x1  }
0xa3: {  	[sflag:s23] =	ssyncset.done $0x0  }
0xa4: {  	s25 =	simm.s32 $0x1B8E;
	s24 =	sld [smem:$0x3FFE];
	[sflag:s23] =	ssyncadd.s32 $0xFFFFFFFF  }
0xa5: {  	s26 =	simm.s32 $execute0_lowered;
	[smem:$0x3FD2] =	sst s25  }
0xa6: {  	s5 =	sshll.u32 s26, $0x1;
	_ =	strace $0x80000046;
	[dreg:$0x1] =	wrdreg $0xFFFFFFFF  }
0xa7: {  	s28 =	simm.s32 $_size_execute0_lowered;
	s3 =	sadd.s32 s3, s5;
	[dreg:$0x0] =	wrdreg $0x0  }
0xa8: {  	s5 =	sshll.u32 s28, $0x1;
	[dreg:$0x2] =	wrdreg s3  }
0xa9: {  	[dreg:$0x3] =	wrdreg s5  }
0xaa: {  	[dreg:$0x4] =	wrdreg $0xC0  }
0xab: {  	_ =	task [dreg:s7], $0x5FFFF  }
0xac: {  	[dreg:$0x1] =	wrdreg $0xFFFFFFFF  }
0xad: {  	[dreg:$0x0] =	wrdreg $0x60  }
0xae: {  	[dreg:$0x2] =	wrdreg s2  }
0xaf: {  	[dreg:$0x3] =	wrdreg s24  }
0xb0: {  	[dreg:$0x4] =	wrdreg $0x9  }
0xb1: {  	_ =	task.clear_ibuf [dreg:s7], $0x5FFFF;
	_ =	strace $0x90000046  }
0xb2: {  	s29 =	simm.s32 $0x9;
	_ =	strace $0x80000048  }
0xb3: {  	_ =	swait.ge [sflag:s29], $0x1  }
0xb4: {  	[sflag:s29] =	ssyncadd.s32 $0xFFFFFFFF  }
0xb5: {  	_ =	strace $0x90000048  }
0xb6: {  	_ =	sfence  }
0xb7: {  	s30 =	sld [smem:$0x0];
	_ =	sdelay $0x2  }
0xb8: {  	s31 =	sshll.u32 s1, $0xD;
	s1 =	sshrl.u32 s1, $0x2  }
0xb9: {  	s3 =	sand.u32 $0x4000, s31;
	s1 =	sadd.s32 s1, s30  }
0xba: {  	s0 =	sor.u32 s3, s0;
	s1 =	sshll.u32 s1, $0x11  }
0xbb: {  	s0 =	sor.u32 s1, s0  }
0xbc: {  	s0 =	sadd.s32 $0x8F2B, s0  }
0xbd: {  	[sflag:s0] =	ssyncadd.remote.s32 $0x1  }
0xbe: {  	_ =	sfence.sel $0xFFFF  }
0xbf: {  	[dreg:$0x0] =	wrdreg $0xFFFFFFFF;
	(pc) =	sbr.abs _section_cstart, $3  }
0xc0: {  	[dreg:$0x1] =	wrdreg $0xFFFFFFFF  }
0xc1: {  	_ =	task.clear_ibuf [dreg:s7], $0x2FFFF;
	_ =	strace $0x9FFFFFFF  }
0xc2: {  	(tm) =	ssettm $0x7FFFFFFF  }
0xc3: {  	_ =	shalt  }
tec
execute0_lowered:
.L_overlay_start_1:
0x0: {  	(tag) =	ssettag $0x1  }
0x1: {  	s1 =	srdreg.scid;
	s4 =	rddreg [dreg:$0x0]  }
0x2: {  	s0 =	stileid.u32;
	s6 =	rddreg [dreg:$0x1];
	s2 =	simm.s32 $0x0  }
0x3: {  	s5 =	sand.u32 $0x1, s1;
	s24 =	sshll.u32 s0, $0x1;
	s0 =	simm.s32 $0x0  }
0x4: {  	v0 =	vimm.s32 $0xECA86420;
	s25 =	sadd.s32 $0x1000, s6;
	s30 =	sadd.s32 $0xDB00, s6;
	s12 =	sor.u32 s5, s24  }
0x5: {  	vm0 =	vcmask $0xB08;
	vm1 =	vcmask $0x1310;
	vm2 =	vcmask $0x1B18;
	[smem:$0x7FF] =	sst s0;
	s5 =	ssub.s32 $0x2, s5;
	s7 =	smul.u32 $0x618, s12  }
0x6: {  	vm3 =	vcmask $0x300;
	vm4 =	vcmask $0x2320;
	vm5 =	vcmask $0x2B28;
	s8 =	smul.u32 $0x4E0, s12;
	_ =	strace $0x80000047;
	s9 =	sshrl.u32 s5, $0x1  }
.Ltmp0:
0x7: {  	v1 =	vlaneseq.u32;
	vm6 =	vcmask $0x3330;
	vm7 =	vcmask $0x3B38;
	[dreg:$0x3] =	wrdreg s25;
	s26 =	ssub.s32 s5, s9;
	(pc) =	sbr.rel .LBB2_1-.Ltmp0, $4  }
0x8: {  	vm8 =	vmmov $0xff;
	vm9 =	vcmask $0x704;
	vm10 =	vcmask $0xF0C;
	[dreg:$0x6] =	wrdreg s30;
	s4 =	sadd.s32 s8, s4;
	s31 =	smax.u32 s26, $0x1  }
0x9: {  	vm11 =	vcmask $0x1714;
	vm12 =	vcmask $0x1F1C;
	v0 =	vunpack.c.l.s4.s8 v0;
	s7 =	sadd.s32 s7, s6;
	s28 =	sadd.s32 $0x10, s4;
	[dreg:$0x7] =	wrdreg s31  }
0xa: {  	vm13 =	vcmask $0x2724;
	vm14 =	vcmask $0x2F2C;
	vm15 =	vcmask $0x3734;
	p0 =	sne.s32 s12, $0x1F;
	s29 =	sadd.s32 $0x1800, s7;
	[dreg:$0x4] =	wrdreg s28  }
0xb: {  	v2 =	vimm.f32 $1.000000000e+00;
	v1 =	vmul.u32 $0x2, v1;
	v0 =	vunpack.c.0.s8.s32 v0;
	s5 =	simm.s32 $0x1480;
	s4 =	simm.s32 $0x1;
	[dreg:$0x5] =	wrdreg s29  }
.LBB2_7:
0xc: {  	s0 =	simm.s32 $0x0  }
0xd: {  	s1 =	rddreg [dreg:$0x5];
	s5 =	simm.s32 $0x1480;
	s4 =	simm.s32 $0x1  }
0xe: {  	[hbm4b:s1+s0] =	stream.linear.scatter [tilespmem:s5], [sflag:$0x1], $0x30C0, $0x38;
	[tilespmem:$0x4800] =	vst v63  }
0xf: {  	_ =	swait.ge [sflag:s4], $0x30C0  }
0x10: {  	[sflag:s4] =	ssyncset.done $0x0  }
0x11: {  	s2 =	rddreg [dreg:$0x8];
	[sflag:s4] =	ssyncadd.s32 $0xFFFFCF40  }
.LBB2_8:
0x12: {  	s2 =	sadd.s32 $0x1, s2;
	s1 =	rddreg [dreg:$0x7]  }
0x13: {  	p1 =	sne.s32 s2, s1  }
.Ltmp1:
0x14: {  	_ = 	snop;
	(pc) =	sbr.rel @!p1 .LBB2_9-.Ltmp1, $1  }
0x15: {  	_ =	sdelay $0x3  }
.LBB2_1:
0x16: {  	[dreg:$0x8] =	wrdreg s2  }
0x17: {  	s1 =	rddreg [dreg:$0x4];
	s30 =	simm.s32 $0x80;
	s3 =	simm.s32 $0x100  }
0x18: {  	[tilespmem:s0], [sflag:$0x1] =	stream.strided.gather [hbm4b:s1+s30], $0x1480, s3, s30, $0x38;
	[tilespmem:$0x4800] =	vst v63  }
0x19: {  	_ =	swait.ge [sflag:s4], $0x1480  }
0x1a: {  	[sflag:s4] =	ssyncset.done $0x0  }
0x1b: {  	s31 =	rddreg [dreg:$0x3];
	[sflag:s4] =	ssyncadd.s32 $0xFFFFEB80  }
0x1c: {  	[tilespmem:s5], [sflag:$0x1] =	stream.linear.gather [hbm4b:s31+s0], $0x3380, $0x38;
	[tilespmem:$0x4800] =	vst v63  }
0x1d: {  	_ =	swait.ge [sflag:s4], $0x3380  }
0x1e: {  	s15 =	simm.s32 $0x118;
	[sflag:s4] =	ssyncset.done $0x0  }
0x1f: {  	s16 =	simm.s32 $0x40;
	s0 =	simm.s32 $0xFFFFFFF8;
	[sflag:s4] =	ssyncadd.s32 $0xFFFFCC80  }
.LBB2_2:
0x20: {  	v3 =	vld [tilespmem:s16+$0xFFFFFFC0];
	_ =	sdelay $0x4  }
0x21: {  	(v2sf) =	vpush v3, $0xD;
	_ =	sdelay $0x1  }
0x22: {  	(v2sf) =	vpush v3, $0xC;
	_ =	sdelay $0x1  }
0x23: {  	(v2sf) =	vpush v3, $0xE;
	_ =	sdelay $0x1  }
0x24: {  	(v2sf) =	vpush v3, $0xF;
	_ =	sdelay $0x1  }
0x25: {  	(v2sf) =	vpush v3, $0x9;
	_ =	sdelay $0x1  }
0x26: {  	(v2sf) =	vpush v3, $0x8;
	_ =	sdelay $0x1  }
0x27: {  	(v2sf) =	vpush v3, $0xA;
	_ =	sdelay $0x1  }
0x28: {  	(v2sf) =	vpush v3, $0xB  }
0x29: {  	s17 =	spop (v2sf)  }
0x2a: {  	(v2sf) =	vpush v3, $0x0;
	s18 =	smulhi.u32 $0x66666667, s17;
	s17 =	sshra.s32 s17, $0x1F  }
0x2b: {  	s19 =	spop (v2sf);
	(v2sf) =	vpush v3, $0x1;
	s17 =	smul.u32 $0x66666667, s17  }
0x2c: {  	s20 =	smulhi.u32 $0x66666667, s19;
	s19 =	sshra.s32 s19, $0x1F;
	(v2sf) =	vpush v3, $0x2  }
0x2d: {  	s21 =	spop (v2sf);
	s19 =	smul.u32 $0x66666667, s19;
	(v2sf) =	vpush v3, $0x3  }
0x2e: {  	s22 =	smulhi.u32 $0x66666667, s21;
	s21 =	sshra.s32 s21, $0x1F;
	(v2sf) =	vpush v3, $0x4  }
0x2f: {  	s23 =	spop (v2sf);
	s21 =	smul.u32 $0x66666667, s21;
	(v2sf) =	vpush v3, $0x5  }
0x30: {  	[dreg:$0x9] =	wrdreg s0;
	s24 =	smulhi.u32 $0x66666667, s23;
	s4 =	sshra.s32 s23, $0x1F;
	(v2sf) =	vpush v3, $0x6  }
0x31: {  	s17 =	sadd.s32 s17, s18;
	s5 =	spop (v2sf);
	s23 =	smul.u32 $0x66666667, s4;
	(v2sf) =	vpush v3, $0x7  }
0x32: {  	s26 =	sshrl.u32 s17, $0x1F;
	s25 =	smulhi.u32 $0x66666667, s5;
	s18 =	sshra.s32 s5, $0x1F  }
0x33: {  	s20 =	sadd.s32 s19, s20;
	s6 =	spop (v2sf);
	s28 =	smul.u32 $0x66666667, s18  }
0x34: {  	s31 =	sshrl.u32 s20, $0x1F;
	s7 =	smulhi.u32 $0x66666667, s6;
	s19 =	sshra.s32 s6, $0x1F  }
0x35: {  	s18 =	sadd.s32 s21, s22;
	s9 =	spop (v2sf);
	s1 =	smul.u32 $0x66666667, s19  }
0x36: {  	s19 =	sadd.s32 s23, s24;
	s23 =	smulhi.u32 $0x66666667, s9;
	s21 =	sshra.s32 s9, $0x1F  }
0x37: {  	s29 =	sshrl.u32 s18, $0x1F;
	s10 =	spop (v2sf);
	s0 =	smul.u32 $0x66666667, s21  }
0x38: {  	s30 =	sshrl.u32 s19, $0x1F;
	s12 =	smulhi.u32 $0x66666667, s10;
	s24 =	sshra.s32 s10, $0x1F  }
0x39: {  	s21 =	sadd.s32 s28, s25;
	s8 =	smul.u32 $0x66666667, s24;
	s11 =	spop (v2sf)  }
0x3a: {  	s9 =	smulhi.u32 $0x66666667, s11;
	s13 =	sshra.s32 s11, $0x1F;
	s6 =	spop (v2sf)  }
0x3b: {  	s28 =	sshrl.u32 s21, $0x1F;
	s14 =	smul.u32 $0x66666667, s13;
	s10 =	spop (v2sf)  }
0x3c: {  	s3 =	smulhi.u32 $0x66666667, s6;
	s6 =	sshra.s32 s6, $0x1F;
	s4 =	spop (v2sf)  }
0x3d: {  	s24 =	sadd.s32 s1, s7;
	s6 =	smul.u32 $0x66666667, s6;
	s7 =	spop (v2sf)  }
0x3e: {  	s2 =	smulhi.u32 $0x66666667, s10;
	s22 =	sshra.s32 s10, $0x1F;
	s10 =	spop (v2sf)  }
0x3f: {  	s25 =	sadd.s32 s0, s23;
	s0 =	smul.u32 $0x66666667, s22;
	s13 =	spop (v2sf)  }
0x40: {  	s22 =	sadd.s32 s8, s12;
	s8 =	smulhi.u32 $0x66666667, s4;
	s11 =	spop (v2sf)  }
0x41: {  	s1 =	sadd.s32 s14, s9;
	s14 =	smulhi.u32 $0x66666667, s11;
	s12 =	sshra.s32 s11, $0x1F  }
0x42: {  	s3 =	sadd.s32 s6, s3;
	s6 =	sshrl.u32 s1, $0x1F;
	s23 =	smul.u32 $0x66666667, s12  }
0x43: {  	s5 =	sshrl.u32 s24, $0x1F;
	s4 =	sshra.s32 s4, $0x1F;
	v6 =	vmov s6;
	s6 =	smulhi.u32 $0x66666667, s10  }
0x44: {  	v5 =	vmov s31;
	s0 =	sadd.s32 s0, s2;
	s11 =	smul.u32 $0x66666667, s4;
	s23 =	sadd.s32 s23, s14  }
0x45: {  	v5 =	vsel vm0, s26, v5;
	s10 =	sshra.s32 s10, $0x1F;
	s31 =	sshra.s32 s3, $0x4;
	s9 =	sshra.s32 s23, $0x1F  }
0x46: {  	v5 =	vsel vm1, s29, v5;
	s10 =	smul.u32 $0x66666667, s10;
	s2 =	sadd.s32 s11, s8;
	s11 =	sshra.s32 s1, $0x4;
	v4 =	vmov s9  }
0x47: {  	v5 =	vsel vm2, s30, v5;
	s29 =	sshra.s32 s13, $0x1F;
	s30 =	sshra.s32 s0, $0x4;
	s1 =	sshra.s32 s1, $0x1F;
	v4 =	vsel vm3, s11, v4  }
0x48: {  	s4 =	sshrl.u32 s22, $0x1F;
	s12 =	sshrl.u32 s25, $0x1F;
	s8 =	smulhi.u32 $0x66666667, s7;
	v4 =	vsel vm9, s1, v4  }
0x49: {  	s7 =	sshra.s32 s7, $0x1F;
	s14 =	sshrl.u32 s3, $0x1F;
	s3 =	sshra.s32 s3, $0x1F;
	v4 =	vsel vm0, s31, v4  }
0x4a: {  	v7 =	vmov s5;
	v6 =	vnsel vm3, $0x0, v6;
	s6 =	sadd.s32 s10, s6;
	s7 =	smul.u32 $0x66666667, s7;
	s26 =	sshrl.u32 s2, $0x1F;
	v4 =	vsel vm10, s3, v4  }
0x4b: {  	v7 =	vsel vm0, s28, v7;
	v6 =	vsel vm0, s14, v6;
	s14 =	smulhi.u32 $0x66666667, s13;
	s11 =	sshrl.u32 s0, $0x1F;
	s0 =	sshra.s32 s0, $0x1F;
	v4 =	vsel vm1, s30, v4  }
0x4c: {  	v7 =	vsel vm1, s12, v7;
	s10 =	sshra.s32 s2, $0x4;
	v6 =	vsel vm1, s11, v6;
	s31 =	sadd.s32 s7, s8;
	s8 =	smul.u32 $0x66666667, s29;
	v4 =	vsel vm11, s0, v4  }
0x4d: {  	s28 =	sshra.s32 s24, $0x4;
	s12 =	sshra.s32 s2, $0x1F;
	v7 =	vsel vm2, s4, v7;
	v6 =	vsel vm2, s26, v6;
	s26 =	sshra.s32 s20, $0x4;
	v4 =	vsel vm2, s10, v4  }
0x4e: {  	v8 =	vmov s28;
	v5 =	vcombine.low v7, v5;
	s9 =	sshrl.u32 s31, $0x1F;
	s3 =	sadd.s32 s8, s14;
	s14 =	sshra.s32 s31, $0x4;
	v4 =	vsel vm12, s12, v4  }
0x4f: {  	s11 =	sshrl.u32 s6, $0x1F;
	s29 =	sshra.s32 s31, $0x1F;
	v21 =	vmov s26;
	v6 =	vsel vm4, s9, v6;
	s30 =	sshra.s32 s17, $0x4;
	v4 =	vsel vm4, s14, v4  }
0x50: {  	s5 =	sshra.s32 s6, $0x4;
	s31 =	sshra.s32 s21, $0x4;
	v6 =	vsel vm5, s11, v6;
	s13 =	sshrl.u32 s3, $0x1F;
	v7 =	vsel vm0, s30, v21;
	v4 =	vsel vm13, s29, v4  }
0x51: {  	s7 =	sshra.s32 s18, $0x4;
	s8 =	sshra.s32 s25, $0x4;
	s9 =	sshra.s32 s6, $0x1F;
	v8 =	vsel vm0, s31, v8;
	v6 =	vsel vm6, s13, v6;
	v4 =	vsel vm5, s5, v4  }
0x52: {  	s11 =	sshra.s32 s22, $0x4;
	v7 =	vsel vm1, s7, v7;
	s10 =	sshra.s32 s19, $0x4;
	v8 =	vsel vm1, s8, v8;
	s12 =	sshra.s32 s3, $0x4;
	v4 =	vsel vm14, s9, v4  }
0x53: {  	s13 =	sshrl.u32 s23, $0x1F;
	v7 =	vsel vm2, s10, v7;
	v8 =	vsel vm2, s11, v8;
	s14 =	sshra.s32 s3, $0x1F;
	v4 =	vsel vm6, s12, v4  }
0x54: {  	s17 =	sshra.s32 s23, $0x4;
	v6 =	vsel vm7, s13, v6;
	v7 =	vcombine.low v8, v7;
	v4 =	vsel vm15, s14, v4  }
0x55: {  	v5 =	vperm.xlane v5, v0;
	v6 =	vperm.xlane v6, v1;
	v4 =	vsel vm7, s17, v4  }
0x56: {  	v7 =	vperm.xlane v7, v0;
	v4 =	vperm.xlane v4, v1;
	_ =	sdelay $0x1  }
0x57: {  	v5 =	vsel vm8, v6, v5;
	v4 =	vsel vm8, v4, v7  }
0x58: {  	v4 =	vadd.s32 v5, v4  }
0x59: {  	v4 =	vmul.u32 $0x28, v4;
	_ =	sdelay $0x1  }
0x5a: {  	s18 =	sadd.s32 $0xFFFFFEE8, s15;
	v3 =	vsub.s32 v3, v4  }
0x5b: {  	v3 =	vadd.s32 s18, v3;
	_ =	sdelay $0x3  }
0x5c: {  	s19 =	simm.s32 $0x1480  }
0x5d: {  	[tilespmem:v3+s19+$0x0] =	vst.idx.add.f32.msk $0xffff, v2  }
0x5e: {  	v3 =	vld [tilespmem:s16+$0xFFFFFFD0];
	_ =	sdelay $0x4  }
0x5f: {  	(v2sf) =	vpush v3, $0xD;
	_ =	sdelay $0x1  }
0x60: {  	(v2sf) =	vpush v3, $0xC;
	_ =	sdelay $0x1  }
0x61: {  	(v2sf) =	vpush v3, $0xE;
	_ =	sdelay $0x1  }
0x62: {  	(v2sf) =	vpush v3, $0xF;
	_ =	sdelay $0x1  }
0x63: {  	(v2sf) =	vpush v3, $0x9;
	_ =	sdelay $0x1  }
0x64: {  	(v2sf) =	vpush v3, $0x8;
	_ =	sdelay $0x1  }
0x65: {  	(v2sf) =	vpush v3, $0xA;
	_ =	sdelay $0x1  }
0x66: {  	(v2sf) =	vpush v3, $0xB  }
0x67: {  	s20 =	spop (v2sf)  }
0x68: {  	(v2sf) =	vpush v3, $0x0;
	s21 =	smulhi.u32 $0x66666667, s20;
	s0 =	sshra.s32 s20, $0x1F  }
0x69: {  	(v2sf) =	vpush v3, $0x1;
	s22 =	spop (v2sf);
	s0 =	smul.u32 $0x66666667, s0  }
0x6a: {  	(v2sf) =	vpush v3, $0x2;
	s23 =	smulhi.u32 $0x66666667, s22;
	s2 =	sshra.s32 s22, $0x1F  }
0x6b: {  	(v2sf) =	vpush v3, $0x3;
	s24 =	spop (v2sf);
	s2 =	smul.u32 $0x66666667, s2  }
0x6c: {  	(v2sf) =	vpush v3, $0x4;
	s25 =	smulhi.u32 $0x66666667, s24;
	s4 =	sshra.s32 s24, $0x1F  }
0x6d: {  	(v2sf) =	vpush v3, $0x5;
	s26 =	spop (v2sf);
	s4 =	smul.u32 $0x66666667, s4  }
0x6e: {  	(v2sf) =	vpush v3, $0x6;
	s28 =	smulhi.u32 $0x66666667, s26;
	s29 =	sshra.s32 s26, $0x1F  }
0x6f: {  	s17 =	sadd.s32 s0, s21;
	s30 =	spop (v2sf);
	(v2sf) =	vpush v3, $0x7;
	s1 =	smul.u32 $0x66666667, s29  }
0x70: {  	s26 =	sshrl.u32 s17, $0x1F;
	s31 =	smulhi.u32 $0x66666667, s30;
	s7 =	sshra.s32 s30, $0x1F  }
0x71: {  	s20 =	sadd.s32 s2, s23;
	s8 =	spop (v2sf);
	s3 =	smul.u32 $0x66666667, s7  }
0x72: {  	s6 =	sshrl.u32 s20, $0x1F;
	s9 =	smulhi.u32 $0x66666667, s8;
	s23 =	sshra.s32 s8, $0x1F  }
0x73: {  	s18 =	sadd.s32 s4, s25;
	s24 =	spop (v2sf);
	s5 =	smul.u32 $0x66666667, s23  }
0x74: {  	s29 =	sshrl.u32 s18, $0x1F;
	s25 =	smulhi.u32 $0x66666667, s24;
	s10 =	sshra.s32 s24, $0x1F  }
0x75: {  	s19 =	sadd.s32 s1, s28;
	s11 =	spop (v2sf);
	s1 =	smul.u32 $0x66666667, s10  }
0x76: {  	s30 =	sshrl.u32 s19, $0x1F;
	s2 =	smulhi.u32 $0x66666667, s11;
	s12 =	sshra.s32 s11, $0x1F  }
0x77: {  	s21 =	sadd.s32 s3, s31;
	s13 =	spop (v2sf);
	s3 =	smul.u32 $0x66666667, s12  }
0x78: {  	s8 =	smulhi.u32 $0x66666667, s13;
	s7 =	sshra.s32 s13, $0x1F;
	s22 =	spop (v2sf)  }
0x79: {  	s28 =	sshrl.u32 s21, $0x1F;
	s23 =	smul.u32 $0x66666667, s7;
	s31 =	spop (v2sf)  }
0x7a: {  	s24 =	sadd.s32 s5, s9;
	s7 =	smulhi.u32 $0x66666667, s22;
	s10 =	spop (v2sf)  }
0x7b: {  	s9 =	sshra.s32 s22, $0x1F;
	s11 =	sshrl.u32 s24, $0x1F;
	s12 =	spop (v2sf)  }
0x7c: {  	s13 =	smulhi.u32 $0x66666667, s31;
	s5 =	sshra.s32 s31, $0x1F;
	s31 =	spop (v2sf)  }
0x7d: {  	s25 =	sadd.s32 s1, s25;
	s9 =	smul.u32 $0x66666667, s9;
	s1 =	spop (v2sf)  }
0x7e: {  	s22 =	sadd.s32 s3, s2;
	s0 =	smul.u32 $0x66666667, s5;
	s5 =	spop (v2sf)  }
0x7f: {  	v25 =	vmov s11;
	s4 =	sadd.s32 s23, s8;
	s23 =	smulhi.u32 $0x66666667, s5;
	s3 =	sshra.s32 s5, $0x1F  }
0x80: {  	v7 =	vsel vm0, s28, v25;
	s28 =	sshra.s32 s24, $0x4;
	s7 =	sadd.s32 s9, s7;
	s3 =	smul.u32 $0x66666667, s3  }
0x81: {  	v23 =	vmov s6;
	s9 =	sshrl.u32 s25, $0x1F;
	s2 =	smulhi.u32 $0x66666667, s10;
	s10 =	sshra.s32 s10, $0x1F  }
0x82: {  	v5 =	vsel vm0, s26, v23;
	s0 =	sadd.s32 s0, s13;
	s8 =	smul.u32 $0x66666667, s10;
	s23 =	sadd.s32 s3, s23  }
0x83: {  	v5 =	vsel vm1, s29, v5;
	s29 =	sshra.s32 s7, $0x1F;
	s10 =	sshrl.u32 s22, $0x1F;
	s13 =	sshra.s32 s23, $0x1F  }
0x84: {  	s2 =	sadd.s32 s8, s2;
	s8 =	sshra.s32 s12, $0x1F;
	v22 =	vmov s13;
	s13 =	sshra.s32 s4, $0x4  }
0x85: {  	v5 =	vsel vm2, s30, v5;
	s30 =	smulhi.u32 $0x66666667, s1;
	s3 =	sshrl.u32 s4, $0x1F;
	s4 =	sshra.s32 s4, $0x1F;
	v4 =	vsel vm3, s13, v22  }
0x86: {  	v24 =	vmov s3;
	s3 =	smulhi.u32 $0x66666667, s31;
	s13 =	sshra.s32 s31, $0x1F;
	s31 =	sshra.s32 s7, $0x4;
	v4 =	vsel vm9, s4, v4  }
0x87: {  	s1 =	sshra.s32 s1, $0x1F;
	s5 =	smulhi.u32 $0x66666667, s12;
	s12 =	sshrl.u32 s7, $0x1F;
	v4 =	vsel vm0, s31, v4  }
0x88: {  	s6 =	smul.u32 $0x66666667, s8;
	s8 =	sshrl.u32 s0, $0x1F;
	v6 =	vnsel vm3, $0x0, v24;
	s31 =	sshra.s32 s0, $0x4;
	v4 =	vsel vm10, s29, v4  }
0x89: {  	s26 =	sshrl.u32 s2, $0x1F;
	s1 =	smul.u32 $0x66666667, s1;
	v6 =	vsel vm0, s12, v6;
	s0 =	sshra.s32 s0, $0x1F;
	v4 =	vsel vm1, s31, v4  }
0x8a: {  	v7 =	vsel vm1, s9, v7;
	s5 =	sadd.s32 s6, s5;
	s13 =	smul.u32 $0x66666667, s13;
	v6 =	vsel vm1, s8, v6;
	s8 =	sshra.s32 s2, $0x4;
	v4 =	vsel vm11, s0, v4  }
0x8b: {  	v27 =	vmov s28;
	v7 =	vsel vm2, s10, v7;
	s11 =	sshra.s32 s2, $0x1F;
	s1 =	sadd.s32 s1, s30;
	s6 =	sshrl.u32 s5, $0x1F;
	v4 =	vsel vm2, s8, v4  }
0x8c: {  	v5 =	vcombine.low v7, v5;
	v6 =	vsel vm2, s26, v6;
	s26 =	sshra.s32 s20, $0x4;
	s3 =	sadd.s32 s13, s3;
	s13 =	sshra.s32 s5, $0x4;
	v4 =	vsel vm12, s11, v4  }
0x8d: {  	s30 =	sshra.s32 s17, $0x4;
	v6 =	vsel vm4, s6, v6;
	s29 =	sshra.s32 s5, $0x1F;
	v26 =	vmov s26;
	s9 =	sshrl.u32 s3, $0x1F;
	v4 =	vsel vm4, s13, v4  }
0x8e: {  	s7 =	sshra.s32 s18, $0x4;
	s31 =	sshra.s32 s21, $0x4;
	s6 =	sshra.s32 s3, $0x4;
	v7 =	vsel vm0, s30, v26;
	v6 =	vsel vm5, s9, v6;
	v4 =	vsel vm13, s29, v4  }
0x8f: {  	s12 =	sshrl.u32 s1, $0x1F;
	v8 =	vsel vm0, s31, v27;
	s9 =	sshra.s32 s3, $0x1F;
	v7 =	vsel vm1, s7, v7;
	s8 =	sshra.s32 s25, $0x4;
	v4 =	vsel vm5, s6, v4  }
0x90: {  	s10 =	sshra.s32 s19, $0x4;
	v6 =	vsel vm6, s12, v6;
	s12 =	sshra.s32 s1, $0x4;
	v8 =	vsel vm1, s8, v8;
	s11 =	sshra.s32 s22, $0x4;
	v4 =	vsel vm14, s9, v4  }
0x91: {  	s17 =	sshra.s32 s1, $0x1F;
	v7 =	vsel vm2, s10, v7;
	s13 =	sshrl.u32 s23, $0x1F;
	v8 =	vsel vm2, s11, v8;
	v4 =	vsel vm6, s12, v4  }
0x92: {  	s18 =	sshra.s32 s23, $0x4;
	v6 =	vsel vm7, s13, v6;
	v7 =	vcombine.low v8, v7;
	v4 =	vsel vm15, s17, v4  }
0x93: {  	v5 =	vperm.xlane v5, v0;
	v6 =	vperm.xlane v6, v1;
	v4 =	vsel vm7, s18, v4  }
0x94: {  	v7 =	vperm.xlane v7, v0;
	v4 =	vperm.xlane v4, v1;
	_ =	sdelay $0x1  }
0x95: {  	v5 =	vsel vm8, v6, v5;
	v4 =	vsel vm8, v4, v7  }
0x96: {  	v4 =	vadd.s32 v5, v4  }
0x97: {  	v4 =	vmul.u32 $0x28, v4;
	_ =	sdelay $0x1  }
0x98: {  	s19 =	sadd.s32 $0xFFFFFF10, s15;
	v3 =	vsub.s32 v3, v4  }
0x99: {  	v3 =	vadd.s32 s19, v3;
	_ =	sdelay $0x3  }
0x9a: {  	s14 =	simm.s32 $0x1480  }
0x9b: {  	[tilespmem:v3+s14+$0x0] =	vst.idx.add.f32.msk $0xffff, v2  }
0x9c: {  	v3 =	vld [tilespmem:s16+$0xFFFFFFE0];
	_ =	sdelay $0x4  }
0x9d: {  	(v2sf) =	vpush v3, $0xD;
	_ =	sdelay $0x1  }
0x9e: {  	(v2sf) =	vpush v3, $0xC;
	_ =	sdelay $0x1  }
0x9f: {  	(v2sf) =	vpush v3, $0xE;
	_ =	sdelay $0x1  }
0xa0: {  	(v2sf) =	vpush v3, $0xF;
	_ =	sdelay $0x1  }
0xa1: {  	(v2sf) =	vpush v3, $0x9;
	_ =	sdelay $0x1  }
0xa2: {  	(v2sf) =	vpush v3, $0x8;
	_ =	sdelay $0x1  }
0xa3: {  	(v2sf) =	vpush v3, $0xA;
	_ =	sdelay $0x1  }
0xa4: {  	(v2sf) =	vpush v3, $0xB  }
0xa5: {  	s20 =	spop (v2sf)  }
0xa6: {  	(v2sf) =	vpush v3, $0x0;
	s21 =	smulhi.u32 $0x66666667, s20;
	s0 =	sshra.s32 s20, $0x1F  }
0xa7: {  	(v2sf) =	vpush v3, $0x1;
	s22 =	spop (v2sf);
	s0 =	smul.u32 $0x66666667, s0  }
0xa8: {  	(v2sf) =	vpush v3, $0x2;
	s23 =	smulhi.u32 $0x66666667, s22;
	s2 =	sshra.s32 s22, $0x1F  }
0xa9: {  	(v2sf) =	vpush v3, $0x3;
	s24 =	spop (v2sf);
	s2 =	smul.u32 $0x66666667, s2  }
0xaa: {  	(v2sf) =	vpush v3, $0x4;
	s25 =	smulhi.u32 $0x66666667, s24;
	s4 =	sshra.s32 s24, $0x1F  }
0xab: {  	(v2sf) =	vpush v3, $0x5;
	s26 =	spop (v2sf);
	s4 =	smul.u32 $0x66666667, s4  }
0xac: {  	(v2sf) =	vpush v3, $0x6;
	s28 =	smulhi.u32 $0x66666667, s26;
	s29 =	sshra.s32 s26, $0x1F  }
0xad: {  	s17 =	sadd.s32 s0, s21;
	s30 =	spop (v2sf);
	(v2sf) =	vpush v3, $0x7;
	s1 =	smul.u32 $0x66666667, s29  }
0xae: {  	s26 =	sshrl.u32 s17, $0x1F;
	s31 =	smulhi.u32 $0x66666667, s30;
	s7 =	sshra.s32 s30, $0x1F  }
0xaf: {  	s20 =	sadd.s32 s2, s23;
	s8 =	spop (v2sf);
	s3 =	smul.u32 $0x66666667, s7  }
0xb0: {  	s6 =	sshrl.u32 s20, $0x1F;
	s9 =	smulhi.u32 $0x66666667, s8;
	s23 =	sshra.s32 s8, $0x1F  }
0xb1: {  	s18 =	sadd.s32 s4, s25;
	s24 =	spop (v2sf);
	s5 =	smul.u32 $0x66666667, s23  }
0xb2: {  	s29 =	sshrl.u32 s18, $0x1F;
	s25 =	smulhi.u32 $0x66666667, s24;
	s10 =	sshra.s32 s24, $0x1F  }
0xb3: {  	s19 =	sadd.s32 s1, s28;
	s11 =	spop (v2sf);
	s1 =	smul.u32 $0x66666667, s10  }
0xb4: {  	s30 =	sshrl.u32 s19, $0x1F;
	s2 =	smulhi.u32 $0x66666667, s11;
	s12 =	sshra.s32 s11, $0x1F  }
0xb5: {  	s21 =	sadd.s32 s3, s31;
	s13 =	spop (v2sf);
	s3 =	smul.u32 $0x66666667, s12  }
0xb6: {  	s8 =	smulhi.u32 $0x66666667, s13;
	s7 =	sshra.s32 s13, $0x1F;
	s22 =	spop (v2sf)  }
0xb7: {  	s28 =	sshrl.u32 s21, $0x1F;
	s23 =	smul.u32 $0x66666667, s7;
	s31 =	spop (v2sf)  }
0xb8: {  	s24 =	sadd.s32 s5, s9;
	s7 =	smulhi.u32 $0x66666667, s22;
	s10 =	spop (v2sf)  }
0xb9: {  	s9 =	sshra.s32 s22, $0x1F;
	s11 =	sshrl.u32 s24, $0x1F;
	s12 =	spop (v2sf)  }
0xba: {  	s13 =	smulhi.u32 $0x66666667, s31;
	s5 =	sshra.s32 s31, $0x1F;
	s31 =	spop (v2sf)  }
0xbb: {  	s25 =	sadd.s32 s1, s25;
	s9 =	smul.u32 $0x66666667, s9;
	s1 =	spop (v2sf)  }
0xbc: {  	s22 =	sadd.s32 s3, s2;
	s0 =	smul.u32 $0x66666667, s5;
	s5 =	spop (v2sf)  }
0xbd: {  	v31 =	vmov s11;
	s4 =	sadd.s32 s23, s8;
	s23 =	smulhi.u32 $0x66666667, s5;
	s3 =	sshra.s32 s5, $0x1F  }
0xbe: {  	v7 =	vsel vm0, s28, v31;
	s28 =	sshra.s32 s24, $0x4;
	s7 =	sadd.s32 s9, s7;
	s3 =	smul.u32 $0x66666667, s3  }
0xbf: {  	v29 =	vmov s6;
	s9 =	sshrl.u32 s25, $0x1F;
	s2 =	smulhi.u32 $0x66666667, s10;
	s10 =	sshra.s32 s10, $0x1F  }
0xc0: {  	v5 =	vsel vm0, s26, v29;
	s0 =	sadd.s32 s0, s13;
	s8 =	smul.u32 $0x66666667, s10;
	s23 =	sadd.s32 s3, s23  }
0xc1: {  	v5 =	vsel vm1, s29, v5;
	s29 =	sshra.s32 s7, $0x1F;
	s10 =	sshrl.u32 s22, $0x1F;
	s13 =	sshra.s32 s23, $0x1F  }
0xc2: {  	s2 =	sadd.s32 s8, s2;
	s8 =	sshra.s32 s12, $0x1F;
	v28 =	vmov s13;
	s13 =	sshra.s32 s4, $0x4  }
0xc3: {  	v5 =	vsel vm2, s30, v5;
	s30 =	smulhi.u32 $0x66666667, s1;
	s3 =	sshrl.u32 s4, $0x1F;
	s4 =	sshra.s32 s4, $0x1F;
	v4 =	vsel vm3, s13, v28  }
0xc4: {  	v30 =	vmov s3;
	s3 =	smulhi.u32 $0x66666667, s31;
	s13 =	sshra.s32 s31, $0x1F;
	s31 =	sshra.s32 s7, $0x4;
	v4 =	vsel vm9, s4, v4  }
0xc5: {  	s1 =	sshra.s32 s1, $0x1F;
	s5 =	smulhi.u32 $0x66666667, s12;
	s12 =	sshrl.u32 s7, $0x1F;
	v4 =	vsel vm0, s31, v4  }
0xc6: {  	s6 =	smul.u32 $0x66666667, s8;
	s8 =	sshrl.u32 s0, $0x1F;
	v6 =	vnsel vm3, $0x0, v30;
	s31 =	sshra.s32 s0, $0x4;
	v4 =	vsel vm10, s29, v4  }
0xc7: {  	s26 =	sshrl.u32 s2, $0x1F;
	s1 =	smul.u32 $0x66666667, s1;
	v6 =	vsel vm0, s12, v6;
	s0 =	sshra.s32 s0, $0x1F;
	v4 =	vsel vm1, s31, v4  }
0xc8: {  	v7 =	vsel vm1, s9, v7;
	s5 =	sadd.s32 s6, s5;
	s13 =	smul.u32 $0x66666667, s13;
	v6 =	vsel vm1, s8, v6;
	s8 =	sshra.s32 s2, $0x4;
	v4 =	vsel vm11, s0, v4  }
0xc9: {  	v33 =	vmov s28;
	v7 =	vsel vm2, s10, v7;
	s11 =	sshra.s32 s2, $0x1F;
	s1 =	sadd.s32 s1, s30;
	s6 =	sshrl.u32 s5, $0x1F;
	v4 =	vsel vm2, s8, v4  }
0xca: {  	v5 =	vcombine.low v7, v5;
	v6 =	vsel vm2, s26, v6;
	s26 =	sshra.s32 s20, $0x4;
	s3 =	sadd.s32 s13, s3;
	s13 =	sshra.s32 s5, $0x4;
	v4 =	vsel vm12, s11, v4  }
0xcb: {  	s30 =	sshra.s32 s17, $0x4;
	v6 =	vsel vm4, s6, v6;
	s29 =	sshra.s32 s5, $0x1F;
	v32 =	vmov s26;
	s9 =	sshrl.u32 s3, $0x1F;
	v4 =	vsel vm4, s13, v4  }
0xcc: {  	s7 =	sshra.s32 s18, $0x4;
	s31 =	sshra.s32 s21, $0x4;
	s6 =	sshra.s32 s3, $0x4;
	v7 =	vsel vm0, s30, v32;
	v6 =	vsel vm5, s9, v6;
	v4 =	vsel vm13, s29, v4  }
0xcd: {  	s12 =	sshrl.u32 s1, $0x1F;
	v8 =	vsel vm0, s31, v33;
	s9 =	sshra.s32 s3, $0x1F;
	v7 =	vsel vm1, s7, v7;
	s8 =	sshra.s32 s25, $0x4;
	v4 =	vsel vm5, s6, v4  }
0xce: {  	s10 =	sshra.s32 s19, $0x4;
	v6 =	vsel vm6, s12, v6;
	s12 =	sshra.s32 s1, $0x4;
	v8 =	vsel vm1, s8, v8;
	s11 =	sshra.s32 s22, $0x4;
	v4 =	vsel vm14, s9, v4  }
0xcf: {  	s17 =	sshra.s32 s1, $0x1F;
	v7 =	vsel vm2, s10, v7;
	s13 =	sshrl.u32 s23, $0x1F;
	v8 =	vsel vm2, s11, v8;
	v4 =	vsel vm6, s12, v4  }
0xd0: {  	s18 =	sshra.s32 s23, $0x4;
	v6 =	vsel vm7, s13, v6;
	v7 =	vcombine.low v8, v7;
	v4 =	vsel vm15, s17, v4  }
0xd1: {  	v5 =	vperm.xlane v5, v0;
	v6 =	vperm.xlane v6, v1;
	v4 =	vsel vm7, s18, v4  }
0xd2: {  	v7 =	vperm.xlane v7, v0;
	v4 =	vperm.xlane v4, v1;
	_ =	sdelay $0x1  }
0xd3: {  	v5 =	vsel vm8, v6, v5;
	v4 =	vsel vm8, v4, v7  }
0xd4: {  	v4 =	vadd.s32 v5, v4  }
0xd5: {  	v4 =	vmul.u32 $0x28, v4;
	_ =	sdelay $0x1  }
0xd6: {  	s19 =	sadd.s32 $0xFFFFFF38, s15;
	v3 =	vsub.s32 v3, v4  }
0xd7: {  	v3 =	vadd.s32 s19, v3;
	_ =	sdelay $0x3  }
0xd8: {  	s14 =	simm.s32 $0x1480  }
0xd9: {  	[tilespmem:v3+s14+$0x0] =	vst.idx.add.f32.msk $0xffff, v2  }
0xda: {  	v3 =	vld [tilespmem:s16+$0xFFFFFFF0];
	_ =	sdelay $0x4  }
0xdb: {  	(v2sf) =	vpush v3, $0xD;
	_ =	sdelay $0x1  }
0xdc: {  	(v2sf) =	vpush v3, $0xC;
	_ =	sdelay $0x1  }
0xdd: {  	(v2sf) =	vpush v3, $0xE;
	_ =	sdelay $0x1  }
0xde: {  	(v2sf) =	vpush v3, $0xF;
	_ =	sdelay $0x1  }
0xdf: {  	(v2sf) =	vpush v3, $0x9;
	_ =	sdelay $0x1  }
0xe0: {  	(v2sf) =	vpush v3, $0x8;
	_ =	sdelay $0x1  }
0xe1: {  	(v2sf) =	vpush v3, $0xA;
	_ =	sdelay $0x1  }
0xe2: {  	(v2sf) =	vpush v3, $0xB  }
0xe3: {  	s20 =	spop (v2sf)  }
0xe4: {  	(v2sf) =	vpush v3, $0x0;
	s21 =	smulhi.u32 $0x66666667, s20;
	s0 =	sshra.s32 s20, $0x1F  }
0xe5: {  	(v2sf) =	vpush v3, $0x1;
	s22 =	spop (v2sf);
	s0 =	smul.u32 $0x66666667, s0  }
0xe6: {  	(v2sf) =	vpush v3, $0x2;
	s23 =	smulhi.u32 $0x66666667, s22;
	s2 =	sshra.s32 s22, $0x1F  }
0xe7: {  	(v2sf) =	vpush v3, $0x3;
	s24 =	spop (v2sf);
	s2 =	smul.u32 $0x66666667, s2  }
0xe8: {  	(v2sf) =	vpush v3, $0x4;
	s25 =	smulhi.u32 $0x66666667, s24;
	s4 =	sshra.s32 s24, $0x1F  }
0xe9: {  	(v2sf) =	vpush v3, $0x5;
	s26 =	spop (v2sf);
	s4 =	smul.u32 $0x66666667, s4  }
0xea: {  	(v2sf) =	vpush v3, $0x6;
	s28 =	smulhi.u32 $0x66666667, s26;
	s29 =	sshra.s32 s26, $0x1F  }
0xeb: {  	s17 =	sadd.s32 s0, s21;
	s30 =	spop (v2sf);
	(v2sf) =	vpush v3, $0x7;
	s1 =	smul.u32 $0x66666667, s29  }
0xec: {  	s26 =	sshrl.u32 s17, $0x1F;
	s31 =	smulhi.u32 $0x66666667, s30;
	s7 =	sshra.s32 s30, $0x1F  }
0xed: {  	s20 =	sadd.s32 s2, s23;
	s8 =	spop (v2sf);
	s3 =	smul.u32 $0x66666667, s7  }
0xee: {  	s6 =	sshrl.u32 s20, $0x1F;
	s9 =	smulhi.u32 $0x66666667, s8;
	s23 =	sshra.s32 s8, $0x1F  }
0xef: {  	s18 =	sadd.s32 s4, s25;
	s24 =	spop (v2sf);
	s5 =	smul.u32 $0x66666667, s23  }
0xf0: {  	s29 =	sshrl.u32 s18, $0x1F;
	s25 =	smulhi.u32 $0x66666667, s24;
	s10 =	sshra.s32 s24, $0x1F  }
0xf1: {  	s19 =	sadd.s32 s1, s28;
	s11 =	spop (v2sf);
	s1 =	smul.u32 $0x66666667, s10  }
0xf2: {  	s30 =	sshrl.u32 s19, $0x1F;
	s2 =	smulhi.u32 $0x66666667, s11;
	s12 =	sshra.s32 s11, $0x1F  }
0xf3: {  	s21 =	sadd.s32 s3, s31;
	s13 =	spop (v2sf);
	s3 =	smul.u32 $0x66666667, s12  }
0xf4: {  	s8 =	smulhi.u32 $0x66666667, s13;
	s7 =	sshra.s32 s13, $0x1F;
	s22 =	spop (v2sf)  }
0xf5: {  	s28 =	sshrl.u32 s21, $0x1F;
	s23 =	smul.u32 $0x66666667, s7;
	s31 =	spop (v2sf)  }
0xf6: {  	s24 =	sadd.s32 s5, s9;
	s7 =	smulhi.u32 $0x66666667, s22;
	s10 =	spop (v2sf)  }
0xf7: {  	s9 =	sshra.s32 s22, $0x1F;
	s11 =	sshrl.u32 s24, $0x1F;
	s12 =	spop (v2sf)  }
0xf8: {  	s13 =	smulhi.u32 $0x66666667, s31;
	s5 =	sshra.s32 s31, $0x1F;
	s31 =	spop (v2sf)  }
0xf9: {  	s25 =	sadd.s32 s1, s25;
	s9 =	smul.u32 $0x66666667, s9;
	s1 =	spop (v2sf)  }
0xfa: {  	s22 =	sadd.s32 s3, s2;
	s0 =	smul.u32 $0x66666667, s5;
	s5 =	spop (v2sf)  }
0xfb: {  	v37 =	vmov s11;
	s4 =	sadd.s32 s23, s8;
	s23 =	smulhi.u32 $0x66666667, s5;
	s3 =	sshra.s32 s5, $0x1F  }
0xfc: {  	v7 =	vsel vm0, s28, v37;
	s28 =	sshra.s32 s24, $0x4;
	s7 =	sadd.s32 s9, s7;
	s3 =	smul.u32 $0x66666667, s3  }
0xfd: {  	v35 =	vmov s6;
	s9 =	sshrl.u32 s25, $0x1F;
	s2 =	smulhi.u32 $0x66666667, s10;
	s10 =	sshra.s32 s10, $0x1F  }
0xfe: {  	v5 =	vsel vm0, s26, v35;
	s0 =	sadd.s32 s0, s13;
	s8 =	smul.u32 $0x66666667, s10;
	s23 =	sadd.s32 s3, s23  }
0xff: {  	v5 =	vsel vm1, s29, v5;
	s29 =	sshra.s32 s7, $0x1F;
	s10 =	sshrl.u32 s22, $0x1F;
	s13 =	sshra.s32 s23, $0x1F  }
0x100: {  	s2 =	sadd.s32 s8, s2;
	s8 =	sshra.s32 s12, $0x1F;
	v34 =	vmov s13;
	s13 =	sshra.s32 s4, $0x4  }
0x101: {  	v5 =	vsel vm2, s30, v5;
	s30 =	smulhi.u32 $0x66666667, s1;
	s3 =	sshrl.u32 s4, $0x1F;
	s4 =	sshra.s32 s4, $0x1F;
	v4 =	vsel vm3, s13, v34  }
0x102: {  	v36 =	vmov s3;
	s3 =	smulhi.u32 $0x66666667, s31;
	s13 =	sshra.s32 s31, $0x1F;
	s31 =	sshra.s32 s7, $0x4;
	v4 =	vsel vm9, s4, v4  }
0x103: {  	s1 =	sshra.s32 s1, $0x1F;
	s5 =	smulhi.u32 $0x66666667, s12;
	s12 =	sshrl.u32 s7, $0x1F;
	v4 =	vsel vm0, s31, v4  }
0x104: {  	s6 =	smul.u32 $0x66666667, s8;
	s8 =	sshrl.u32 s0, $0x1F;
	v6 =	vnsel vm3, $0x0, v36;
	s31 =	sshra.s32 s0, $0x4;
	v4 =	vsel vm10, s29, v4  }
0x105: {  	s26 =	sshrl.u32 s2, $0x1F;
	s1 =	smul.u32 $0x66666667, s1;
	v6 =	vsel vm0, s12, v6;
	s0 =	sshra.s32 s0, $0x1F;
	v4 =	vsel vm1, s31, v4  }
0x106: {  	v7 =	vsel vm1, s9, v7;
	s5 =	sadd.s32 s6, s5;
	s13 =	smul.u32 $0x66666667, s13;
	v6 =	vsel vm1, s8, v6;
	s8 =	sshra.s32 s2, $0x4;
	v4 =	vsel vm11, s0, v4  }
0x107: {  	v39 =	vmov s28;
	v7 =	vsel vm2, s10, v7;
	s11 =	sshra.s32 s2, $0x1F;
	s1 =	sadd.s32 s1, s30;
	s6 =	sshrl.u32 s5, $0x1F;
	v4 =	vsel vm2, s8, v4  }
0x108: {  	v5 =	vcombine.low v7, v5;
	v6 =	vsel vm2, s26, v6;
	s26 =	sshra.s32 s20, $0x4;
	s3 =	sadd.s32 s13, s3;
	s13 =	sshra.s32 s5, $0x4;
	v4 =	vsel vm12, s11, v4  }
0x109: {  	s30 =	sshra.s32 s17, $0x4;
	v6 =	vsel vm4, s6, v6;
	s29 =	sshra.s32 s5, $0x1F;
	v38 =	vmov s26;
	s9 =	sshrl.u32 s3, $0x1F;
	v4 =	vsel vm4, s13, v4  }
0x10a: {  	s7 =	sshra.s32 s18, $0x4;
	s31 =	sshra.s32 s21, $0x4;
	s6 =	sshra.s32 s3, $0x4;
	v7 =	vsel vm0, s30, v38;
	v6 =	vsel vm5, s9, v6;
	v4 =	vsel vm13, s29, v4  }
0x10b: {  	s12 =	sshrl.u32 s1, $0x1F;
	v8 =	vsel vm0, s31, v39;
	s9 =	sshra.s32 s3, $0x1F;
	v7 =	vsel vm1, s7, v7;
	s8 =	sshra.s32 s25, $0x4;
	v4 =	vsel vm5, s6, v4  }
0x10c: {  	s10 =	sshra.s32 s19, $0x4;
	v6 =	vsel vm6, s12, v6;
	s12 =	sshra.s32 s1, $0x4;
	v8 =	vsel vm1, s8, v8;
	s11 =	sshra.s32 s22, $0x4;
	v4 =	vsel vm14, s9, v4  }
0x10d: {  	s17 =	sshra.s32 s1, $0x1F;
	v7 =	vsel vm2, s10, v7;
	s13 =	sshrl.u32 s23, $0x1F;
	v8 =	vsel vm2, s11, v8;
	v4 =	vsel vm6, s12, v4  }
0x10e: {  	s18 =	sshra.s32 s23, $0x4;
	v6 =	vsel vm7, s13, v6;
	v7 =	vcombine.low v8, v7;
	v4 =	vsel vm15, s17, v4  }
0x10f: {  	v5 =	vperm.xlane v5, v0;
	v6 =	vperm.xlane v6, v1;
	v4 =	vsel vm7, s18, v4  }
0x110: {  	v7 =	vperm.xlane v7, v0;
	v4 =	vperm.xlane v4, v1;
	_ =	sdelay $0x1  }
0x111: {  	v5 =	vsel vm8, v6, v5;
	v4 =	vsel vm8, v4, v7  }
0x112: {  	v4 =	vadd.s32 v5, v4  }
0x113: {  	v4 =	vmul.u32 $0x28, v4;
	_ =	sdelay $0x1  }
0x114: {  	s19 =	sadd.s32 $0xFFFFFF60, s15;
	v3 =	vsub.s32 v3, v4  }
0x115: {  	v3 =	vadd.s32 s19, v3;
	_ =	sdelay $0x4  }
0x116: {  	[tilespmem:v3+s14+$0x0] =	vst.idx.add.f32.msk $0xffff, v2  }
0x117: {  	v3 =	vld [tilespmem:s16+$0x0];
	_ =	sdelay $0x4  }
0x118: {  	(v2sf) =	vpush v3, $0xD;
	_ =	sdelay $0x1  }
0x119: {  	(v2sf) =	vpush v3, $0xC;
	_ =	sdelay $0x1  }
0x11a: {  	(v2sf) =	vpush v3, $0xE;
	_ =	sdelay $0x1  }
0x11b: {  	(v2sf) =	vpush v3, $0xF;
	_ =	sdelay $0x1  }
0x11c: {  	(v2sf) =	vpush v3, $0x9;
	_ =	sdelay $0x1  }
0x11d: {  	(v2sf) =	vpush v3, $0x8;
	_ =	sdelay $0x1  }
0x11e: {  	(v2sf) =	vpush v3, $0xA;
	_ =	sdelay $0x1  }
0x11f: {  	(v2sf) =	vpush v3, $0xB  }
0x120: {  	s20 =	spop (v2sf)  }
0x121: {  	(v2sf) =	vpush v3, $0x0;
	s21 =	smulhi.u32 $0x66666667, s20;
	s0 =	sshra.s32 s20, $0x1F  }
0x122: {  	(v2sf) =	vpush v3, $0x1;
	s22 =	spop (v2sf);
	s0 =	smul.u32 $0x66666667, s0  }
0x123: {  	(v2sf) =	vpush v3, $0x2;
	s23 =	smulhi.u32 $0x66666667, s22;
	s2 =	sshra.s32 s22, $0x1F  }
0x124: {  	(v2sf) =	vpush v3, $0x3;
	s24 =	spop (v2sf);
	s2 =	smul.u32 $0x66666667, s2  }
0x125: {  	(v2sf) =	vpush v3, $0x4;
	s25 =	smulhi.u32 $0x66666667, s24;
	s4 =	sshra.s32 s24, $0x1F  }
0x126: {  	(v2sf) =	vpush v3, $0x5;
	s26 =	spop (v2sf);
	s4 =	smul.u32 $0x66666667, s4  }
0x127: {  	(v2sf) =	vpush v3, $0x6;
	s28 =	smulhi.u32 $0x66666667, s26;
	s29 =	sshra.s32 s26, $0x1F  }
0x128: {  	s17 =	sadd.s32 s0, s21;
	s30 =	spop (v2sf);
	(v2sf) =	vpush v3, $0x7;
	s1 =	smul.u32 $0x66666667, s29  }
0x129: {  	s26 =	sshrl.u32 s17, $0x1F;
	s31 =	smulhi.u32 $0x66666667, s30;
	s7 =	sshra.s32 s30, $0x1F  }
0x12a: {  	s20 =	sadd.s32 s2, s23;
	s8 =	spop (v2sf);
	s3 =	smul.u32 $0x66666667, s7  }
0x12b: {  	s6 =	sshrl.u32 s20, $0x1F;
	s9 =	smulhi.u32 $0x66666667, s8;
	s23 =	sshra.s32 s8, $0x1F  }
0x12c: {  	s18 =	sadd.s32 s4, s25;
	s24 =	spop (v2sf);
	s5 =	smul.u32 $0x66666667, s23  }
0x12d: {  	s29 =	sshrl.u32 s18, $0x1F;
	s25 =	smulhi.u32 $0x66666667, s24;
	s10 =	sshra.s32 s24, $0x1F  }
0x12e: {  	s19 =	sadd.s32 s1, s28;
	s11 =	spop (v2sf);
	s1 =	smul.u32 $0x66666667, s10  }
0x12f: {  	s30 =	sshrl.u32 s19, $0x1F;
	s2 =	smulhi.u32 $0x66666667, s11;
	s12 =	sshra.s32 s11, $0x1F  }
0x130: {  	s21 =	sadd.s32 s3, s31;
	s13 =	spop (v2sf);
	s3 =	smul.u32 $0x66666667, s12  }
0x131: {  	s8 =	smulhi.u32 $0x66666667, s13;
	s7 =	sshra.s32 s13, $0x1F;
	s22 =	spop (v2sf)  }
0x132: {  	s28 =	sshrl.u32 s21, $0x1F;
	s23 =	smul.u32 $0x66666667, s7;
	s31 =	spop (v2sf)  }
0x133: {  	s24 =	sadd.s32 s5, s9;
	s7 =	smulhi.u32 $0x66666667, s22;
	s10 =	spop (v2sf)  }
0x134: {  	s9 =	sshra.s32 s22, $0x1F;
	s11 =	sshrl.u32 s24, $0x1F;
	s12 =	spop (v2sf)  }
0x135: {  	s13 =	smulhi.u32 $0x66666667, s31;
	s5 =	sshra.s32 s31, $0x1F;
	s31 =	spop (v2sf)  }
0x136: {  	s25 =	sadd.s32 s1, s25;
	s9 =	smul.u32 $0x66666667, s9;
	s1 =	spop (v2sf)  }
0x137: {  	s22 =	sadd.s32 s3, s2;
	s0 =	smul.u32 $0x66666667, s5;
	s5 =	spop (v2sf)  }
0x138: {  	v43 =	vmov s11;
	s4 =	sadd.s32 s23, s8;
	s23 =	smulhi.u32 $0x66666667, s5;
	s3 =	sshra.s32 s5, $0x1F  }
0x139: {  	v7 =	vsel vm0, s28, v43;
	s28 =	sshra.s32 s24, $0x4;
	s7 =	sadd.s32 s9, s7;
	s3 =	smul.u32 $0x66666667, s3  }
0x13a: {  	v41 =	vmov s6;
	s9 =	sshrl.u32 s25, $0x1F;
	s2 =	smulhi.u32 $0x66666667, s10;
	s10 =	sshra.s32 s10, $0x1F  }
0x13b: {  	v5 =	vsel vm0, s26, v41;
	s0 =	sadd.s32 s0, s13;
	s8 =	smul.u32 $0x66666667, s10;
	s23 =	sadd.s32 s3, s23  }
0x13c: {  	v5 =	vsel vm1, s29, v5;
	s29 =	sshra.s32 s7, $0x1F;
	s10 =	sshrl.u32 s22, $0x1F;
	s13 =	sshra.s32 s23, $0x1F  }
0x13d: {  	s2 =	sadd.s32 s8, s2;
	s8 =	sshra.s32 s12, $0x1F;
	v40 =	vmov s13;
	s13 =	sshra.s32 s4, $0x4  }
0x13e: {  	v5 =	vsel vm2, s30, v5;
	s30 =	smulhi.u32 $0x66666667, s1;
	s3 =	sshrl.u32 s4, $0x1F;
	s4 =	sshra.s32 s4, $0x1F;
	v4 =	vsel vm3, s13, v40  }
0x13f: {  	v42 =	vmov s3;
	s3 =	smulhi.u32 $0x66666667, s31;
	s13 =	sshra.s32 s31, $0x1F;
	s31 =	sshra.s32 s7, $0x4;
	v4 =	vsel vm9, s4, v4  }
0x140: {  	s1 =	sshra.s32 s1, $0x1F;
	s5 =	smulhi.u32 $0x66666667, s12;
	s12 =	sshrl.u32 s7, $0x1F;
	v4 =	vsel vm0, s31, v4  }
0x141: {  	s6 =	smul.u32 $0x66666667, s8;
	s8 =	sshrl.u32 s0, $0x1F;
	v6 =	vnsel vm3, $0x0, v42;
	s31 =	sshra.s32 s0, $0x4;
	v4 =	vsel vm10, s29, v4  }
0x142: {  	s26 =	sshrl.u32 s2, $0x1F;
	s1 =	smul.u32 $0x66666667, s1;
	v6 =	vsel vm0, s12, v6;
	s0 =	sshra.s32 s0, $0x1F;
	v4 =	vsel vm1, s31, v4  }
0x143: {  	v7 =	vsel vm1, s9, v7;
	s5 =	sadd.s32 s6, s5;
	s13 =	smul.u32 $0x66666667, s13;
	v6 =	vsel vm1, s8, v6;
	s8 =	sshra.s32 s2, $0x4;
	v4 =	vsel vm11, s0, v4  }
0x144: {  	v45 =	vmov s28;
	v7 =	vsel vm2, s10, v7;
	s11 =	sshra.s32 s2, $0x1F;
	s1 =	sadd.s32 s1, s30;
	s6 =	sshrl.u32 s5, $0x1F;
	v4 =	vsel vm2, s8, v4  }
0x145: {  	v5 =	vcombine.low v7, v5;
	v6 =	vsel vm2, s26, v6;
	s26 =	sshra.s32 s20, $0x4;
	s3 =	sadd.s32 s13, s3;
	s13 =	sshra.s32 s5, $0x4;
	v4 =	vsel vm12, s11, v4  }
0x146: {  	s30 =	sshra.s32 s17, $0x4;
	v6 =	vsel vm4, s6, v6;
	s29 =	sshra.s32 s5, $0x1F;
	v44 =	vmov s26;
	s9 =	sshrl.u32 s3, $0x1F;
	v4 =	vsel vm4, s13, v4  }
0x147: {  	s7 =	sshra.s32 s18, $0x4;
	s31 =	sshra.s32 s21, $0x4;
	s6 =	sshra.s32 s3, $0x4;
	v7 =	vsel vm0, s30, v44;
	v6 =	vsel vm5, s9, v6;
	v4 =	vsel vm13, s29, v4  }
0x148: {  	s12 =	sshrl.u32 s1, $0x1F;
	v8 =	vsel vm0, s31, v45;
	s9 =	sshra.s32 s3, $0x1F;
	v7 =	vsel vm1, s7, v7;
	s8 =	sshra.s32 s25, $0x4;
	v4 =	vsel vm5, s6, v4  }
0x149: {  	s10 =	sshra.s32 s19, $0x4;
	v6 =	vsel vm6, s12, v6;
	s12 =	sshra.s32 s1, $0x4;
	v8 =	vsel vm1, s8, v8;
	s11 =	sshra.s32 s22, $0x4;
	v4 =	vsel vm14, s9, v4  }
0x14a: {  	s17 =	sshra.s32 s1, $0x1F;
	v7 =	vsel vm2, s10, v7;
	s13 =	sshrl.u32 s23, $0x1F;
	v8 =	vsel vm2, s11, v8;
	v4 =	vsel vm6, s12, v4  }
0x14b: {  	s18 =	sshra.s32 s23, $0x4;
	v6 =	vsel vm7, s13, v6;
	v7 =	vcombine.low v8, v7;
	v4 =	vsel vm15, s17, v4  }
0x14c: {  	v5 =	vperm.xlane v5, v0;
	v6 =	vperm.xlane v6, v1;
	v4 =	vsel vm7, s18, v4  }
0x14d: {  	v7 =	vperm.xlane v7, v0;
	v4 =	vperm.xlane v4, v1;
	_ =	sdelay $0x1  }
0x14e: {  	v5 =	vsel vm8, v6, v5;
	v4 =	vsel vm8, v4, v7  }
0x14f: {  	v4 =	vadd.s32 v5, v4  }
0x150: {  	v4 =	vmul.u32 $0x28, v4;
	_ =	sdelay $0x1  }
0x151: {  	s19 =	sadd.s32 $0xFFFFFF88, s15;
	v3 =	vsub.s32 v3, v4  }
0x152: {  	v3 =	vadd.s32 s19, v3;
	_ =	sdelay $0x4  }
0x153: {  	[tilespmem:v3+s14+$0x0] =	vst.idx.add.f32.msk $0xffff, v2  }
0x154: {  	v3 =	vld [tilespmem:s16+$0x10];
	_ =	sdelay $0x4  }
0x155: {  	(v2sf) =	vpush v3, $0xD;
	_ =	sdelay $0x1  }
0x156: {  	(v2sf) =	vpush v3, $0xC;
	_ =	sdelay $0x1  }
0x157: {  	(v2sf) =	vpush v3, $0xE;
	_ =	sdelay $0x1  }
0x158: {  	(v2sf) =	vpush v3, $0xF;
	_ =	sdelay $0x1  }
0x159: {  	(v2sf) =	vpush v3, $0x9;
	_ =	sdelay $0x1  }
0x15a: {  	(v2sf) =	vpush v3, $0x8;
	_ =	sdelay $0x1  }
0x15b: {  	(v2sf) =	vpush v3, $0xA;
	_ =	sdelay $0x1  }
0x15c: {  	(v2sf) =	vpush v3, $0xB  }
0x15d: {  	s20 =	spop (v2sf)  }
0x15e: {  	(v2sf) =	vpush v3, $0x0;
	s21 =	smulhi.u32 $0x66666667, s20;
	s0 =	sshra.s32 s20, $0x1F  }
0x15f: {  	(v2sf) =	vpush v3, $0x1;
	s22 =	spop (v2sf);
	s0 =	smul.u32 $0x66666667, s0  }
0x160: {  	(v2sf) =	vpush v3, $0x2;
	s23 =	smulhi.u32 $0x66666667, s22;
	s2 =	sshra.s32 s22, $0x1F  }
0x161: {  	(v2sf) =	vpush v3, $0x3;
	s24 =	spop (v2sf);
	s2 =	smul.u32 $0x66666667, s2  }
0x162: {  	(v2sf) =	vpush v3, $0x4;
	s25 =	smulhi.u32 $0x66666667, s24;
	s4 =	sshra.s32 s24, $0x1F  }
0x163: {  	(v2sf) =	vpush v3, $0x5;
	s26 =	spop (v2sf);
	s4 =	smul.u32 $0x66666667, s4  }
0x164: {  	(v2sf) =	vpush v3, $0x6;
	s28 =	smulhi.u32 $0x66666667, s26;
	s29 =	sshra.s32 s26, $0x1F  }
0x165: {  	s17 =	sadd.s32 s0, s21;
	s30 =	spop (v2sf);
	(v2sf) =	vpush v3, $0x7;
	s1 =	smul.u32 $0x66666667, s29  }
0x166: {  	s26 =	sshrl.u32 s17, $0x1F;
	s31 =	smulhi.u32 $0x66666667, s30;
	s7 =	sshra.s32 s30, $0x1F  }
0x167: {  	s20 =	sadd.s32 s2, s23;
	s8 =	spop (v2sf);
	s3 =	smul.u32 $0x66666667, s7  }
0x168: {  	s6 =	sshrl.u32 s20, $0x1F;
	s9 =	smulhi.u32 $0x66666667, s8;
	s23 =	sshra.s32 s8, $0x1F  }
0x169: {  	s18 =	sadd.s32 s4, s25;
	s24 =	spop (v2sf);
	s5 =	smul.u32 $0x66666667, s23  }
0x16a: {  	s29 =	sshrl.u32 s18, $0x1F;
	s25 =	smulhi.u32 $0x66666667, s24;
	s10 =	sshra.s32 s24, $0x1F  }
0x16b: {  	s19 =	sadd.s32 s1, s28;
	s11 =	spop (v2sf);
	s1 =	smul.u32 $0x66666667, s10  }
0x16c: {  	s30 =	sshrl.u32 s19, $0x1F;
	s2 =	smulhi.u32 $0x66666667, s11;
	s12 =	sshra.s32 s11, $0x1F  }
0x16d: {  	s21 =	sadd.s32 s3, s31;
	s13 =	spop (v2sf);
	s3 =	smul.u32 $0x66666667, s12  }
0x16e: {  	s8 =	smulhi.u32 $0x66666667, s13;
	s7 =	sshra.s32 s13, $0x1F;
	s22 =	spop (v2sf)  }
0x16f: {  	s28 =	sshrl.u32 s21, $0x1F;
	s23 =	smul.u32 $0x66666667, s7;
	s31 =	spop (v2sf)  }
0x170: {  	s24 =	sadd.s32 s5, s9;
	s7 =	smulhi.u32 $0x66666667, s22;
	s10 =	spop (v2sf)  }
0x171: {  	s9 =	sshra.s32 s22, $0x1F;
	s11 =	sshrl.u32 s24, $0x1F;
	s12 =	spop (v2sf)  }
0x172: {  	s13 =	smulhi.u32 $0x66666667, s31;
	s5 =	sshra.s32 s31, $0x1F;
	s31 =	spop (v2sf)  }
0x173: {  	s25 =	sadd.s32 s1, s25;
	s9 =	smul.u32 $0x66666667, s9;
	s1 =	spop (v2sf)  }
0x174: {  	s22 =	sadd.s32 s3, s2;
	s0 =	smul.u32 $0x66666667, s5;
	s5 =	spop (v2sf)  }
0x175: {  	v49 =	vmov s11;
	s4 =	sadd.s32 s23, s8;
	s23 =	smulhi.u32 $0x66666667, s5;
	s3 =	sshra.s32 s5, $0x1F  }
0x176: {  	v7 =	vsel vm0, s28, v49;
	s28 =	sshra.s32 s24, $0x4;
	s7 =	sadd.s32 s9, s7;
	s3 =	smul.u32 $0x66666667, s3  }
0x177: {  	v47 =	vmov s6;
	s9 =	sshrl.u32 s25, $0x1F;
	s2 =	smulhi.u32 $0x66666667, s10;
	s10 =	sshra.s32 s10, $0x1F  }
0x178: {  	v5 =	vsel vm0, s26, v47;
	s0 =	sadd.s32 s0, s13;
	s8 =	smul.u32 $0x66666667, s10;
	s23 =	sadd.s32 s3, s23  }
0x179: {  	v5 =	vsel vm1, s29, v5;
	s29 =	sshra.s32 s7, $0x1F;
	s10 =	sshrl.u32 s22, $0x1F;
	s13 =	sshra.s32 s23, $0x1F  }
0x17a: {  	s2 =	sadd.s32 s8, s2;
	s8 =	sshra.s32 s12, $0x1F;
	v46 =	vmov s13;
	s13 =	sshra.s32 s4, $0x4  }
0x17b: {  	v5 =	vsel vm2, s30, v5;
	s30 =	smulhi.u32 $0x66666667, s1;
	s3 =	sshrl.u32 s4, $0x1F;
	s4 =	sshra.s32 s4, $0x1F;
	v4 =	vsel vm3, s13, v46  }
0x17c: {  	v48 =	vmov s3;
	s3 =	smulhi.u32 $0x66666667, s31;
	s13 =	sshra.s32 s31, $0x1F;
	s31 =	sshra.s32 s7, $0x4;
	v4 =	vsel vm9, s4, v4  }
0x17d: {  	s1 =	sshra.s32 s1, $0x1F;
	s5 =	smulhi.u32 $0x66666667, s12;
	s12 =	sshrl.u32 s7, $0x1F;
	v4 =	vsel vm0, s31, v4  }
0x17e: {  	s6 =	smul.u32 $0x66666667, s8;
	s8 =	sshrl.u32 s0, $0x1F;
	v6 =	vnsel vm3, $0x0, v48;
	s31 =	sshra.s32 s0, $0x4;
	v4 =	vsel vm10, s29, v4  }
0x17f: {  	s26 =	sshrl.u32 s2, $0x1F;
	s1 =	smul.u32 $0x66666667, s1;
	v6 =	vsel vm0, s12, v6;
	s0 =	sshra.s32 s0, $0x1F;
	v4 =	vsel vm1, s31, v4  }
0x180: {  	v7 =	vsel vm1, s9, v7;
	s5 =	sadd.s32 s6, s5;
	s13 =	smul.u32 $0x66666667, s13;
	v6 =	vsel vm1, s8, v6;
	s8 =	sshra.s32 s2, $0x4;
	v4 =	vsel vm11, s0, v4  }
0x181: {  	v51 =	vmov s28;
	v7 =	vsel vm2, s10, v7;
	s11 =	sshra.s32 s2, $0x1F;
	s1 =	sadd.s32 s1, s30;
	s6 =	sshrl.u32 s5, $0x1F;
	v4 =	vsel vm2, s8, v4  }
0x182: {  	v5 =	vcombine.low v7, v5;
	v6 =	vsel vm2, s26, v6;
	s26 =	sshra.s32 s20, $0x4;
	s3 =	sadd.s32 s13, s3;
	s13 =	sshra.s32 s5, $0x4;
	v4 =	vsel vm12, s11, v4  }
0x183: {  	s30 =	sshra.s32 s17, $0x4;
	v6 =	vsel vm4, s6, v6;
	s29 =	sshra.s32 s5, $0x1F;
	v50 =	vmov s26;
	s9 =	sshrl.u32 s3, $0x1F;
	v4 =	vsel vm4, s13, v4  }
0x184: {  	s7 =	sshra.s32 s18, $0x4;
	s31 =	sshra.s32 s21, $0x4;
	s6 =	sshra.s32 s3, $0x4;
	v7 =	vsel vm0, s30, v50;
	v6 =	vsel vm5, s9, v6;
	v4 =	vsel vm13, s29, v4  }
0x185: {  	s12 =	sshrl.u32 s1, $0x1F;
	v8 =	vsel vm0, s31, v51;
	s9 =	sshra.s32 s3, $0x1F;
	v7 =	vsel vm1, s7, v7;
	s8 =	sshra.s32 s25, $0x4;
	v4 =	vsel vm5, s6, v4  }
0x186: {  	s10 =	sshra.s32 s19, $0x4;
	v6 =	vsel vm6, s12, v6;
	s12 =	sshra.s32 s1, $0x4;
	v8 =	vsel vm1, s8, v8;
	s11 =	sshra.s32 s22, $0x4;
	v4 =	vsel vm14, s9, v4  }
0x187: {  	s17 =	sshra.s32 s1, $0x1F;
	v7 =	vsel vm2, s10, v7;
	s13 =	sshrl.u32 s23, $0x1F;
	v8 =	vsel vm2, s11, v8;
	v4 =	vsel vm6, s12, v4  }
0x188: {  	s18 =	sshra.s32 s23, $0x4;
	v6 =	vsel vm7, s13, v6;
	v7 =	vcombine.low v8, v7;
	v4 =	vsel vm15, s17, v4  }
0x189: {  	v5 =	vperm.xlane v5, v0;
	v6 =	vperm.xlane v6, v1;
	v4 =	vsel vm7, s18, v4  }
0x18a: {  	v7 =	vperm.xlane v7, v0;
	v4 =	vperm.xlane v4, v1;
	_ =	sdelay $0x1  }
0x18b: {  	v5 =	vsel vm8, v6, v5;
	v4 =	vsel vm8, v4, v7  }
0x18c: {  	v4 =	vadd.s32 v5, v4  }
0x18d: {  	v4 =	vmul.u32 $0x28, v4;
	_ =	sdelay $0x1  }
0x18e: {  	s19 =	sadd.s32 $0xFFFFFFB0, s15;
	v3 =	vsub.s32 v3, v4  }
0x18f: {  	v3 =	vadd.s32 s19, v3;
	_ =	sdelay $0x4  }
0x190: {  	[tilespmem:v3+s14+$0x0] =	vst.idx.add.f32.msk $0xffff, v2  }
0x191: {  	v3 =	vld [tilespmem:s16+$0x20];
	_ =	sdelay $0x4  }
0x192: {  	(v2sf) =	vpush v3, $0xD;
	_ =	sdelay $0x1  }
0x193: {  	(v2sf) =	vpush v3, $0xC;
	_ =	sdelay $0x1  }
0x194: {  	(v2sf) =	vpush v3, $0xE;
	_ =	sdelay $0x1  }
0x195: {  	(v2sf) =	vpush v3, $0xF;
	_ =	sdelay $0x1  }
0x196: {  	(v2sf) =	vpush v3, $0x9;
	_ =	sdelay $0x1  }
0x197: {  	(v2sf) =	vpush v3, $0x8;
	_ =	sdelay $0x1  }
0x198: {  	(v2sf) =	vpush v3, $0xA;
	_ =	sdelay $0x1  }
0x199: {  	(v2sf) =	vpush v3, $0xB  }
0x19a: {  	s20 =	spop (v2sf)  }
0x19b: {  	(v2sf) =	vpush v3, $0x0;
	s21 =	smulhi.u32 $0x66666667, s20;
	s0 =	sshra.s32 s20, $0x1F  }
0x19c: {  	(v2sf) =	vpush v3, $0x1;
	s22 =	spop (v2sf);
	s0 =	smul.u32 $0x66666667, s0  }
0x19d: {  	(v2sf) =	vpush v3, $0x2;
	s23 =	smulhi.u32 $0x66666667, s22;
	s2 =	sshra.s32 s22, $0x1F  }
0x19e: {  	(v2sf) =	vpush v3, $0x3;
	s24 =	spop (v2sf);
	s2 =	smul.u32 $0x66666667, s2  }
0x19f: {  	(v2sf) =	vpush v3, $0x4;
	s25 =	smulhi.u32 $0x66666667, s24;
	s4 =	sshra.s32 s24, $0x1F  }
0x1a0: {  	s26 =	spop (v2sf);
	(v2sf) =	vpush v3, $0x5;
	s4 =	smul.u32 $0x66666667, s4  }
0x1a1: {  	s28 =	smulhi.u32 $0x66666667, s26;
	s29 =	sshra.s32 s26, $0x1F;
	(v2sf) =	vpush v3, $0x6  }
0x1a2: {  	s17 =	sadd.s32 s0, s21;
	s30 =	spop (v2sf);
	s1 =	smul.u32 $0x66666667, s29;
	(v2sf) =	vpush v3, $0x7  }
0x1a3: {  	s26 =	sshrl.u32 s17, $0x1F;
	s31 =	smulhi.u32 $0x66666667, s30;
	s7 =	sshra.s32 s30, $0x1F  }
0x1a4: {  	s20 =	sadd.s32 s2, s23;
	s8 =	spop (v2sf);
	s3 =	smul.u32 $0x66666667, s7  }
0x1a5: {  	s6 =	sshrl.u32 s20, $0x1F;
	s9 =	smulhi.u32 $0x66666667, s8;
	s23 =	sshra.s32 s8, $0x1F  }
0x1a6: {  	s18 =	sadd.s32 s4, s25;
	s24 =	spop (v2sf);
	s5 =	smul.u32 $0x66666667, s23  }
0x1a7: {  	s29 =	sshrl.u32 s18, $0x1F;
	s25 =	smulhi.u32 $0x66666667, s24;
	s10 =	sshra.s32 s24, $0x1F  }
0x1a8: {  	s19 =	sadd.s32 s1, s28;
	s11 =	spop (v2sf);
	s1 =	smul.u32 $0x66666667, s10  }
0x1a9: {  	s30 =	sshrl.u32 s19, $0x1F;
	s2 =	smulhi.u32 $0x66666667, s11;
	s12 =	sshra.s32 s11, $0x1F  }
0x1aa: {  	s21 =	sadd.s32 s3, s31;
	s13 =	spop (v2sf);
	s3 =	smul.u32 $0x66666667, s12  }
0x1ab: {  	s8 =	smulhi.u32 $0x66666667, s13;
	s7 =	sshra.s32 s13, $0x1F;
	s22 =	spop (v2sf)  }
0x1ac: {  	s28 =	sshrl.u32 s21, $0x1F;
	s23 =	smul.u32 $0x66666667, s7;
	s31 =	spop (v2sf)  }
0x1ad: {  	s24 =	sadd.s32 s5, s9;
	s7 =	smulhi.u32 $0x66666667, s22;
	s10 =	spop (v2sf)  }
0x1ae: {  	s9 =	sshra.s32 s22, $0x1F;
	s11 =	sshrl.u32 s24, $0x1F;
	s12 =	spop (v2sf)  }
0x1af: {  	s13 =	smulhi.u32 $0x66666667, s31;
	s5 =	sshra.s32 s31, $0x1F;
	s31 =	spop (v2sf)  }
0x1b0: {  	s25 =	sadd.s32 s1, s25;
	s9 =	smul.u32 $0x66666667, s9;
	s1 =	spop (v2sf)  }
0x1b1: {  	s22 =	sadd.s32 s3, s2;
	s0 =	smul.u32 $0x66666667, s5;
	s5 =	spop (v2sf)  }
0x1b2: {  	s4 =	sadd.s32 s23, s8;
	s23 =	smulhi.u32 $0x66666667, s5;
	s3 =	sshra.s32 s5, $0x1F  }
0x1b3: {  	v55 =	vmov s11;
	s11 =	sshra.s32 s20, $0x4;
	s20 =	sshra.s32 s17, $0x4;
	s3 =	smul.u32 $0x66666667, s3  }
0x1b4: {  	v7 =	vsel vm0, s28, v55;
	s28 =	sshra.s32 s18, $0x4;
	s2 =	smulhi.u32 $0x66666667, s10;
	s10 =	sshra.s32 s10, $0x1F  }
0x1b5: {  	s7 =	sadd.s32 s9, s7;
	s8 =	smul.u32 $0x66666667, s10;
	s23 =	sadd.s32 s3, s23  }
0x1b6: {  	v53 =	vmov s6;
	s9 =	sshrl.u32 s25, $0x1F;
	s0 =	sadd.s32 s0, s13;
	s13 =	sshra.s32 s23, $0x1F  }
0x1b7: {  	v5 =	vsel vm0, s26, v53;
	s2 =	sadd.s32 s8, s2;
	s8 =	sshra.s32 s12, $0x1F;
	v52 =	vmov s13;
	s13 =	sshra.s32 s4, $0x4  }
0x1b8: {  	v5 =	vsel vm1, s29, v5;
	s29 =	smulhi.u32 $0x66666667, s1;
	s3 =	sshrl.u32 s4, $0x1F;
	s4 =	sshra.s32 s4, $0x1F;
	v4 =	vsel vm3, s13, v52  }
0x1b9: {  	v54 =	vmov s3;
	s3 =	smulhi.u32 $0x66666667, s31;
	s13 =	sshra.s32 s31, $0x1F;
	s31 =	sshra.s32 s7, $0x4;
	v4 =	vsel vm9, s4, v4  }
0x1ba: {  	s5 =	smulhi.u32 $0x66666667, s12;
	s12 =	sshrl.u32 s7, $0x1F;
	s7 =	sshra.s32 s7, $0x1F;
	v4 =	vsel vm0, s31, v4  }
0x1bb: {  	v5 =	vsel vm2, s30, v5;
	s10 =	sshrl.u32 s22, $0x1F;
	s30 =	sshra.s32 s0, $0x4;
	s6 =	smul.u32 $0x66666667, s8;
	v4 =	vsel vm10, s7, v4  }
0x1bc: {  	v56 =	vmov s11;
	s1 =	sshra.s32 s1, $0x1F;
	s8 =	sshrl.u32 s0, $0x1F;
	s0 =	sshra.s32 s0, $0x1F;
	v6 =	vnsel vm3, $0x0, v54;
	v4 =	vsel vm1, s30, v4  }
0x1bd: {  	v7 =	vsel vm1, s9, v7;
	s1 =	smul.u32 $0x66666667, s1;
	s5 =	sadd.s32 s6, s5;
	s6 =	sshra.s32 s2, $0x4;
	v6 =	vsel vm0, s12, v6;
	v4 =	vsel vm11, s0, v4  }
0x1be: {  	v7 =	vsel vm2, s10, v7;
	s26 =	sshrl.u32 s2, $0x1F;
	s13 =	smul.u32 $0x66666667, s13;
	v6 =	vsel vm1, s8, v6;
	s8 =	sshra.s32 s2, $0x1F;
	v4 =	vsel vm2, s6, v4  }
0x1bf: {  	v5 =	vcombine.low v7, v5;
	v7 =	vsel vm0, s20, v56;
	s1 =	sadd.s32 s1, s29;
	s10 =	sshra.s32 s5, $0x4;
	s12 =	sshra.s32 s24, $0x4;
	v4 =	vsel vm12, s8, v4  }
0x1c0: {  	v7 =	vsel vm1, s28, v7;
	s24 =	sshra.s32 s21, $0x4;
	v57 =	vmov s12;
	s3 =	sadd.s32 s13, s3;
	s13 =	sshra.s32 s5, $0x1F;
	v4 =	vsel vm4, s10, v4  }
0x1c1: {  	s29 =	sshra.s32 s25, $0x4;
	v6 =	vsel vm2, s26, v6;
	s31 =	sshrl.u32 s5, $0x1F;
	v8 =	vsel vm0, s24, v57;
	s26 =	sshra.s32 s3, $0x4;
	v4 =	vsel vm13, s13, v4  }
0x1c2: {  	s4 =	sshra.s32 s22, $0x4;
	v6 =	vsel vm4, s31, v6;
	s31 =	sshra.s32 s19, $0x4;
	v8 =	vsel vm1, s29, v8;
	s30 =	sshra.s32 s3, $0x1F;
	v4 =	vsel vm5, s26, v4  }
0x1c3: {  	s5 =	sshra.s32 s1, $0x4;
	s7 =	sshrl.u32 s3, $0x1F;
	v7 =	vsel vm2, s31, v7;
	v8 =	vsel vm2, s4, v8;
	v4 =	vsel vm14, s30, v4  }
0x1c4: {  	s9 =	sshrl.u32 s1, $0x1F;
	v6 =	vsel vm5, s7, v6;
	s7 =	sshra.s32 s1, $0x1F;
	v7 =	vcombine.low v8, v7;
	v4 =	vsel vm6, s5, v4  }
0x1c5: {  	v5 =	vperm.xlane v5, v0;
	v6 =	vsel vm6, s9, v6;
	s6 =	sshrl.u32 s23, $0x1F;
	s8 =	sshra.s32 s23, $0x4;
	v4 =	vsel vm15, s7, v4  }
0x1c6: {  	v6 =	vsel vm7, s6, v6;
	v7 =	vperm.xlane v7, v0;
	v4 =	vsel vm7, s8, v4  }
0x1c7: {  	v6 =	vperm.xlane v6, v1;
	v4 =	vperm.xlane v4, v1;
	_ =	sdelay $0x1  }
0x1c8: {  	v5 =	vsel vm8, v6, v5;
	v4 =	vsel vm8, v4, v7  }
0x1c9: {  	v4 =	vadd.s32 v5, v4  }
0x1ca: {  	v4 =	vmul.u32 $0x28, v4;
	_ =	sdelay $0x1  }
0x1cb: {  	s9 =	sadd.s32 $0xFFFFFFD8, s15;
	v3 =	vsub.s32 v3, v4  }
0x1cc: {  	v3 =	vadd.s32 s9, v3;
	_ =	sdelay $0x4  }
0x1cd: {  	[tilespmem:v3+s14+$0x0] =	vst.idx.add.f32.msk $0xffff, v2  }
0x1ce: {  	v3 =	vld [tilespmem:s16+$0x30];
	_ =	sdelay $0x4  }
0x1cf: {  	(v2sf) =	vpush v3, $0xD;
	_ =	sdelay $0x1  }
0x1d0: {  	(v2sf) =	vpush v3, $0xC;
	_ =	sdelay $0x1  }
0x1d1: {  	(v2sf) =	vpush v3, $0xE;
	_ =	sdelay $0x1  }
0x1d2: {  	(v2sf) =	vpush v3, $0xF;
	_ =	sdelay $0x1  }
0x1d3: {  	(v2sf) =	vpush v3, $0x9;
	_ =	sdelay $0x1  }
0x1d4: {  	(v2sf) =	vpush v3, $0x8;
	_ =	sdelay $0x1  }
0x1d5: {  	(v2sf) =	vpush v3, $0xA;
	_ =	sdelay $0x1  }
0x1d6: {  	(v2sf) =	vpush v3, $0xB  }
0x1d7: {  	s10 =	spop (v2sf)  }
0x1d8: {  	(v2sf) =	vpush v3, $0x0;
	s1 =	smulhi.u32 $0x66666667, s10;
	s0 =	sshra.s32 s10, $0x1F  }
0x1d9: {  	s11 =	spop (v2sf);
	s0 =	smul.u32 $0x66666667, s0  }
0x1da: {  	(v2sf) =	vpush v3, $0x1;
	s3 =	smulhi.u32 $0x66666667, s11;
	s2 =	sshra.s32 s11, $0x1F  }
0x1db: {  	s12 =	spop (v2sf);
	s2 =	smul.u32 $0x66666667, s2  }
0x1dc: {  	(v2sf) =	vpush v3, $0x2;
	s6 =	smulhi.u32 $0x66666667, s12;
	s4 =	sshra.s32 s12, $0x1F  }
0x1dd: {  	(v2sf) =	vpush v3, $0x3;
	s13 =	spop (v2sf);
	s4 =	smul.u32 $0x66666667, s4  }
0x1de: {  	(v2sf) =	vpush v3, $0x4;
	s9 =	smulhi.u32 $0x66666667, s13;
	s5 =	sshra.s32 s13, $0x1F  }
0x1df: {  	(v2sf) =	vpush v3, $0x5;
	s17 =	spop (v2sf);
	s5 =	smul.u32 $0x66666667, s5  }
0x1e0: {  	(v2sf) =	vpush v3, $0x6;
	s11 =	smulhi.u32 $0x66666667, s17;
	s7 =	sshra.s32 s17, $0x1F  }
0x1e1: {  	(v2sf) =	vpush v3, $0x7;
	s18 =	spop (v2sf);
	s7 =	smul.u32 $0x66666667, s7  }
0x1e2: {  	s21 =	smulhi.u32 $0x66666667, s18;
	s8 =	sshra.s32 s18, $0x1F  }
0x1e3: {  	s19 =	spop (v2sf);
	s8 =	smul.u32 $0x66666667, s8  }
0x1e4: {  	s28 =	smulhi.u32 $0x66666667, s19;
	s10 =	sshra.s32 s19, $0x1F  }
0x1e5: {  	s18 =	sadd.s32 s0, s1;
	s20 =	spop (v2sf);
	s10 =	smul.u32 $0x66666667, s10  }
0x1e6: {  	s19 =	sadd.s32 s4, s6;
	s31 =	smulhi.u32 $0x66666667, s20;
	s12 =	sshra.s32 s20, $0x1F  }
0x1e7: {  	s17 =	sadd.s32 s5, s9;
	s24 =	spop (v2sf);
	s0 =	smul.u32 $0x66666667, s12  }
0x1e8: {  	s20 =	sadd.s32 s2, s3;
	s1 =	smulhi.u32 $0x66666667, s24;
	s24 =	sshra.s32 s24, $0x1F  }
0x1e9: {  	s3 =	sshrl.u32 s18, $0x1F;
	s25 =	spop (v2sf);
	s2 =	smul.u32 $0x66666667, s24  }
0x1ea: {  	s13 =	sshrl.u32 s19, $0x1F;
	s4 =	smulhi.u32 $0x66666667, s25;
	s25 =	sshra.s32 s25, $0x1F  }
0x1eb: {  	s12 =	sshrl.u32 s20, $0x1F;
	s22 =	spop (v2sf);
	s5 =	smul.u32 $0x66666667, s25  }
0x1ec: {  	s24 =	sadd.s32 s7, s11;
	s23 =	spop (v2sf);
	s6 =	smulhi.u32 $0x66666667, s22  }
0x1ed: {  	s22 =	sshra.s32 s22, $0x1F;
	s25 =	sadd.s32 s8, s21;
	s29 =	spop (v2sf)  }
0x1ee: {  	s7 =	smul.u32 $0x66666667, s22;
	s22 =	sadd.s32 s10, s28;
	s30 =	spop (v2sf)  }
0x1ef: {  	s8 =	smulhi.u32 $0x66666667, s23;
	s28 =	sshra.s32 s23, $0x1F;
	s26 =	spop (v2sf)  }
0x1f0: {  	s21 =	sadd.s32 s0, s31;
	s0 =	smul.u32 $0x66666667, s28;
	s11 =	spop (v2sf)  }
0x1f1: {  	s1 =	sadd.s32 s2, s1;
	s2 =	smulhi.u32 $0x66666667, s11;
	s10 =	sshra.s32 s11, $0x1F  }
0x1f2: {  	s9 =	sshrl.u32 s17, $0x1F;
	s19 =	sshra.s32 s19, $0x4;
	v59 =	vmov s12;
	s23 =	smul.u32 $0x66666667, s10  }
0x1f3: {  	v5 =	vsel vm0, s3, v59;
	s31 =	sshra.s32 s29, $0x1F;
	s6 =	sadd.s32 s7, s6;
	s7 =	smulhi.u32 $0x66666667, s29  }
0x1f4: {  	v5 =	vsel vm1, s13, v5;
	s4 =	sadd.s32 s5, s4;
	s10 =	smul.u32 $0x66666667, s31;
	s23 =	sadd.s32 s23, s2  }
0x1f5: {  	s28 =	sshrl.u32 s25, $0x1F;
	v5 =	vsel vm2, s9, v5;
	s9 =	sshra.s32 s20, $0x4;
	s5 =	sshra.s32 s23, $0x1F  }
0x1f6: {  	s29 =	sshrl.u32 s1, $0x1F;
	s7 =	sadd.s32 s10, s7;
	s10 =	sshra.s32 s1, $0x4;
	v58 =	vmov s5  }
0x1f7: {  	s3 =	smulhi.u32 $0x66666667, s30;
	s12 =	sshra.s32 s4, $0x4;
	s1 =	sshra.s32 s1, $0x1F;
	v4 =	vsel vm3, s10, v58  }
0x1f8: {  	s0 =	sadd.s32 s0, s8;
	s8 =	sshrl.u32 s21, $0x1F;
	v60 =	vmov s29;
	s29 =	sshrl.u32 s6, $0x1F;
	v4 =	vsel vm9, s1, v4  }
0x1f9: {  	s31 =	sshra.s32 s30, $0x1F;
	s5 =	sshrl.u32 s4, $0x1F;
	s4 =	sshra.s32 s4, $0x1F;
	v4 =	vsel vm0, s12, v4  }
0x1fa: {  	v61 =	vmov s28;
	v6 =	vnsel vm3, $0x0, v60;
	s11 =	sshrl.u32 s24, $0x1F;
	s10 =	smul.u32 $0x66666667, s31;
	s31 =	sshra.s32 s6, $0x4;
	v4 =	vsel vm10, s4, v4  }
0x1fb: {  	s30 =	sshra.s32 s26, $0x1F;
	v7 =	vsel vm0, s11, v61;
	s2 =	sshrl.u32 s22, $0x1F;
	v6 =	vsel vm0, s5, v6;
	s6 =	sshra.s32 s6, $0x1F;
	v4 =	vsel vm1, s31, v4  }
0x1fc: {  	s13 =	smul.u32 $0x66666667, s30;
	s28 =	sshrl.u32 s7, $0x1F;
	v7 =	vsel vm1, s2, v7;
	v6 =	vsel vm1, s29, v6;
	s29 =	sshra.s32 s0, $0x4;
	v4 =	vsel vm11, s6, v4  }
0x1fd: {  	v62 =	vmov s9;
	v7 =	vsel vm2, s8, v7;
	s8 =	sshra.s32 s7, $0x4;
	s12 =	sshrl.u32 s0, $0x1F;
	s0 =	sshra.s32 s0, $0x1F;
	v4 =	vsel vm2, s29, v4  }
0x1fe: {  	s5 =	smulhi.u32 $0x66666667, s26;
	v5 =	vcombine.low v7, v5;
	s26 =	sadd.s32 s10, s3;
	s10 =	sshra.s32 s25, $0x4;
	v6 =	vsel vm2, s12, v6;
	v4 =	vsel vm12, s0, v4  }
0x1ff: {  	s11 =	sshra.s32 s7, $0x1F;
	s30 =	sshrl.u32 s26, $0x1F;
	s12 =	sshra.s32 s18, $0x4;
	v63 =	vmov s10;
	v6 =	vsel vm4, s28, v6;
	v4 =	vsel vm4, s8, v4  }
0x200: {  	s18 =	sshra.s32 s26, $0x4;
	s31 =	sadd.s32 s13, s5;
	s13 =	sshra.s32 s24, $0x4;
	v7 =	vsel vm0, s12, v62;
	v6 =	vsel vm5, s30, v6;
	v4 =	vsel vm13, s11, v4  }
0x201: {  	s20 =	sshra.s32 s22, $0x4;
	s22 =	sshra.s32 s26, $0x1F;
	s6 =	sshrl.u32 s31, $0x1F;
	v8 =	vsel vm0, s13, v63;
	v7 =	vsel vm1, s19, v7;
	v4 =	vsel vm5, s18, v4  }
0x202: {  	s25 =	sshra.s32 s21, $0x4;
	s24 =	sshra.s32 s17, $0x4;
	s26 =	sshra.s32 s31, $0x4;
	v6 =	vsel vm6, s6, v6;
	v8 =	vsel vm1, s20, v8;
	v4 =	vsel vm14, s22, v4  }
0x203: {  	s28 =	sshrl.u32 s23, $0x1F;
	v7 =	vsel vm2, s24, v7;
	s29 =	sshra.s32 s31, $0x1F;
	v8 =	vsel vm2, s25, v8;
	v4 =	vsel vm6, s26, v4  }
0x204: {  	s30 =	sshra.s32 s23, $0x4;
	v6 =	vsel vm7, s28, v6;
	v7 =	vcombine.low v8, v7;
	v4 =	vsel vm15, s29, v4  }
0x205: {  	v5 =	vperm.xlane v5, v0;
	v6 =	vperm.xlane v6, v1;
	v4 =	vsel vm7, s30, v4  }
0x206: {  	v7 =	vperm.xlane v7, v0;
	v4 =	vperm.xlane v4, v1;
	_ =	sdelay $0x1  }
0x207: {  	v5 =	vsel vm8, v6, v5;
	v4 =	vsel vm8, v4, v7  }
0x208: {  	v4 =	vadd.s32 v5, v4  }
0x209: {  	v4 =	vmul.u32 $0x28, v4  }
0x20a: {  	s31 =	rddreg [dreg:$0x9]  }
0x20b: {  	s0 =	sadd.s32 $0x8, s31;
	v3 =	vsub.s32 v3, v4  }
0x20c: {  	p1 =	slt.u32 s0, $0x130;
	v3 =	vadd.s32 s15, v3  }
.Ltmp2:
0x20d: {  	_ = 	snop;
	(pc) =	sbr.rel @p1 .LBB2_2-.Ltmp2, $2  }
0x20e: {  	_ =	sdelay $0x2  }
0x20f: {  	s16 =	sadd.s32 $0x80, s16;
	s15 =	sadd.s32 $0x140, s15;
	[tilespmem:v3+s14+$0x0] =	vst.idx.add.f32.msk $0xffff, v2  }
.Ltmp3:
0x210: {  	(pc) =	sbr.rel @p0 .LBB2_7-.Ltmp3, $1  }
0x211: {  	_ =	sdelay $0x3  }
0x212: {  	s0 =	simm.s32 $0x130;
	s15 =	simm.s32 $0x31D8;
	s16 =	simm.s32 $0x13F0  }
.LBB2_5:
0x213: {  	v3 =	vld [tilespmem:s16+$0xFFFFFF90];
	_ =	sdelay $0x4  }
0x214: {  	(v2sf) =	vpush v3, $0xD;
	_ =	sdelay $0x1  }
0x215: {  	(v2sf) =	vpush v3, $0xC;
	_ =	sdelay $0x1  }
0x216: {  	(v2sf) =	vpush v3, $0xE;
	_ =	sdelay $0x1  }
0x217: {  	(v2sf) =	vpush v3, $0xF;
	_ =	sdelay $0x1  }
0x218: {  	(v2sf) =	vpush v3, $0x9;
	_ =	sdelay $0x1  }
0x219: {  	(v2sf) =	vpush v3, $0x8;
	_ =	sdelay $0x1  }
0x21a: {  	(v2sf) =	vpush v3, $0xA;
	_ =	sdelay $0x1  }
0x21b: {  	(v2sf) =	vpush v3, $0xB  }
0x21c: {  	s30 =	spop (v2sf)  }
0x21d: {  	[dreg:$0xa] =	wrdreg s0;
	(v2sf) =	vpush v3, $0x0;
	s1 =	smulhi.u32 $0x66666667, s30;
	s0 =	sshra.s32 s30, $0x1F  }
0x21e: {  	s2 =	spop (v2sf);
	(v2sf) =	vpush v3, $0x1;
	s0 =	smul.u32 $0x66666667, s0  }
0x21f: {  	s3 =	smulhi.u32 $0x66666667, s2;
	s2 =	sshra.s32 s2, $0x1F;
	(v2sf) =	vpush v3, $0x2  }
0x220: {  	s4 =	spop (v2sf);
	s2 =	smul.u32 $0x66666667, s2;
	(v2sf) =	vpush v3, $0x3  }
0x221: {  	s5 =	smulhi.u32 $0x66666667, s4;
	s4 =	sshra.s32 s4, $0x1F;
	(v2sf) =	vpush v3, $0x4  }
0x222: {  	s6 =	spop (v2sf);
	s4 =	smul.u32 $0x66666667, s4;
	(v2sf) =	vpush v3, $0x5  }
0x223: {  	s31 =	smulhi.u32 $0x66666667, s6;
	s7 =	sshra.s32 s6, $0x1F;
	(v2sf) =	vpush v3, $0x6  }
0x224: {  	s17 =	sadd.s32 s0, s1;
	s8 =	spop (v2sf);
	s1 =	smul.u32 $0x66666667, s7;
	(v2sf) =	vpush v3, $0x7  }
0x225: {  	s26 =	sshrl.u32 s17, $0x1F;
	s9 =	smulhi.u32 $0x66666667, s8;
	s10 =	sshra.s32 s8, $0x1F  }
0x226: {  	s20 =	sadd.s32 s2, s3;
	s7 =	spop (v2sf);
	s3 =	smul.u32 $0x66666667, s10  }
0x227: {  	s6 =	sshrl.u32 s20, $0x1F;
	s11 =	smulhi.u32 $0x66666667, s7;
	s23 =	sshra.s32 s7, $0x1F  }
0x228: {  	s18 =	sadd.s32 s4, s5;
	s24 =	spop (v2sf);
	s5 =	smul.u32 $0x66666667, s23  }
0x229: {  	s29 =	sshrl.u32 s18, $0x1F;
	s25 =	smulhi.u32 $0x66666667, s24;
	s12 =	sshra.s32 s24, $0x1F  }
0x22a: {  	s19 =	sadd.s32 s1, s31;
	s13 =	spop (v2sf);
	s1 =	smul.u32 $0x66666667, s12  }
0x22b: {  	s21 =	sadd.s32 s3, s9;
	s2 =	smulhi.u32 $0x66666667, s13;
	s14 =	sshra.s32 s13, $0x1F  }
0x22c: {  	s28 =	sshrl.u32 s21, $0x1F;
	s3 =	smul.u32 $0x66666667, s14;
	s22 =	spop (v2sf)  }
0x22d: {  	s8 =	smulhi.u32 $0x66666667, s22;
	s7 =	sshra.s32 s22, $0x1F;
	s9 =	spop (v2sf)  }
0x22e: {  	s24 =	sadd.s32 s5, s11;
	s23 =	smul.u32 $0x66666667, s7;
	s31 =	spop (v2sf)  }
0x22f: {  	s7 =	smulhi.u32 $0x66666667, s9;
	s9 =	sshra.s32 s9, $0x1F;
	s10 =	spop (v2sf)  }
0x230: {  	s11 =	sshrl.u32 s24, $0x1F;
	s9 =	smul.u32 $0x66666667, s9;
	s12 =	spop (v2sf)  }
0x231: {  	s13 =	smulhi.u32 $0x66666667, s31;
	s5 =	sshra.s32 s31, $0x1F;
	s31 =	spop (v2sf)  }
0x232: {  	s25 =	sadd.s32 s1, s25;
	s5 =	smul.u32 $0x66666667, s5;
	s1 =	spop (v2sf)  }
0x233: {  	s22 =	sadd.s32 s3, s2;
	s2 =	smulhi.u32 $0x66666667, s10;
	s14 =	spop (v2sf)  }
0x234: {  	v7 =	vmov s11;
	s4 =	sadd.s32 s23, s8;
	s23 =	smulhi.u32 $0x66666667, s14;
	s3 =	sshra.s32 s14, $0x1F  }
0x235: {  	s30 =	sshrl.u32 s19, $0x1F;
	v7 =	vsel vm0, s28, v7;
	s28 =	sshra.s32 s24, $0x4;
	s3 =	smul.u32 $0x66666667, s3  }
0x236: {  	s10 =	sshra.s32 s10, $0x1F;
	s7 =	sadd.s32 s9, s7;
	s9 =	sshrl.u32 s25, $0x1F  }
0x237: {  	v5 =	vmov s6;
	s8 =	smul.u32 $0x66666667, s10;
	s10 =	sshrl.u32 s22, $0x1F;
	s23 =	sadd.s32 s3, s23  }
0x238: {  	v5 =	vsel vm0, s26, v5;
	s0 =	sadd.s32 s5, s13;
	s5 =	smulhi.u32 $0x66666667, s12;
	s13 =	sshra.s32 s23, $0x1F  }
0x239: {  	v5 =	vsel vm1, s29, v5;
	s26 =	sshra.s32 s31, $0x1F;
	s2 =	sadd.s32 s8, s2;
	s14 =	sshra.s32 s4, $0x4;
	v4 =	vmov s13  }
0x23a: {  	v5 =	vsel vm2, s30, v5;
	s30 =	smulhi.u32 $0x66666667, s1;
	s3 =	sshrl.u32 s4, $0x1F;
	s4 =	sshra.s32 s4, $0x1F;
	v4 =	vsel vm3, s14, v4  }
0x23b: {  	s8 =	sshra.s32 s12, $0x1F;
	v6 =	vmov s3;
	s3 =	smulhi.u32 $0x66666667, s31;
	s31 =	sshra.s32 s7, $0x4;
	v4 =	vsel vm9, s4, v4  }
0x23c: {  	s29 =	sshra.s32 s7, $0x1F;
	s1 =	sshra.s32 s1, $0x1F;
	s6 =	smul.u32 $0x66666667, s8;
	v4 =	vsel vm0, s31, v4  }
0x23d: {  	s12 =	sshrl.u32 s7, $0x1F;
	s1 =	smul.u32 $0x66666667, s1;
	v6 =	vnsel vm3, $0x0, v6;
	s31 =	sshra.s32 s0, $0x4;
	v4 =	vsel vm10, s29, v4  }
0x23e: {  	s8 =	sshrl.u32 s0, $0x1F;
	s5 =	sadd.s32 s6, s5;
	v6 =	vsel vm0, s12, v6;
	s0 =	sshra.s32 s0, $0x1F;
	v4 =	vsel vm1, s31, v4  }
0x23f: {  	v7 =	vsel vm1, s9, v7;
	s1 =	sadd.s32 s1, s30;
	s13 =	smul.u32 $0x66666667, s26;
	v6 =	vsel vm1, s8, v6;
	s8 =	sshra.s32 s2, $0x4;
	v4 =	vsel vm11, s0, v4  }
0x240: {  	v8 =	vmov s28;
	v7 =	vsel vm2, s10, v7;
	s26 =	sshra.s32 s20, $0x4;
	s14 =	sshrl.u32 s2, $0x1F;
	s12 =	sshra.s32 s2, $0x1F;
	v4 =	vsel vm2, s8, v4  }
0x241: {  	s30 =	sshra.s32 s17, $0x4;
	s6 =	sshrl.u32 s5, $0x1F;
	v21 =	vmov s26;
	v6 =	vsel vm2, s14, v6;
	s14 =	sshra.s32 s5, $0x4;
	v4 =	vsel vm12, s12, v4  }
0x242: {  	v5 =	vcombine.low v7, v5;
	s7 =	sshra.s32 s18, $0x4;
	s3 =	sadd.s32 s13, s3;
	v7 =	vsel vm0, s30, v21;
	s29 =	sshra.s32 s5, $0x1F;
	v4 =	vsel vm4, s14, v4  }
0x243: {  	s10 =	sshra.s32 s19, $0x4;
	v7 =	vsel vm1, s7, v7;
	v6 =	vsel vm4, s6, v6;
	s6 =	sshra.s32 s3, $0x4;
	s31 =	sshra.s32 s21, $0x4;
	v4 =	vsel vm13, s29, v4  }
0x244: {  	s11 =	sshrl.u32 s3, $0x1F;
	s9 =	sshra.s32 s3, $0x1F;
	v7 =	vsel vm2, s10, v7;
	v8 =	vsel vm0, s31, v8;
	s8 =	sshra.s32 s25, $0x4;
	v4 =	vsel vm5, s6, v4  }
0x245: {  	s13 =	sshrl.u32 s1, $0x1F;
	v6 =	vsel vm5, s11, v6;
	s11 =	sshra.s32 s22, $0x4;
	v8 =	vsel vm1, s8, v8;
	s12 =	sshra.s32 s1, $0x4;
	v4 =	vsel vm14, s9, v4  }
0x246: {  	v6 =	vsel vm6, s13, v6;
	s13 =	sshrl.u32 s23, $0x1F;
	v8 =	vsel vm2, s11, v8;
	s14 =	sshra.s32 s1, $0x1F;
	v4 =	vsel vm6, s12, v4  }
0x247: {  	s17 =	sshra.s32 s23, $0x4;
	v6 =	vsel vm7, s13, v6;
	v7 =	vcombine.low v8, v7;
	v4 =	vsel vm15, s14, v4  }
0x248: {  	v5 =	vperm.xlane v5, v0;
	v6 =	vperm.xlane v6, v1;
	v4 =	vsel vm7, s17, v4  }
0x249: {  	v7 =	vperm.xlane v7, v0;
	v4 =	vperm.xlane v4, v1;
	_ =	sdelay $0x1  }
0x24a: {  	v5 =	vsel vm8, v6, v5;
	v4 =	vsel vm8, v4, v7  }
0x24b: {  	v4 =	vadd.s32 v5, v4  }
0x24c: {  	v4 =	vmul.u32 $0x28, v4;
	_ =	sdelay $0x1  }
0x24d: {  	s18 =	sadd.s32 $0xFFFFFEE8, s15;
	v3 =	vsub.s32 v3, v4  }
0x24e: {  	v3 =	vadd.s32 s18, v3;
	_ =	sdelay $0x3  }
0x24f: {  	s19 =	simm.s32 $0x1480  }
0x250: {  	[tilespmem:v3+s19+$0x0] =	vst.idx.add.f32.msk $0xffff, v2  }
0x251: {  	v3 =	vld [tilespmem:s16+$0xFFFFFFA0];
	_ =	sdelay $0x4  }
0x252: {  	(v2sf) =	vpush v3, $0xD;
	_ =	sdelay $0x1  }
0x253: {  	(v2sf) =	vpush v3, $0xC;
	_ =	sdelay $0x1  }
0x254: {  	(v2sf) =	vpush v3, $0xE;
	_ =	sdelay $0x1  }
0x255: {  	(v2sf) =	vpush v3, $0xF;
	_ =	sdelay $0x1  }
0x256: {  	(v2sf) =	vpush v3, $0x9;
	_ =	sdelay $0x1  }
0x257: {  	(v2sf) =	vpush v3, $0x8;
	_ =	sdelay $0x1  }
0x258: {  	(v2sf) =	vpush v3, $0xA;
	_ =	sdelay $0x1  }
0x259: {  	(v2sf) =	vpush v3, $0xB  }
0x25a: {  	s20 =	spop (v2sf)  }
0x25b: {  	(v2sf) =	vpush v3, $0x0;
	s21 =	smulhi.u32 $0x66666667, s20;
	s0 =	sshra.s32 s20, $0x1F  }
0x25c: {  	(v2sf) =	vpush v3, $0x1;
	s22 =	spop (v2sf);
	s0 =	smul.u32 $0x66666667, s0  }
0x25d: {  	(v2sf) =	vpush v3, $0x2;
	s23 =	smulhi.u32 $0x66666667, s22;
	s2 =	sshra.s32 s22, $0x1F  }
0x25e: {  	(v2sf) =	vpush v3, $0x3;
	s24 =	spop (v2sf);
	s2 =	smul.u32 $0x66666667, s2  }
0x25f: {  	(v2sf) =	vpush v3, $0x4;
	s25 =	smulhi.u32 $0x66666667, s24;
	s4 =	sshra.s32 s24, $0x1F  }
0x260: {  	(v2sf) =	vpush v3, $0x5;
	s26 =	spop (v2sf);
	s4 =	smul.u32 $0x66666667, s4  }
0x261: {  	(v2sf) =	vpush v3, $0x6;
	s28 =	smulhi.u32 $0x66666667, s26;
	s29 =	sshra.s32 s26, $0x1F  }
0x262: {  	s17 =	sadd.s32 s0, s21;
	s30 =	spop (v2sf);
	(v2sf) =	vpush v3, $0x7;
	s1 =	smul.u32 $0x66666667, s29  }
0x263: {  	s26 =	sshrl.u32 s17, $0x1F;
	s31 =	smulhi.u32 $0x66666667, s30;
	s7 =	sshra.s32 s30, $0x1F  }
0x264: {  	s20 =	sadd.s32 s2, s23;
	s8 =	spop (v2sf);
	s3 =	smul.u32 $0x66666667, s7  }
0x265: {  	s6 =	sshrl.u32 s20, $0x1F;
	s9 =	smulhi.u32 $0x66666667, s8;
	s23 =	sshra.s32 s8, $0x1F  }
0x266: {  	s18 =	sadd.s32 s4, s25;
	s24 =	spop (v2sf);
	s5 =	smul.u32 $0x66666667, s23  }
0x267: {  	s29 =	sshrl.u32 s18, $0x1F;
	s25 =	smulhi.u32 $0x66666667, s24;
	s10 =	sshra.s32 s24, $0x1F  }
0x268: {  	s19 =	sadd.s32 s1, s28;
	s11 =	spop (v2sf);
	s1 =	smul.u32 $0x66666667, s10  }
0x269: {  	s30 =	sshrl.u32 s19, $0x1F;
	s2 =	smulhi.u32 $0x66666667, s11;
	s12 =	sshra.s32 s11, $0x1F  }
0x26a: {  	s21 =	sadd.s32 s3, s31;
	s13 =	spop (v2sf);
	s3 =	smul.u32 $0x66666667, s12  }
0x26b: {  	s8 =	smulhi.u32 $0x66666667, s13;
	s7 =	sshra.s32 s13, $0x1F;
	s22 =	spop (v2sf)  }
0x26c: {  	s28 =	sshrl.u32 s21, $0x1F;
	s23 =	smul.u32 $0x66666667, s7;
	s31 =	spop (v2sf)  }
0x26d: {  	s24 =	sadd.s32 s5, s9;
	s7 =	smulhi.u32 $0x66666667, s22;
	s10 =	spop (v2sf)  }
0x26e: {  	s9 =	sshra.s32 s22, $0x1F;
	s11 =	sshrl.u32 s24, $0x1F;
	s12 =	spop (v2sf)  }
0x26f: {  	s13 =	smulhi.u32 $0x66666667, s31;
	s5 =	sshra.s32 s31, $0x1F;
	s31 =	spop (v2sf)  }
0x270: {  	s25 =	sadd.s32 s1, s25;
	s9 =	smul.u32 $0x66666667, s9;
	s1 =	spop (v2sf)  }
0x271: {  	s22 =	sadd.s32 s3, s2;
	s0 =	smul.u32 $0x66666667, s5;
	s5 =	spop (v2sf)  }
0x272: {  	v25 =	vmov s11;
	s4 =	sadd.s32 s23, s8;
	s23 =	smulhi.u32 $0x66666667, s5;
	s3 =	sshra.s32 s5, $0x1F  }
0x273: {  	v7 =	vsel vm0, s28, v25;
	s28 =	sshra.s32 s24, $0x4;
	s7 =	sadd.s32 s9, s7;
	s3 =	smul.u32 $0x66666667, s3  }
0x274: {  	v23 =	vmov s6;
	s9 =	sshrl.u32 s25, $0x1F;
	s2 =	smulhi.u32 $0x66666667, s10;
	s10 =	sshra.s32 s10, $0x1F  }
0x275: {  	v5 =	vsel vm0, s26, v23;
	s0 =	sadd.s32 s0, s13;
	s8 =	smul.u32 $0x66666667, s10;
	s23 =	sadd.s32 s3, s23  }
0x276: {  	v5 =	vsel vm1, s29, v5;
	s29 =	sshra.s32 s7, $0x1F;
	s10 =	sshrl.u32 s22, $0x1F;
	s13 =	sshra.s32 s23, $0x1F  }
0x277: {  	s2 =	sadd.s32 s8, s2;
	s8 =	sshra.s32 s12, $0x1F;
	v22 =	vmov s13;
	s13 =	sshra.s32 s4, $0x4  }
0x278: {  	v5 =	vsel vm2, s30, v5;
	s30 =	smulhi.u32 $0x66666667, s1;
	s3 =	sshrl.u32 s4, $0x1F;
	s4 =	sshra.s32 s4, $0x1F;
	v4 =	vsel vm3, s13, v22  }
0x279: {  	v24 =	vmov s3;
	s3 =	smulhi.u32 $0x66666667, s31;
	s13 =	sshra.s32 s31, $0x1F;
	s31 =	sshra.s32 s7, $0x4;
	v4 =	vsel vm9, s4, v4  }
0x27a: {  	s1 =	sshra.s32 s1, $0x1F;
	s5 =	smulhi.u32 $0x66666667, s12;
	s12 =	sshrl.u32 s7, $0x1F;
	v4 =	vsel vm0, s31, v4  }
0x27b: {  	s6 =	smul.u32 $0x66666667, s8;
	s8 =	sshrl.u32 s0, $0x1F;
	v6 =	vnsel vm3, $0x0, v24;
	s31 =	sshra.s32 s0, $0x4;
	v4 =	vsel vm10, s29, v4  }
0x27c: {  	s26 =	sshrl.u32 s2, $0x1F;
	s1 =	smul.u32 $0x66666667, s1;
	v6 =	vsel vm0, s12, v6;
	s0 =	sshra.s32 s0, $0x1F;
	v4 =	vsel vm1, s31, v4  }
0x27d: {  	v7 =	vsel vm1, s9, v7;
	s5 =	sadd.s32 s6, s5;
	s13 =	smul.u32 $0x66666667, s13;
	v6 =	vsel vm1, s8, v6;
	s8 =	sshra.s32 s2, $0x4;
	v4 =	vsel vm11, s0, v4  }
0x27e: {  	v27 =	vmov s28;
	v7 =	vsel vm2, s10, v7;
	s11 =	sshra.s32 s2, $0x1F;
	s1 =	sadd.s32 s1, s30;
	s6 =	sshrl.u32 s5, $0x1F;
	v4 =	vsel vm2, s8, v4  }
0x27f: {  	v5 =	vcombine.low v7, v5;
	v6 =	vsel vm2, s26, v6;
	s26 =	sshra.s32 s20, $0x4;
	s3 =	sadd.s32 s13, s3;
	s13 =	sshra.s32 s5, $0x4;
	v4 =	vsel vm12, s11, v4  }
0x280: {  	s30 =	sshra.s32 s17, $0x4;
	v6 =	vsel vm4, s6, v6;
	s29 =	sshra.s32 s5, $0x1F;
	v26 =	vmov s26;
	s9 =	sshrl.u32 s3, $0x1F;
	v4 =	vsel vm4, s13, v4  }
0x281: {  	s7 =	sshra.s32 s18, $0x4;
	s31 =	sshra.s32 s21, $0x4;
	s6 =	sshra.s32 s3, $0x4;
	v7 =	vsel vm0, s30, v26;
	v6 =	vsel vm5, s9, v6;
	v4 =	vsel vm13, s29, v4  }
0x282: {  	s12 =	sshrl.u32 s1, $0x1F;
	v8 =	vsel vm0, s31, v27;
	s9 =	sshra.s32 s3, $0x1F;
	v7 =	vsel vm1, s7, v7;
	s8 =	sshra.s32 s25, $0x4;
	v4 =	vsel vm5, s6, v4  }
0x283: {  	s10 =	sshra.s32 s19, $0x4;
	v6 =	vsel vm6, s12, v6;
	s12 =	sshra.s32 s1, $0x4;
	v8 =	vsel vm1, s8, v8;
	s11 =	sshra.s32 s22, $0x4;
	v4 =	vsel vm14, s9, v4  }
0x284: {  	s17 =	sshra.s32 s1, $0x1F;
	v7 =	vsel vm2, s10, v7;
	s13 =	sshrl.u32 s23, $0x1F;
	v8 =	vsel vm2, s11, v8;
	v4 =	vsel vm6, s12, v4  }
0x285: {  	s18 =	sshra.s32 s23, $0x4;
	v6 =	vsel vm7, s13, v6;
	v7 =	vcombine.low v8, v7;
	v4 =	vsel vm15, s17, v4  }
0x286: {  	v5 =	vperm.xlane v5, v0;
	v6 =	vperm.xlane v6, v1;
	v4 =	vsel vm7, s18, v4  }
0x287: {  	v7 =	vperm.xlane v7, v0;
	v4 =	vperm.xlane v4, v1;
	_ =	sdelay $0x1  }
0x288: {  	v5 =	vsel vm8, v6, v5;
	v4 =	vsel vm8, v4, v7  }
0x289: {  	v4 =	vadd.s32 v5, v4  }
0x28a: {  	v4 =	vmul.u32 $0x28, v4;
	_ =	sdelay $0x1  }
0x28b: {  	s19 =	sadd.s32 $0xFFFFFF10, s15;
	v3 =	vsub.s32 v3, v4  }
0x28c: {  	v3 =	vadd.s32 s19, v3;
	_ =	sdelay $0x3  }
0x28d: {  	s14 =	simm.s32 $0x1480  }
0x28e: {  	[tilespmem:v3+s14+$0x0] =	vst.idx.add.f32.msk $0xffff, v2  }
0x28f: {  	v3 =	vld [tilespmem:s16+$0xFFFFFFB0];
	_ =	sdelay $0x4  }
0x290: {  	(v2sf) =	vpush v3, $0xD;
	_ =	sdelay $0x1  }
0x291: {  	(v2sf) =	vpush v3, $0xC;
	_ =	sdelay $0x1  }
0x292: {  	(v2sf) =	vpush v3, $0xE;
	_ =	sdelay $0x1  }
0x293: {  	(v2sf) =	vpush v3, $0xF;
	_ =	sdelay $0x1  }
0x294: {  	(v2sf) =	vpush v3, $0x9;
	_ =	sdelay $0x1  }
0x295: {  	(v2sf) =	vpush v3, $0x8;
	_ =	sdelay $0x1  }
0x296: {  	(v2sf) =	vpush v3, $0xA;
	_ =	sdelay $0x1  }
0x297: {  	(v2sf) =	vpush v3, $0xB  }
0x298: {  	s20 =	spop (v2sf)  }
0x299: {  	(v2sf) =	vpush v3, $0x0;
	s21 =	smulhi.u32 $0x66666667, s20;
	s0 =	sshra.s32 s20, $0x1F  }
0x29a: {  	(v2sf) =	vpush v3, $0x1;
	s22 =	spop (v2sf);
	s0 =	smul.u32 $0x66666667, s0  }
0x29b: {  	(v2sf) =	vpush v3, $0x2;
	s23 =	smulhi.u32 $0x66666667, s22;
	s2 =	sshra.s32 s22, $0x1F  }
0x29c: {  	(v2sf) =	vpush v3, $0x3;
	s24 =	spop (v2sf);
	s2 =	smul.u32 $0x66666667, s2  }
0x29d: {  	(v2sf) =	vpush v3, $0x4;
	s25 =	smulhi.u32 $0x66666667, s24;
	s4 =	sshra.s32 s24, $0x1F  }
0x29e: {  	(v2sf) =	vpush v3, $0x5;
	s26 =	spop (v2sf);
	s4 =	smul.u32 $0x66666667, s4  }
0x29f: {  	(v2sf) =	vpush v3, $0x6;
	s28 =	smulhi.u32 $0x66666667, s26;
	s29 =	sshra.s32 s26, $0x1F  }
0x2a0: {  	s17 =	sadd.s32 s0, s21;
	s30 =	spop (v2sf);
	(v2sf) =	vpush v3, $0x7;
	s1 =	smul.u32 $0x66666667, s29  }
0x2a1: {  	s26 =	sshrl.u32 s17, $0x1F;
	s31 =	smulhi.u32 $0x66666667, s30;
	s7 =	sshra.s32 s30, $0x1F  }
0x2a2: {  	s20 =	sadd.s32 s2, s23;
	s8 =	spop (v2sf);
	s3 =	smul.u32 $0x66666667, s7  }
0x2a3: {  	s6 =	sshrl.u32 s20, $0x1F;
	s9 =	smulhi.u32 $0x66666667, s8;
	s23 =	sshra.s32 s8, $0x1F  }
0x2a4: {  	s18 =	sadd.s32 s4, s25;
	s24 =	spop (v2sf);
	s5 =	smul.u32 $0x66666667, s23  }
0x2a5: {  	s29 =	sshrl.u32 s18, $0x1F;
	s25 =	smulhi.u32 $0x66666667, s24;
	s10 =	sshra.s32 s24, $0x1F  }
0x2a6: {  	s19 =	sadd.s32 s1, s28;
	s11 =	spop (v2sf);
	s1 =	smul.u32 $0x66666667, s10  }
0x2a7: {  	s30 =	sshrl.u32 s19, $0x1F;
	s2 =	smulhi.u32 $0x66666667, s11;
	s12 =	sshra.s32 s11, $0x1F  }
0x2a8: {  	s21 =	sadd.s32 s3, s31;
	s13 =	spop (v2sf);
	s3 =	smul.u32 $0x66666667, s12  }
0x2a9: {  	s8 =	smulhi.u32 $0x66666667, s13;
	s7 =	sshra.s32 s13, $0x1F;
	s22 =	spop (v2sf)  }
0x2aa: {  	s28 =	sshrl.u32 s21, $0x1F;
	s23 =	smul.u32 $0x66666667, s7;
	s31 =	spop (v2sf)  }
0x2ab: {  	s24 =	sadd.s32 s5, s9;
	s7 =	smulhi.u32 $0x66666667, s22;
	s10 =	spop (v2sf)  }
0x2ac: {  	s9 =	sshra.s32 s22, $0x1F;
	s11 =	sshrl.u32 s24, $0x1F;
	s12 =	spop (v2sf)  }
0x2ad: {  	s13 =	smulhi.u32 $0x66666667, s31;
	s5 =	sshra.s32 s31, $0x1F;
	s31 =	spop (v2sf)  }
0x2ae: {  	s25 =	sadd.s32 s1, s25;
	s9 =	smul.u32 $0x66666667, s9;
	s1 =	spop (v2sf)  }
0x2af: {  	s22 =	sadd.s32 s3, s2;
	s0 =	smul.u32 $0x66666667, s5;
	s5 =	spop (v2sf)  }
0x2b0: {  	v31 =	vmov s11;
	s4 =	sadd.s32 s23, s8;
	s23 =	smulhi.u32 $0x66666667, s5;
	s3 =	sshra.s32 s5, $0x1F  }
0x2b1: {  	v7 =	vsel vm0, s28, v31;
	s28 =	sshra.s32 s24, $0x4;
	s7 =	sadd.s32 s9, s7;
	s3 =	smul.u32 $0x66666667, s3  }
0x2b2: {  	v29 =	vmov s6;
	s9 =	sshrl.u32 s25, $0x1F;
	s2 =	smulhi.u32 $0x66666667, s10;
	s10 =	sshra.s32 s10, $0x1F  }
0x2b3: {  	v5 =	vsel vm0, s26, v29;
	s0 =	sadd.s32 s0, s13;
	s8 =	smul.u32 $0x66666667, s10;
	s23 =	sadd.s32 s3, s23  }
0x2b4: {  	v5 =	vsel vm1, s29, v5;
	s29 =	sshra.s32 s7, $0x1F;
	s10 =	sshrl.u32 s22, $0x1F;
	s13 =	sshra.s32 s23, $0x1F  }
0x2b5: {  	s2 =	sadd.s32 s8, s2;
	s8 =	sshra.s32 s12, $0x1F;
	v28 =	vmov s13;
	s13 =	sshra.s32 s4, $0x4  }
0x2b6: {  	v5 =	vsel vm2, s30, v5;
	s30 =	smulhi.u32 $0x66666667, s1;
	s3 =	sshrl.u32 s4, $0x1F;
	s4 =	sshra.s32 s4, $0x1F;
	v4 =	vsel vm3, s13, v28  }
0x2b7: {  	v30 =	vmov s3;
	s3 =	smulhi.u32 $0x66666667, s31;
	s13 =	sshra.s32 s31, $0x1F;
	s31 =	sshra.s32 s7, $0x4;
	v4 =	vsel vm9, s4, v4  }
0x2b8: {  	s1 =	sshra.s32 s1, $0x1F;
	s5 =	smulhi.u32 $0x66666667, s12;
	s12 =	sshrl.u32 s7, $0x1F;
	v4 =	vsel vm0, s31, v4  }
0x2b9: {  	s6 =	smul.u32 $0x66666667, s8;
	s8 =	sshrl.u32 s0, $0x1F;
	v6 =	vnsel vm3, $0x0, v30;
	s31 =	sshra.s32 s0, $0x4;
	v4 =	vsel vm10, s29, v4  }
0x2ba: {  	s26 =	sshrl.u32 s2, $0x1F;
	s1 =	smul.u32 $0x66666667, s1;
	v6 =	vsel vm0, s12, v6;
	s0 =	sshra.s32 s0, $0x1F;
	v4 =	vsel vm1, s31, v4  }
0x2bb: {  	v7 =	vsel vm1, s9, v7;
	s5 =	sadd.s32 s6, s5;
	s13 =	smul.u32 $0x66666667, s13;
	v6 =	vsel vm1, s8, v6;
	s8 =	sshra.s32 s2, $0x4;
	v4 =	vsel vm11, s0, v4  }
0x2bc: {  	v33 =	vmov s28;
	v7 =	vsel vm2, s10, v7;
	s11 =	sshra.s32 s2, $0x1F;
	s1 =	sadd.s32 s1, s30;
	s6 =	sshrl.u32 s5, $0x1F;
	v4 =	vsel vm2, s8, v4  }
0x2bd: {  	v5 =	vcombine.low v7, v5;
	v6 =	vsel vm2, s26, v6;
	s26 =	sshra.s32 s20, $0x4;
	s3 =	sadd.s32 s13, s3;
	s13 =	sshra.s32 s5, $0x4;
	v4 =	vsel vm12, s11, v4  }
0x2be: {  	s30 =	sshra.s32 s17, $0x4;
	v6 =	vsel vm4, s6, v6;
	s29 =	sshra.s32 s5, $0x1F;
	v32 =	vmov s26;
	s9 =	sshrl.u32 s3, $0x1F;
	v4 =	vsel vm4, s13, v4  }
0x2bf: {  	s7 =	sshra.s32 s18, $0x4;
	s31 =	sshra.s32 s21, $0x4;
	s6 =	sshra.s32 s3, $0x4;
	v7 =	vsel vm0, s30, v32;
	v6 =	vsel vm5, s9, v6;
	v4 =	vsel vm13, s29, v4  }
0x2c0: {  	s12 =	sshrl.u32 s1, $0x1F;
	v8 =	vsel vm0, s31, v33;
	s9 =	sshra.s32 s3, $0x1F;
	v7 =	vsel vm1, s7, v7;
	s8 =	sshra.s32 s25, $0x4;
	v4 =	vsel vm5, s6, v4  }
0x2c1: {  	s10 =	sshra.s32 s19, $0x4;
	v6 =	vsel vm6, s12, v6;
	s12 =	sshra.s32 s1, $0x4;
	v8 =	vsel vm1, s8, v8;
	s11 =	sshra.s32 s22, $0x4;
	v4 =	vsel vm14, s9, v4  }
0x2c2: {  	s17 =	sshra.s32 s1, $0x1F;
	v7 =	vsel vm2, s10, v7;
	s13 =	sshrl.u32 s23, $0x1F;
	v8 =	vsel vm2, s11, v8;
	v4 =	vsel vm6, s12, v4  }
0x2c3: {  	s18 =	sshra.s32 s23, $0x4;
	v6 =	vsel vm7, s13, v6;
	v7 =	vcombine.low v8, v7;
	v4 =	vsel vm15, s17, v4  }
0x2c4: {  	v5 =	vperm.xlane v5, v0;
	v6 =	vperm.xlane v6, v1;
	v4 =	vsel vm7, s18, v4  }
0x2c5: {  	v7 =	vperm.xlane v7, v0;
	v4 =	vperm.xlane v4, v1;
	_ =	sdelay $0x1  }
0x2c6: {  	v5 =	vsel vm8, v6, v5;
	v4 =	vsel vm8, v4, v7  }
0x2c7: {  	v4 =	vadd.s32 v5, v4  }
0x2c8: {  	v4 =	vmul.u32 $0x28, v4;
	_ =	sdelay $0x1  }
0x2c9: {  	s19 =	sadd.s32 $0xFFFFFF38, s15;
	v3 =	vsub.s32 v3, v4  }
0x2ca: {  	v3 =	vadd.s32 s19, v3;
	_ =	sdelay $0x3  }
0x2cb: {  	s14 =	simm.s32 $0x1480  }
0x2cc: {  	[tilespmem:v3+s14+$0x0] =	vst.idx.add.f32.msk $0xffff, v2  }
0x2cd: {  	v3 =	vld [tilespmem:s16+$0xFFFFFFC0];
	_ =	sdelay $0x4  }
0x2ce: {  	(v2sf) =	vpush v3, $0xD;
	_ =	sdelay $0x1  }
0x2cf: {  	(v2sf) =	vpush v3, $0xC;
	_ =	sdelay $0x1  }
0x2d0: {  	(v2sf) =	vpush v3, $0xE;
	_ =	sdelay $0x1  }
0x2d1: {  	(v2sf) =	vpush v3, $0xF;
	_ =	sdelay $0x1  }
0x2d2: {  	(v2sf) =	vpush v3, $0x9;
	_ =	sdelay $0x1  }
0x2d3: {  	(v2sf) =	vpush v3, $0x8;
	_ =	sdelay $0x1  }
0x2d4: {  	(v2sf) =	vpush v3, $0xA;
	_ =	sdelay $0x1  }
0x2d5: {  	(v2sf) =	vpush v3, $0xB  }
0x2d6: {  	s20 =	spop (v2sf)  }
0x2d7: {  	(v2sf) =	vpush v3, $0x0;
	s21 =	smulhi.u32 $0x66666667, s20;
	s0 =	sshra.s32 s20, $0x1F  }
0x2d8: {  	(v2sf) =	vpush v3, $0x1;
	s22 =	spop (v2sf);
	s0 =	smul.u32 $0x66666667, s0  }
0x2d9: {  	(v2sf) =	vpush v3, $0x2;
	s23 =	smulhi.u32 $0x66666667, s22;
	s2 =	sshra.s32 s22, $0x1F  }
0x2da: {  	(v2sf) =	vpush v3, $0x3;
	s24 =	spop (v2sf);
	s2 =	smul.u32 $0x66666667, s2  }
0x2db: {  	(v2sf) =	vpush v3, $0x4;
	s25 =	smulhi.u32 $0x66666667, s24;
	s4 =	sshra.s32 s24, $0x1F  }
0x2dc: {  	(v2sf) =	vpush v3, $0x5;
	s26 =	spop (v2sf);
	s4 =	smul.u32 $0x66666667, s4  }
0x2dd: {  	(v2sf) =	vpush v3, $0x6;
	s28 =	smulhi.u32 $0x66666667, s26;
	s29 =	sshra.s32 s26, $0x1F  }
0x2de: {  	s17 =	sadd.s32 s0, s21;
	s30 =	spop (v2sf);
	(v2sf) =	vpush v3, $0x7;
	s1 =	smul.u32 $0x66666667, s29  }
0x2df: {  	s26 =	sshrl.u32 s17, $0x1F;
	s31 =	smulhi.u32 $0x66666667, s30;
	s7 =	sshra.s32 s30, $0x1F  }
0x2e0: {  	s20 =	sadd.s32 s2, s23;
	s8 =	spop (v2sf);
	s3 =	smul.u32 $0x66666667, s7  }
0x2e1: {  	s6 =	sshrl.u32 s20, $0x1F;
	s9 =	smulhi.u32 $0x66666667, s8;
	s23 =	sshra.s32 s8, $0x1F  }
0x2e2: {  	s18 =	sadd.s32 s4, s25;
	s24 =	spop (v2sf);
	s5 =	smul.u32 $0x66666667, s23  }
0x2e3: {  	s29 =	sshrl.u32 s18, $0x1F;
	s25 =	smulhi.u32 $0x66666667, s24;
	s10 =	sshra.s32 s24, $0x1F  }
0x2e4: {  	s19 =	sadd.s32 s1, s28;
	s11 =	spop (v2sf);
	s1 =	smul.u32 $0x66666667, s10  }
0x2e5: {  	s30 =	sshrl.u32 s19, $0x1F;
	s2 =	smulhi.u32 $0x66666667, s11;
	s12 =	sshra.s32 s11, $0x1F  }
0x2e6: {  	s21 =	sadd.s32 s3, s31;
	s13 =	spop (v2sf);
	s3 =	smul.u32 $0x66666667, s12  }
0x2e7: {  	s8 =	smulhi.u32 $0x66666667, s13;
	s7 =	sshra.s32 s13, $0x1F;
	s22 =	spop (v2sf)  }
0x2e8: {  	s28 =	sshrl.u32 s21, $0x1F;
	s23 =	smul.u32 $0x66666667, s7;
	s31 =	spop (v2sf)  }
0x2e9: {  	s24 =	sadd.s32 s5, s9;
	s7 =	smulhi.u32 $0x66666667, s22;
	s10 =	spop (v2sf)  }
0x2ea: {  	s9 =	sshra.s32 s22, $0x1F;
	s11 =	sshrl.u32 s24, $0x1F;
	s12 =	spop (v2sf)  }
0x2eb: {  	s13 =	smulhi.u32 $0x66666667, s31;
	s5 =	sshra.s32 s31, $0x1F;
	s31 =	spop (v2sf)  }
0x2ec: {  	s25 =	sadd.s32 s1, s25;
	s9 =	smul.u32 $0x66666667, s9;
	s1 =	spop (v2sf)  }
0x2ed: {  	s22 =	sadd.s32 s3, s2;
	s0 =	smul.u32 $0x66666667, s5;
	s5 =	spop (v2sf)  }
0x2ee: {  	v37 =	vmov s11;
	s4 =	sadd.s32 s23, s8;
	s23 =	smulhi.u32 $0x66666667, s5;
	s3 =	sshra.s32 s5, $0x1F  }
0x2ef: {  	v7 =	vsel vm0, s28, v37;
	s28 =	sshra.s32 s24, $0x4;
	s7 =	sadd.s32 s9, s7;
	s3 =	smul.u32 $0x66666667, s3  }
0x2f0: {  	v35 =	vmov s6;
	s9 =	sshrl.u32 s25, $0x1F;
	s2 =	smulhi.u32 $0x66666667, s10;
	s10 =	sshra.s32 s10, $0x1F  }
0x2f1: {  	v5 =	vsel vm0, s26, v35;
	s0 =	sadd.s32 s0, s13;
	s8 =	smul.u32 $0x66666667, s10;
	s23 =	sadd.s32 s3, s23  }
0x2f2: {  	v5 =	vsel vm1, s29, v5;
	s29 =	sshra.s32 s7, $0x1F;
	s10 =	sshrl.u32 s22, $0x1F;
	s13 =	sshra.s32 s23, $0x1F  }
0x2f3: {  	s2 =	sadd.s32 s8, s2;
	s8 =	sshra.s32 s12, $0x1F;
	v34 =	vmov s13;
	s13 =	sshra.s32 s4, $0x4  }
0x2f4: {  	v5 =	vsel vm2, s30, v5;
	s30 =	smulhi.u32 $0x66666667, s1;
	s3 =	sshrl.u32 s4, $0x1F;
	s4 =	sshra.s32 s4, $0x1F;
	v4 =	vsel vm3, s13, v34  }
0x2f5: {  	v36 =	vmov s3;
	s3 =	smulhi.u32 $0x66666667, s31;
	s13 =	sshra.s32 s31, $0x1F;
	s31 =	sshra.s32 s7, $0x4;
	v4 =	vsel vm9, s4, v4  }
0x2f6: {  	s1 =	sshra.s32 s1, $0x1F;
	s5 =	smulhi.u32 $0x66666667, s12;
	s12 =	sshrl.u32 s7, $0x1F;
	v4 =	vsel vm0, s31, v4  }
0x2f7: {  	s6 =	smul.u32 $0x66666667, s8;
	s8 =	sshrl.u32 s0, $0x1F;
	v6 =	vnsel vm3, $0x0, v36;
	s31 =	sshra.s32 s0, $0x4;
	v4 =	vsel vm10, s29, v4  }
0x2f8: {  	s26 =	sshrl.u32 s2, $0x1F;
	s1 =	smul.u32 $0x66666667, s1;
	v6 =	vsel vm0, s12, v6;
	s0 =	sshra.s32 s0, $0x1F;
	v4 =	vsel vm1, s31, v4  }
0x2f9: {  	v7 =	vsel vm1, s9, v7;
	s5 =	sadd.s32 s6, s5;
	s13 =	smul.u32 $0x66666667, s13;
	v6 =	vsel vm1, s8, v6;
	s8 =	sshra.s32 s2, $0x4;
	v4 =	vsel vm11, s0, v4  }
0x2fa: {  	v39 =	vmov s28;
	v7 =	vsel vm2, s10, v7;
	s11 =	sshra.s32 s2, $0x1F;
	s1 =	sadd.s32 s1, s30;
	s6 =	sshrl.u32 s5, $0x1F;
	v4 =	vsel vm2, s8, v4  }
0x2fb: {  	v5 =	vcombine.low v7, v5;
	v6 =	vsel vm2, s26, v6;
	s26 =	sshra.s32 s20, $0x4;
	s3 =	sadd.s32 s13, s3;
	s13 =	sshra.s32 s5, $0x4;
	v4 =	vsel vm12, s11, v4  }
0x2fc: {  	s30 =	sshra.s32 s17, $0x4;
	v6 =	vsel vm4, s6, v6;
	s29 =	sshra.s32 s5, $0x1F;
	v38 =	vmov s26;
	s9 =	sshrl.u32 s3, $0x1F;
	v4 =	vsel vm4, s13, v4  }
0x2fd: {  	s7 =	sshra.s32 s18, $0x4;
	s31 =	sshra.s32 s21, $0x4;
	s6 =	sshra.s32 s3, $0x4;
	v7 =	vsel vm0, s30, v38;
	v6 =	vsel vm5, s9, v6;
	v4 =	vsel vm13, s29, v4  }
0x2fe: {  	s12 =	sshrl.u32 s1, $0x1F;
	v8 =	vsel vm0, s31, v39;
	s9 =	sshra.s32 s3, $0x1F;
	v7 =	vsel vm1, s7, v7;
	s8 =	sshra.s32 s25, $0x4;
	v4 =	vsel vm5, s6, v4  }
0x2ff: {  	s10 =	sshra.s32 s19, $0x4;
	v6 =	vsel vm6, s12, v6;
	s12 =	sshra.s32 s1, $0x4;
	v8 =	vsel vm1, s8, v8;
	s11 =	sshra.s32 s22, $0x4;
	v4 =	vsel vm14, s9, v4  }
0x300: {  	s17 =	sshra.s32 s1, $0x1F;
	v7 =	vsel vm2, s10, v7;
	s13 =	sshrl.u32 s23, $0x1F;
	v8 =	vsel vm2, s11, v8;
	v4 =	vsel vm6, s12, v4  }
0x301: {  	s18 =	sshra.s32 s23, $0x4;
	v6 =	vsel vm7, s13, v6;
	v7 =	vcombine.low v8, v7;
	v4 =	vsel vm15, s17, v4  }
0x302: {  	v5 =	vperm.xlane v5, v0;
	v6 =	vperm.xlane v6, v1;
	v4 =	vsel vm7, s18, v4  }
0x303: {  	v7 =	vperm.xlane v7, v0;
	v4 =	vperm.xlane v4, v1;
	_ =	sdelay $0x1  }
0x304: {  	v5 =	vsel vm8, v6, v5;
	v4 =	vsel vm8, v4, v7  }
0x305: {  	v4 =	vadd.s32 v5, v4  }
0x306: {  	v4 =	vmul.u32 $0x28, v4;
	_ =	sdelay $0x1  }
0x307: {  	s19 =	sadd.s32 $0xFFFFFF60, s15;
	v3 =	vsub.s32 v3, v4  }
0x308: {  	v3 =	vadd.s32 s19, v3;
	_ =	sdelay $0x4  }
0x309: {  	[tilespmem:v3+s14+$0x0] =	vst.idx.add.f32.msk $0xffff, v2  }
0x30a: {  	v3 =	vld [tilespmem:s16+$0xFFFFFFD0];
	_ =	sdelay $0x4  }
0x30b: {  	(v2sf) =	vpush v3, $0xD;
	_ =	sdelay $0x1  }
0x30c: {  	(v2sf) =	vpush v3, $0xC;
	_ =	sdelay $0x1  }
0x30d: {  	(v2sf) =	vpush v3, $0xE;
	_ =	sdelay $0x1  }
0x30e: {  	(v2sf) =	vpush v3, $0xF;
	_ =	sdelay $0x1  }
0x30f: {  	(v2sf) =	vpush v3, $0x9;
	_ =	sdelay $0x1  }
0x310: {  	(v2sf) =	vpush v3, $0x8;
	_ =	sdelay $0x1  }
0x311: {  	(v2sf) =	vpush v3, $0xA;
	_ =	sdelay $0x1  }
0x312: {  	(v2sf) =	vpush v3, $0xB  }
0x313: {  	s20 =	spop (v2sf)  }
0x314: {  	(v2sf) =	vpush v3, $0x0;
	s21 =	smulhi.u32 $0x66666667, s20;
	s0 =	sshra.s32 s20, $0x1F  }
0x315: {  	(v2sf) =	vpush v3, $0x1;
	s22 =	spop (v2sf);
	s0 =	smul.u32 $0x66666667, s0  }
0x316: {  	(v2sf) =	vpush v3, $0x2;
	s23 =	smulhi.u32 $0x66666667, s22;
	s2 =	sshra.s32 s22, $0x1F  }
0x317: {  	(v2sf) =	vpush v3, $0x3;
	s24 =	spop (v2sf);
	s2 =	smul.u32 $0x66666667, s2  }
0x318: {  	(v2sf) =	vpush v3, $0x4;
	s25 =	smulhi.u32 $0x66666667, s24;
	s4 =	sshra.s32 s24, $0x1F  }
0x319: {  	(v2sf) =	vpush v3, $0x5;
	s26 =	spop (v2sf);
	s4 =	smul.u32 $0x66666667, s4  }
0x31a: {  	(v2sf) =	vpush v3, $0x6;
	s28 =	smulhi.u32 $0x66666667, s26;
	s29 =	sshra.s32 s26, $0x1F  }
0x31b: {  	s17 =	sadd.s32 s0, s21;
	s30 =	spop (v2sf);
	(v2sf) =	vpush v3, $0x7;
	s1 =	smul.u32 $0x66666667, s29  }
0x31c: {  	s26 =	sshrl.u32 s17, $0x1F;
	s31 =	smulhi.u32 $0x66666667, s30;
	s7 =	sshra.s32 s30, $0x1F  }
0x31d: {  	s20 =	sadd.s32 s2, s23;
	s8 =	spop (v2sf);
	s3 =	smul.u32 $0x66666667, s7  }
0x31e: {  	s6 =	sshrl.u32 s20, $0x1F;
	s9 =	smulhi.u32 $0x66666667, s8;
	s23 =	sshra.s32 s8, $0x1F  }
0x31f: {  	s18 =	sadd.s32 s4, s25;
	s24 =	spop (v2sf);
	s5 =	smul.u32 $0x66666667, s23  }
0x320: {  	s29 =	sshrl.u32 s18, $0x1F;
	s25 =	smulhi.u32 $0x66666667, s24;
	s10 =	sshra.s32 s24, $0x1F  }
0x321: {  	s19 =	sadd.s32 s1, s28;
	s11 =	spop (v2sf);
	s1 =	smul.u32 $0x66666667, s10  }
0x322: {  	s30 =	sshrl.u32 s19, $0x1F;
	s2 =	smulhi.u32 $0x66666667, s11;
	s12 =	sshra.s32 s11, $0x1F  }
0x323: {  	s21 =	sadd.s32 s3, s31;
	s13 =	spop (v2sf);
	s3 =	smul.u32 $0x66666667, s12  }
0x324: {  	s8 =	smulhi.u32 $0x66666667, s13;
	s7 =	sshra.s32 s13, $0x1F;
	s22 =	spop (v2sf)  }
0x325: {  	s28 =	sshrl.u32 s21, $0x1F;
	s23 =	smul.u32 $0x66666667, s7;
	s31 =	spop (v2sf)  }
0x326: {  	s24 =	sadd.s32 s5, s9;
	s7 =	smulhi.u32 $0x66666667, s22;
	s10 =	spop (v2sf)  }
0x327: {  	s9 =	sshra.s32 s22, $0x1F;
	s11 =	sshrl.u32 s24, $0x1F;
	s12 =	spop (v2sf)  }
0x328: {  	s13 =	smulhi.u32 $0x66666667, s31;
	s5 =	sshra.s32 s31, $0x1F;
	s31 =	spop (v2sf)  }
0x329: {  	s25 =	sadd.s32 s1, s25;
	s9 =	smul.u32 $0x66666667, s9;
	s1 =	spop (v2sf)  }
0x32a: {  	s22 =	sadd.s32 s3, s2;
	s0 =	smul.u32 $0x66666667, s5;
	s5 =	spop (v2sf)  }
0x32b: {  	v43 =	vmov s11;
	s4 =	sadd.s32 s23, s8;
	s23 =	smulhi.u32 $0x66666667, s5;
	s3 =	sshra.s32 s5, $0x1F  }
0x32c: {  	v7 =	vsel vm0, s28, v43;
	s28 =	sshra.s32 s24, $0x4;
	s7 =	sadd.s32 s9, s7;
	s3 =	smul.u32 $0x66666667, s3  }
0x32d: {  	v41 =	vmov s6;
	s9 =	sshrl.u32 s25, $0x1F;
	s2 =	smulhi.u32 $0x66666667, s10;
	s10 =	sshra.s32 s10, $0x1F  }
0x32e: {  	v5 =	vsel vm0, s26, v41;
	s0 =	sadd.s32 s0, s13;
	s8 =	smul.u32 $0x66666667, s10;
	s23 =	sadd.s32 s3, s23  }
0x32f: {  	v5 =	vsel vm1, s29, v5;
	s29 =	sshra.s32 s7, $0x1F;
	s10 =	sshrl.u32 s22, $0x1F;
	s13 =	sshra.s32 s23, $0x1F  }
0x330: {  	s2 =	sadd.s32 s8, s2;
	s8 =	sshra.s32 s12, $0x1F;
	v40 =	vmov s13;
	s13 =	sshra.s32 s4, $0x4  }
0x331: {  	v5 =	vsel vm2, s30, v5;
	s30 =	smulhi.u32 $0x66666667, s1;
	s3 =	sshrl.u32 s4, $0x1F;
	s4 =	sshra.s32 s4, $0x1F;
	v4 =	vsel vm3, s13, v40  }
0x332: {  	v42 =	vmov s3;
	s3 =	smulhi.u32 $0x66666667, s31;
	s13 =	sshra.s32 s31, $0x1F;
	s31 =	sshra.s32 s7, $0x4;
	v4 =	vsel vm9, s4, v4  }
0x333: {  	s1 =	sshra.s32 s1, $0x1F;
	s5 =	smulhi.u32 $0x66666667, s12;
	s12 =	sshrl.u32 s7, $0x1F;
	v4 =	vsel vm0, s31, v4  }
0x334: {  	s6 =	smul.u32 $0x66666667, s8;
	s8 =	sshrl.u32 s0, $0x1F;
	v6 =	vnsel vm3, $0x0, v42;
	s31 =	sshra.s32 s0, $0x4;
	v4 =	vsel vm10, s29, v4  }
0x335: {  	s26 =	sshrl.u32 s2, $0x1F;
	s1 =	smul.u32 $0x66666667, s1;
	v6 =	vsel vm0, s12, v6;
	s0 =	sshra.s32 s0, $0x1F;
	v4 =	vsel vm1, s31, v4  }
0x336: {  	v7 =	vsel vm1, s9, v7;
	s5 =	sadd.s32 s6, s5;
	s13 =	smul.u32 $0x66666667, s13;
	v6 =	vsel vm1, s8, v6;
	s8 =	sshra.s32 s2, $0x4;
	v4 =	vsel vm11, s0, v4  }
0x337: {  	v45 =	vmov s28;
	v7 =	vsel vm2, s10, v7;
	s11 =	sshra.s32 s2, $0x1F;
	s1 =	sadd.s32 s1, s30;
	s6 =	sshrl.u32 s5, $0x1F;
	v4 =	vsel vm2, s8, v4  }
0x338: {  	v5 =	vcombine.low v7, v5;
	v6 =	vsel vm2, s26, v6;
	s26 =	sshra.s32 s20, $0x4;
	s3 =	sadd.s32 s13, s3;
	s13 =	sshra.s32 s5, $0x4;
	v4 =	vsel vm12, s11, v4  }
0x339: {  	s30 =	sshra.s32 s17, $0x4;
	v6 =	vsel vm4, s6, v6;
	s29 =	sshra.s32 s5, $0x1F;
	v44 =	vmov s26;
	s9 =	sshrl.u32 s3, $0x1F;
	v4 =	vsel vm4, s13, v4  }
0x33a: {  	s7 =	sshra.s32 s18, $0x4;
	s31 =	sshra.s32 s21, $0x4;
	s6 =	sshra.s32 s3, $0x4;
	v7 =	vsel vm0, s30, v44;
	v6 =	vsel vm5, s9, v6;
	v4 =	vsel vm13, s29, v4  }
0x33b: {  	s12 =	sshrl.u32 s1, $0x1F;
	v8 =	vsel vm0, s31, v45;
	s9 =	sshra.s32 s3, $0x1F;
	v7 =	vsel vm1, s7, v7;
	s8 =	sshra.s32 s25, $0x4;
	v4 =	vsel vm5, s6, v4  }
0x33c: {  	s10 =	sshra.s32 s19, $0x4;
	v6 =	vsel vm6, s12, v6;
	s12 =	sshra.s32 s1, $0x4;
	v8 =	vsel vm1, s8, v8;
	s11 =	sshra.s32 s22, $0x4;
	v4 =	vsel vm14, s9, v4  }
0x33d: {  	s17 =	sshra.s32 s1, $0x1F;
	v7 =	vsel vm2, s10, v7;
	s13 =	sshrl.u32 s23, $0x1F;
	v8 =	vsel vm2, s11, v8;
	v4 =	vsel vm6, s12, v4  }
0x33e: {  	s18 =	sshra.s32 s23, $0x4;
	v6 =	vsel vm7, s13, v6;
	v7 =	vcombine.low v8, v7;
	v4 =	vsel vm15, s17, v4  }
0x33f: {  	v5 =	vperm.xlane v5, v0;
	v6 =	vperm.xlane v6, v1;
	v4 =	vsel vm7, s18, v4  }
0x340: {  	v7 =	vperm.xlane v7, v0;
	v4 =	vperm.xlane v4, v1;
	_ =	sdelay $0x1  }
0x341: {  	v5 =	vsel vm8, v6, v5;
	v4 =	vsel vm8, v4, v7  }
0x342: {  	v4 =	vadd.s32 v5, v4  }
0x343: {  	v4 =	vmul.u32 $0x28, v4;
	_ =	sdelay $0x1  }
0x344: {  	s19 =	sadd.s32 $0xFFFFFF88, s15;
	v3 =	vsub.s32 v3, v4  }
0x345: {  	v3 =	vadd.s32 s19, v3;
	_ =	sdelay $0x4  }
0x346: {  	[tilespmem:v3+s14+$0x0] =	vst.idx.add.f32.msk $0xffff, v2  }
0x347: {  	v3 =	vld [tilespmem:s16+$0xFFFFFFE0];
	_ =	sdelay $0x4  }
0x348: {  	(v2sf) =	vpush v3, $0xD;
	_ =	sdelay $0x1  }
0x349: {  	(v2sf) =	vpush v3, $0xC;
	_ =	sdelay $0x1  }
0x34a: {  	(v2sf) =	vpush v3, $0xE;
	_ =	sdelay $0x1  }
0x34b: {  	(v2sf) =	vpush v3, $0xF;
	_ =	sdelay $0x1  }
0x34c: {  	(v2sf) =	vpush v3, $0x9;
	_ =	sdelay $0x1  }
0x34d: {  	(v2sf) =	vpush v3, $0x8;
	_ =	sdelay $0x1  }
0x34e: {  	(v2sf) =	vpush v3, $0xA;
	_ =	sdelay $0x1  }
0x34f: {  	(v2sf) =	vpush v3, $0xB  }
0x350: {  	s20 =	spop (v2sf)  }
0x351: {  	(v2sf) =	vpush v3, $0x0;
	s21 =	smulhi.u32 $0x66666667, s20;
	s0 =	sshra.s32 s20, $0x1F  }
0x352: {  	(v2sf) =	vpush v3, $0x1;
	s22 =	spop (v2sf);
	s0 =	smul.u32 $0x66666667, s0  }
0x353: {  	(v2sf) =	vpush v3, $0x2;
	s23 =	smulhi.u32 $0x66666667, s22;
	s2 =	sshra.s32 s22, $0x1F  }
0x354: {  	(v2sf) =	vpush v3, $0x3;
	s24 =	spop (v2sf);
	s2 =	smul.u32 $0x66666667, s2  }
0x355: {  	(v2sf) =	vpush v3, $0x4;
	s25 =	smulhi.u32 $0x66666667, s24;
	s4 =	sshra.s32 s24, $0x1F  }
0x356: {  	(v2sf) =	vpush v3, $0x5;
	s26 =	spop (v2sf);
	s4 =	smul.u32 $0x66666667, s4  }
0x357: {  	(v2sf) =	vpush v3, $0x6;
	s28 =	smulhi.u32 $0x66666667, s26;
	s29 =	sshra.s32 s26, $0x1F  }
0x358: {  	s17 =	sadd.s32 s0, s21;
	s30 =	spop (v2sf);
	(v2sf) =	vpush v3, $0x7;
	s1 =	smul.u32 $0x66666667, s29  }
0x359: {  	s26 =	sshrl.u32 s17, $0x1F;
	s31 =	smulhi.u32 $0x66666667, s30;
	s7 =	sshra.s32 s30, $0x1F  }
0x35a: {  	s20 =	sadd.s32 s2, s23;
	s8 =	spop (v2sf);
	s3 =	smul.u32 $0x66666667, s7  }
0x35b: {  	s6 =	sshrl.u32 s20, $0x1F;
	s9 =	smulhi.u32 $0x66666667, s8;
	s23 =	sshra.s32 s8, $0x1F  }
0x35c: {  	s18 =	sadd.s32 s4, s25;
	s24 =	spop (v2sf);
	s5 =	smul.u32 $0x66666667, s23  }
0x35d: {  	s29 =	sshrl.u32 s18, $0x1F;
	s25 =	smulhi.u32 $0x66666667, s24;
	s10 =	sshra.s32 s24, $0x1F  }
0x35e: {  	s19 =	sadd.s32 s1, s28;
	s11 =	spop (v2sf);
	s1 =	smul.u32 $0x66666667, s10  }
0x35f: {  	s30 =	sshrl.u32 s19, $0x1F;
	s2 =	smulhi.u32 $0x66666667, s11;
	s12 =	sshra.s32 s11, $0x1F  }
0x360: {  	s21 =	sadd.s32 s3, s31;
	s13 =	spop (v2sf);
	s3 =	smul.u32 $0x66666667, s12  }
0x361: {  	s8 =	smulhi.u32 $0x66666667, s13;
	s7 =	sshra.s32 s13, $0x1F;
	s22 =	spop (v2sf)  }
0x362: {  	s28 =	sshrl.u32 s21, $0x1F;
	s23 =	smul.u32 $0x66666667, s7;
	s31 =	spop (v2sf)  }
0x363: {  	s24 =	sadd.s32 s5, s9;
	s7 =	smulhi.u32 $0x66666667, s22;
	s10 =	spop (v2sf)  }
0x364: {  	s9 =	sshra.s32 s22, $0x1F;
	s11 =	sshrl.u32 s24, $0x1F;
	s12 =	spop (v2sf)  }
0x365: {  	s13 =	smulhi.u32 $0x66666667, s31;
	s5 =	sshra.s32 s31, $0x1F;
	s31 =	spop (v2sf)  }
0x366: {  	s25 =	sadd.s32 s1, s25;
	s9 =	smul.u32 $0x66666667, s9;
	s1 =	spop (v2sf)  }
0x367: {  	s22 =	sadd.s32 s3, s2;
	s0 =	smul.u32 $0x66666667, s5;
	s5 =	spop (v2sf)  }
0x368: {  	v49 =	vmov s11;
	s4 =	sadd.s32 s23, s8;
	s23 =	smulhi.u32 $0x66666667, s5;
	s3 =	sshra.s32 s5, $0x1F  }
0x369: {  	v7 =	vsel vm0, s28, v49;
	s28 =	sshra.s32 s24, $0x4;
	s7 =	sadd.s32 s9, s7;
	s3 =	smul.u32 $0x66666667, s3  }
0x36a: {  	v47 =	vmov s6;
	s9 =	sshrl.u32 s25, $0x1F;
	s2 =	smulhi.u32 $0x66666667, s10;
	s10 =	sshra.s32 s10, $0x1F  }
0x36b: {  	v5 =	vsel vm0, s26, v47;
	s0 =	sadd.s32 s0, s13;
	s8 =	smul.u32 $0x66666667, s10;
	s23 =	sadd.s32 s3, s23  }
0x36c: {  	v5 =	vsel vm1, s29, v5;
	s29 =	sshra.s32 s7, $0x1F;
	s10 =	sshrl.u32 s22, $0x1F;
	s13 =	sshra.s32 s23, $0x1F  }
0x36d: {  	s2 =	sadd.s32 s8, s2;
	s8 =	sshra.s32 s12, $0x1F;
	v46 =	vmov s13;
	s13 =	sshra.s32 s4, $0x4  }
0x36e: {  	v5 =	vsel vm2, s30, v5;
	s30 =	smulhi.u32 $0x66666667, s1;
	s3 =	sshrl.u32 s4, $0x1F;
	s4 =	sshra.s32 s4, $0x1F;
	v4 =	vsel vm3, s13, v46  }
0x36f: {  	v48 =	vmov s3;
	s3 =	smulhi.u32 $0x66666667, s31;
	s13 =	sshra.s32 s31, $0x1F;
	s31 =	sshra.s32 s7, $0x4;
	v4 =	vsel vm9, s4, v4  }
0x370: {  	s1 =	sshra.s32 s1, $0x1F;
	s5 =	smulhi.u32 $0x66666667, s12;
	s12 =	sshrl.u32 s7, $0x1F;
	v4 =	vsel vm0, s31, v4  }
0x371: {  	s6 =	smul.u32 $0x66666667, s8;
	s8 =	sshrl.u32 s0, $0x1F;
	v6 =	vnsel vm3, $0x0, v48;
	s31 =	sshra.s32 s0, $0x4;
	v4 =	vsel vm10, s29, v4  }
0x372: {  	s26 =	sshrl.u32 s2, $0x1F;
	s1 =	smul.u32 $0x66666667, s1;
	v6 =	vsel vm0, s12, v6;
	s0 =	sshra.s32 s0, $0x1F;
	v4 =	vsel vm1, s31, v4  }
0x373: {  	v7 =	vsel vm1, s9, v7;
	s5 =	sadd.s32 s6, s5;
	s13 =	smul.u32 $0x66666667, s13;
	v6 =	vsel vm1, s8, v6;
	s8 =	sshra.s32 s2, $0x4;
	v4 =	vsel vm11, s0, v4  }
0x374: {  	v51 =	vmov s28;
	v7 =	vsel vm2, s10, v7;
	s11 =	sshra.s32 s2, $0x1F;
	s1 =	sadd.s32 s1, s30;
	s6 =	sshrl.u32 s5, $0x1F;
	v4 =	vsel vm2, s8, v4  }
0x375: {  	v5 =	vcombine.low v7, v5;
	v6 =	vsel vm2, s26, v6;
	s26 =	sshra.s32 s20, $0x4;
	s3 =	sadd.s32 s13, s3;
	s13 =	sshra.s32 s5, $0x4;
	v4 =	vsel vm12, s11, v4  }
0x376: {  	s30 =	sshra.s32 s17, $0x4;
	v6 =	vsel vm4, s6, v6;
	s29 =	sshra.s32 s5, $0x1F;
	v50 =	vmov s26;
	s9 =	sshrl.u32 s3, $0x1F;
	v4 =	vsel vm4, s13, v4  }
0x377: {  	s7 =	sshra.s32 s18, $0x4;
	s31 =	sshra.s32 s21, $0x4;
	s6 =	sshra.s32 s3, $0x4;
	v7 =	vsel vm0, s30, v50;
	v6 =	vsel vm5, s9, v6;
	v4 =	vsel vm13, s29, v4  }
0x378: {  	s12 =	sshrl.u32 s1, $0x1F;
	v8 =	vsel vm0, s31, v51;
	s9 =	sshra.s32 s3, $0x1F;
	v7 =	vsel vm1, s7, v7;
	s8 =	sshra.s32 s25, $0x4;
	v4 =	vsel vm5, s6, v4  }
0x379: {  	s10 =	sshra.s32 s19, $0x4;
	v6 =	vsel vm6, s12, v6;
	s12 =	sshra.s32 s1, $0x4;
	v8 =	vsel vm1, s8, v8;
	s11 =	sshra.s32 s22, $0x4;
	v4 =	vsel vm14, s9, v4  }
0x37a: {  	s17 =	sshra.s32 s1, $0x1F;
	v7 =	vsel vm2, s10, v7;
	s13 =	sshrl.u32 s23, $0x1F;
	v8 =	vsel vm2, s11, v8;
	v4 =	vsel vm6, s12, v4  }
0x37b: {  	s18 =	sshra.s32 s23, $0x4;
	v6 =	vsel vm7, s13, v6;
	v7 =	vcombine.low v8, v7;
	v4 =	vsel vm15, s17, v4  }
0x37c: {  	v5 =	vperm.xlane v5, v0;
	v6 =	vperm.xlane v6, v1;
	v4 =	vsel vm7, s18, v4  }
0x37d: {  	v7 =	vperm.xlane v7, v0;
	v4 =	vperm.xlane v4, v1;
	_ =	sdelay $0x1  }
0x37e: {  	v5 =	vsel vm8, v6, v5;
	v4 =	vsel vm8, v4, v7  }
0x37f: {  	v4 =	vadd.s32 v5, v4  }
0x380: {  	v4 =	vmul.u32 $0x28, v4;
	_ =	sdelay $0x1  }
0x381: {  	s19 =	sadd.s32 $0xFFFFFFB0, s15;
	v3 =	vsub.s32 v3, v4  }
0x382: {  	v3 =	vadd.s32 s19, v3;
	_ =	sdelay $0x4  }
0x383: {  	[tilespmem:v3+s14+$0x0] =	vst.idx.add.f32.msk $0xffff, v2  }
0x384: {  	v3 =	vld [tilespmem:s16+$0xFFFFFFF0];
	_ =	sdelay $0x4  }
0x385: {  	(v2sf) =	vpush v3, $0xD;
	_ =	sdelay $0x1  }
0x386: {  	(v2sf) =	vpush v3, $0xC;
	_ =	sdelay $0x1  }
0x387: {  	(v2sf) =	vpush v3, $0xE;
	_ =	sdelay $0x1  }
0x388: {  	(v2sf) =	vpush v3, $0xF;
	_ =	sdelay $0x1  }
0x389: {  	(v2sf) =	vpush v3, $0x9;
	_ =	sdelay $0x1  }
0x38a: {  	(v2sf) =	vpush v3, $0x8;
	_ =	sdelay $0x1  }
0x38b: {  	(v2sf) =	vpush v3, $0xA;
	_ =	sdelay $0x1  }
0x38c: {  	(v2sf) =	vpush v3, $0xB  }
0x38d: {  	s20 =	spop (v2sf)  }
0x38e: {  	(v2sf) =	vpush v3, $0x0;
	s21 =	smulhi.u32 $0x66666667, s20;
	s0 =	sshra.s32 s20, $0x1F  }
0x38f: {  	(v2sf) =	vpush v3, $0x1;
	s22 =	spop (v2sf);
	s0 =	smul.u32 $0x66666667, s0  }
0x390: {  	(v2sf) =	vpush v3, $0x2;
	s23 =	smulhi.u32 $0x66666667, s22;
	s2 =	sshra.s32 s22, $0x1F  }
0x391: {  	(v2sf) =	vpush v3, $0x3;
	s24 =	spop (v2sf);
	s2 =	smul.u32 $0x66666667, s2  }
0x392: {  	(v2sf) =	vpush v3, $0x4;
	s25 =	smulhi.u32 $0x66666667, s24;
	s4 =	sshra.s32 s24, $0x1F  }
0x393: {  	s26 =	spop (v2sf);
	(v2sf) =	vpush v3, $0x5;
	s4 =	smul.u32 $0x66666667, s4  }
0x394: {  	s28 =	smulhi.u32 $0x66666667, s26;
	s29 =	sshra.s32 s26, $0x1F;
	(v2sf) =	vpush v3, $0x6  }
0x395: {  	s17 =	sadd.s32 s0, s21;
	s30 =	spop (v2sf);
	s1 =	smul.u32 $0x66666667, s29;
	(v2sf) =	vpush v3, $0x7  }
0x396: {  	s26 =	sshrl.u32 s17, $0x1F;
	s31 =	smulhi.u32 $0x66666667, s30;
	s7 =	sshra.s32 s30, $0x1F  }
0x397: {  	s20 =	sadd.s32 s2, s23;
	s8 =	spop (v2sf);
	s3 =	smul.u32 $0x66666667, s7  }
0x398: {  	s6 =	sshrl.u32 s20, $0x1F;
	s9 =	smulhi.u32 $0x66666667, s8;
	s23 =	sshra.s32 s8, $0x1F  }
0x399: {  	s18 =	sadd.s32 s4, s25;
	s24 =	spop (v2sf);
	s5 =	smul.u32 $0x66666667, s23  }
0x39a: {  	s29 =	sshrl.u32 s18, $0x1F;
	s25 =	smulhi.u32 $0x66666667, s24;
	s10 =	sshra.s32 s24, $0x1F  }
0x39b: {  	s19 =	sadd.s32 s1, s28;
	s11 =	spop (v2sf);
	s1 =	smul.u32 $0x66666667, s10  }
0x39c: {  	s30 =	sshrl.u32 s19, $0x1F;
	s2 =	smulhi.u32 $0x66666667, s11;
	s12 =	sshra.s32 s11, $0x1F  }
0x39d: {  	s21 =	sadd.s32 s3, s31;
	s13 =	spop (v2sf);
	s3 =	smul.u32 $0x66666667, s12  }
0x39e: {  	s8 =	smulhi.u32 $0x66666667, s13;
	s7 =	sshra.s32 s13, $0x1F;
	s22 =	spop (v2sf)  }
0x39f: {  	s28 =	sshrl.u32 s21, $0x1F;
	s23 =	smul.u32 $0x66666667, s7;
	s31 =	spop (v2sf)  }
0x3a0: {  	s24 =	sadd.s32 s5, s9;
	s7 =	smulhi.u32 $0x66666667, s22;
	s10 =	spop (v2sf)  }
0x3a1: {  	s9 =	sshra.s32 s22, $0x1F;
	s11 =	sshrl.u32 s24, $0x1F;
	s12 =	spop (v2sf)  }
0x3a2: {  	s13 =	smulhi.u32 $0x66666667, s31;
	s5 =	sshra.s32 s31, $0x1F;
	s31 =	spop (v2sf)  }
0x3a3: {  	s25 =	sadd.s32 s1, s25;
	s9 =	smul.u32 $0x66666667, s9;
	s1 =	spop (v2sf)  }
0x3a4: {  	s22 =	sadd.s32 s3, s2;
	s0 =	smul.u32 $0x66666667, s5;
	s5 =	spop (v2sf)  }
0x3a5: {  	s4 =	sadd.s32 s23, s8;
	s23 =	smulhi.u32 $0x66666667, s5;
	s3 =	sshra.s32 s5, $0x1F  }
0x3a6: {  	v55 =	vmov s11;
	s11 =	sshra.s32 s20, $0x4;
	s20 =	sshra.s32 s17, $0x4;
	s3 =	smul.u32 $0x66666667, s3  }
0x3a7: {  	v7 =	vsel vm0, s28, v55;
	s28 =	sshra.s32 s18, $0x4;
	s2 =	smulhi.u32 $0x66666667, s10;
	s10 =	sshra.s32 s10, $0x1F  }
0x3a8: {  	s7 =	sadd.s32 s9, s7;
	s8 =	smul.u32 $0x66666667, s10;
	s23 =	sadd.s32 s3, s23  }
0x3a9: {  	v53 =	vmov s6;
	s9 =	sshrl.u32 s25, $0x1F;
	s0 =	sadd.s32 s0, s13;
	s13 =	sshra.s32 s23, $0x1F  }
0x3aa: {  	v5 =	vsel vm0, s26, v53;
	s2 =	sadd.s32 s8, s2;
	s8 =	sshra.s32 s12, $0x1F;
	v52 =	vmov s13;
	s13 =	sshra.s32 s4, $0x4  }
0x3ab: {  	v5 =	vsel vm1, s29, v5;
	s29 =	smulhi.u32 $0x66666667, s1;
	s3 =	sshrl.u32 s4, $0x1F;
	s4 =	sshra.s32 s4, $0x1F;
	v4 =	vsel vm3, s13, v52  }
0x3ac: {  	v54 =	vmov s3;
	s3 =	smulhi.u32 $0x66666667, s31;
	s13 =	sshra.s32 s31, $0x1F;
	s31 =	sshra.s32 s7, $0x4;
	v4 =	vsel vm9, s4, v4  }
0x3ad: {  	s5 =	smulhi.u32 $0x66666667, s12;
	s12 =	sshrl.u32 s7, $0x1F;
	s7 =	sshra.s32 s7, $0x1F;
	v4 =	vsel vm0, s31, v4  }
0x3ae: {  	v5 =	vsel vm2, s30, v5;
	s10 =	sshrl.u32 s22, $0x1F;
	s30 =	sshra.s32 s0, $0x4;
	s6 =	smul.u32 $0x66666667, s8;
	v4 =	vsel vm10, s7, v4  }
0x3af: {  	v56 =	vmov s11;
	s1 =	sshra.s32 s1, $0x1F;
	s8 =	sshrl.u32 s0, $0x1F;
	s0 =	sshra.s32 s0, $0x1F;
	v6 =	vnsel vm3, $0x0, v54;
	v4 =	vsel vm1, s30, v4  }
0x3b0: {  	v7 =	vsel vm1, s9, v7;
	s1 =	smul.u32 $0x66666667, s1;
	s5 =	sadd.s32 s6, s5;
	s6 =	sshra.s32 s2, $0x4;
	v6 =	vsel vm0, s12, v6;
	v4 =	vsel vm11, s0, v4  }
0x3b1: {  	v7 =	vsel vm2, s10, v7;
	s26 =	sshrl.u32 s2, $0x1F;
	s13 =	smul.u32 $0x66666667, s13;
	v6 =	vsel vm1, s8, v6;
	s8 =	sshra.s32 s2, $0x1F;
	v4 =	vsel vm2, s6, v4  }
0x3b2: {  	v5 =	vcombine.low v7, v5;
	v7 =	vsel vm0, s20, v56;
	s1 =	sadd.s32 s1, s29;
	s10 =	sshra.s32 s5, $0x4;
	s12 =	sshra.s32 s24, $0x4;
	v4 =	vsel vm12, s8, v4  }
0x3b3: {  	v7 =	vsel vm1, s28, v7;
	s24 =	sshra.s32 s21, $0x4;
	v57 =	vmov s12;
	s3 =	sadd.s32 s13, s3;
	s13 =	sshra.s32 s5, $0x1F;
	v4 =	vsel vm4, s10, v4  }
0x3b4: {  	s29 =	sshra.s32 s25, $0x4;
	v6 =	vsel vm2, s26, v6;
	s31 =	sshrl.u32 s5, $0x1F;
	v8 =	vsel vm0, s24, v57;
	s26 =	sshra.s32 s3, $0x4;
	v4 =	vsel vm13, s13, v4  }
0x3b5: {  	s4 =	sshra.s32 s22, $0x4;
	v6 =	vsel vm4, s31, v6;
	s31 =	sshra.s32 s19, $0x4;
	v8 =	vsel vm1, s29, v8;
	s30 =	sshra.s32 s3, $0x1F;
	v4 =	vsel vm5, s26, v4  }
0x3b6: {  	s5 =	sshra.s32 s1, $0x4;
	s7 =	sshrl.u32 s3, $0x1F;
	v7 =	vsel vm2, s31, v7;
	v8 =	vsel vm2, s4, v8;
	v4 =	vsel vm14, s30, v4  }
0x3b7: {  	s9 =	sshrl.u32 s1, $0x1F;
	v6 =	vsel vm5, s7, v6;
	s7 =	sshra.s32 s1, $0x1F;
	v7 =	vcombine.low v8, v7;
	v4 =	vsel vm6, s5, v4  }
0x3b8: {  	v5 =	vperm.xlane v5, v0;
	v6 =	vsel vm6, s9, v6;
	s6 =	sshrl.u32 s23, $0x1F;
	s8 =	sshra.s32 s23, $0x4;
	v4 =	vsel vm15, s7, v4  }
0x3b9: {  	v6 =	vsel vm7, s6, v6;
	v7 =	vperm.xlane v7, v0;
	v4 =	vsel vm7, s8, v4  }
0x3ba: {  	v6 =	vperm.xlane v6, v1;
	v4 =	vperm.xlane v4, v1;
	_ =	sdelay $0x1  }
0x3bb: {  	v5 =	vsel vm8, v6, v5;
	v4 =	vsel vm8, v4, v7  }
0x3bc: {  	v4 =	vadd.s32 v5, v4  }
0x3bd: {  	v4 =	vmul.u32 $0x28, v4;
	_ =	sdelay $0x1  }
0x3be: {  	s9 =	sadd.s32 $0xFFFFFFD8, s15;
	v3 =	vsub.s32 v3, v4  }
0x3bf: {  	v3 =	vadd.s32 s9, v3;
	_ =	sdelay $0x4  }
0x3c0: {  	[tilespmem:v3+s14+$0x0] =	vst.idx.add.f32.msk $0xffff, v2  }
0x3c1: {  	v3 =	vld [tilespmem:s16+$0x0];
	_ =	sdelay $0x4  }
0x3c2: {  	(v2sf) =	vpush v3, $0xD;
	_ =	sdelay $0x1  }
0x3c3: {  	(v2sf) =	vpush v3, $0xC;
	_ =	sdelay $0x1  }
0x3c4: {  	(v2sf) =	vpush v3, $0xE;
	_ =	sdelay $0x1  }
0x3c5: {  	(v2sf) =	vpush v3, $0xF;
	_ =	sdelay $0x1  }
0x3c6: {  	(v2sf) =	vpush v3, $0x9;
	_ =	sdelay $0x1  }
0x3c7: {  	(v2sf) =	vpush v3, $0x8;
	_ =	sdelay $0x1  }
0x3c8: {  	(v2sf) =	vpush v3, $0xA;
	_ =	sdelay $0x1  }
0x3c9: {  	(v2sf) =	vpush v3, $0xB  }
0x3ca: {  	s10 =	spop (v2sf)  }
0x3cb: {  	(v2sf) =	vpush v3, $0x0;
	s1 =	smulhi.u32 $0x66666667, s10;
	s0 =	sshra.s32 s10, $0x1F  }
0x3cc: {  	s11 =	spop (v2sf);
	s0 =	smul.u32 $0x66666667, s0  }
0x3cd: {  	(v2sf) =	vpush v3, $0x1;
	s3 =	smulhi.u32 $0x66666667, s11;
	s2 =	sshra.s32 s11, $0x1F  }
0x3ce: {  	s12 =	spop (v2sf);
	s2 =	smul.u32 $0x66666667, s2  }
0x3cf: {  	(v2sf) =	vpush v3, $0x2;
	s6 =	smulhi.u32 $0x66666667, s12;
	s4 =	sshra.s32 s12, $0x1F  }
0x3d0: {  	(v2sf) =	vpush v3, $0x3;
	s13 =	spop (v2sf);
	s4 =	smul.u32 $0x66666667, s4  }
0x3d1: {  	(v2sf) =	vpush v3, $0x4;
	s9 =	smulhi.u32 $0x66666667, s13;
	s5 =	sshra.s32 s13, $0x1F  }
0x3d2: {  	(v2sf) =	vpush v3, $0x5;
	s17 =	spop (v2sf);
	s5 =	smul.u32 $0x66666667, s5  }
0x3d3: {  	(v2sf) =	vpush v3, $0x6;
	s11 =	smulhi.u32 $0x66666667, s17;
	s7 =	sshra.s32 s17, $0x1F  }
0x3d4: {  	(v2sf) =	vpush v3, $0x7;
	s18 =	spop (v2sf);
	s7 =	smul.u32 $0x66666667, s7  }
0x3d5: {  	s21 =	smulhi.u32 $0x66666667, s18;
	s8 =	sshra.s32 s18, $0x1F  }
0x3d6: {  	s19 =	spop (v2sf);
	s8 =	smul.u32 $0x66666667, s8  }
0x3d7: {  	s28 =	smulhi.u32 $0x66666667, s19;
	s10 =	sshra.s32 s19, $0x1F  }
0x3d8: {  	s18 =	sadd.s32 s0, s1;
	s20 =	spop (v2sf);
	s10 =	smul.u32 $0x66666667, s10  }
0x3d9: {  	s19 =	sadd.s32 s4, s6;
	s31 =	smulhi.u32 $0x66666667, s20;
	s12 =	sshra.s32 s20, $0x1F  }
0x3da: {  	s17 =	sadd.s32 s5, s9;
	s24 =	spop (v2sf);
	s0 =	smul.u32 $0x66666667, s12  }
0x3db: {  	s20 =	sadd.s32 s2, s3;
	s1 =	smulhi.u32 $0x66666667, s24;
	s24 =	sshra.s32 s24, $0x1F  }
0x3dc: {  	s3 =	sshrl.u32 s18, $0x1F;
	s25 =	spop (v2sf);
	s2 =	smul.u32 $0x66666667, s24  }
0x3dd: {  	s13 =	sshrl.u32 s19, $0x1F;
	s4 =	smulhi.u32 $0x66666667, s25;
	s25 =	sshra.s32 s25, $0x1F  }
0x3de: {  	s12 =	sshrl.u32 s20, $0x1F;
	s22 =	spop (v2sf);
	s5 =	smul.u32 $0x66666667, s25  }
0x3df: {  	s24 =	sadd.s32 s7, s11;
	s23 =	spop (v2sf);
	s6 =	smulhi.u32 $0x66666667, s22  }
0x3e0: {  	s22 =	sshra.s32 s22, $0x1F;
	s25 =	sadd.s32 s8, s21;
	s29 =	spop (v2sf)  }
0x3e1: {  	s7 =	smul.u32 $0x66666667, s22;
	s22 =	sadd.s32 s10, s28;
	s30 =	spop (v2sf)  }
0x3e2: {  	s8 =	smulhi.u32 $0x66666667, s23;
	s28 =	sshra.s32 s23, $0x1F;
	s26 =	spop (v2sf)  }
0x3e3: {  	s21 =	sadd.s32 s0, s31;
	s0 =	smul.u32 $0x66666667, s28;
	s11 =	spop (v2sf)  }
0x3e4: {  	s1 =	sadd.s32 s2, s1;
	s2 =	smulhi.u32 $0x66666667, s11;
	s10 =	sshra.s32 s11, $0x1F  }
0x3e5: {  	s9 =	sshrl.u32 s17, $0x1F;
	s19 =	sshra.s32 s19, $0x4;
	v59 =	vmov s12;
	s23 =	smul.u32 $0x66666667, s10  }
0x3e6: {  	v5 =	vsel vm0, s3, v59;
	s31 =	sshra.s32 s29, $0x1F;
	s6 =	sadd.s32 s7, s6;
	s7 =	smulhi.u32 $0x66666667, s29  }
0x3e7: {  	v5 =	vsel vm1, s13, v5;
	s4 =	sadd.s32 s5, s4;
	s10 =	smul.u32 $0x66666667, s31;
	s23 =	sadd.s32 s23, s2  }
0x3e8: {  	s28 =	sshrl.u32 s25, $0x1F;
	v5 =	vsel vm2, s9, v5;
	s9 =	sshra.s32 s20, $0x4;
	s5 =	sshra.s32 s23, $0x1F  }
0x3e9: {  	s29 =	sshrl.u32 s1, $0x1F;
	s7 =	sadd.s32 s10, s7;
	s10 =	sshra.s32 s1, $0x4;
	v58 =	vmov s5  }
0x3ea: {  	s3 =	smulhi.u32 $0x66666667, s30;
	s12 =	sshra.s32 s4, $0x4;
	s1 =	sshra.s32 s1, $0x1F;
	v4 =	vsel vm3, s10, v58  }
0x3eb: {  	s0 =	sadd.s32 s0, s8;
	s8 =	sshrl.u32 s21, $0x1F;
	v60 =	vmov s29;
	s29 =	sshrl.u32 s6, $0x1F;
	v4 =	vsel vm9, s1, v4  }
0x3ec: {  	s31 =	sshra.s32 s30, $0x1F;
	s5 =	sshrl.u32 s4, $0x1F;
	s4 =	sshra.s32 s4, $0x1F;
	v4 =	vsel vm0, s12, v4  }
0x3ed: {  	v61 =	vmov s28;
	v6 =	vnsel vm3, $0x0, v60;
	s11 =	sshrl.u32 s24, $0x1F;
	s10 =	smul.u32 $0x66666667, s31;
	s31 =	sshra.s32 s6, $0x4;
	v4 =	vsel vm10, s4, v4  }
0x3ee: {  	s30 =	sshra.s32 s26, $0x1F;
	v7 =	vsel vm0, s11, v61;
	s2 =	sshrl.u32 s22, $0x1F;
	v6 =	vsel vm0, s5, v6;
	s6 =	sshra.s32 s6, $0x1F;
	v4 =	vsel vm1, s31, v4  }
0x3ef: {  	s13 =	smul.u32 $0x66666667, s30;
	s28 =	sshrl.u32 s7, $0x1F;
	v7 =	vsel vm1, s2, v7;
	v6 =	vsel vm1, s29, v6;
	s29 =	sshra.s32 s0, $0x4;
	v4 =	vsel vm11, s6, v4  }
0x3f0: {  	v62 =	vmov s9;
	v7 =	vsel vm2, s8, v7;
	s8 =	sshra.s32 s7, $0x4;
	s12 =	sshrl.u32 s0, $0x1F;
	s0 =	sshra.s32 s0, $0x1F;
	v4 =	vsel vm2, s29, v4  }
0x3f1: {  	s5 =	smulhi.u32 $0x66666667, s26;
	v5 =	vcombine.low v7, v5;
	s26 =	sadd.s32 s10, s3;
	s10 =	sshra.s32 s25, $0x4;
	v6 =	vsel vm2, s12, v6;
	v4 =	vsel vm12, s0, v4  }
0x3f2: {  	s11 =	sshra.s32 s7, $0x1F;
	s30 =	sshrl.u32 s26, $0x1F;
	s12 =	sshra.s32 s18, $0x4;
	v63 =	vmov s10;
	v6 =	vsel vm4, s28, v6;
	v4 =	vsel vm4, s8, v4  }
0x3f3: {  	s18 =	sshra.s32 s26, $0x4;
	s31 =	sadd.s32 s13, s5;
	s13 =	sshra.s32 s24, $0x4;
	v7 =	vsel vm0, s12, v62;
	v6 =	vsel vm5, s30, v6;
	v4 =	vsel vm13, s11, v4  }
0x3f4: {  	s20 =	sshra.s32 s22, $0x4;
	s22 =	sshra.s32 s26, $0x1F;
	s6 =	sshrl.u32 s31, $0x1F;
	v8 =	vsel vm0, s13, v63;
	v7 =	vsel vm1, s19, v7;
	v4 =	vsel vm5, s18, v4  }
0x3f5: {  	s25 =	sshra.s32 s21, $0x4;
	s24 =	sshra.s32 s17, $0x4;
	s26 =	sshra.s32 s31, $0x4;
	v6 =	vsel vm6, s6, v6;
	v8 =	vsel vm1, s20, v8;
	v4 =	vsel vm14, s22, v4  }
0x3f6: {  	s28 =	sshrl.u32 s23, $0x1F;
	v7 =	vsel vm2, s24, v7;
	s29 =	sshra.s32 s31, $0x1F;
	v8 =	vsel vm2, s25, v8;
	v4 =	vsel vm6, s26, v4  }
0x3f7: {  	s30 =	sshra.s32 s23, $0x4;
	v6 =	vsel vm7, s28, v6;
	v7 =	vcombine.low v8, v7;
	v4 =	vsel vm15, s29, v4  }
0x3f8: {  	v5 =	vperm.xlane v5, v0;
	v6 =	vperm.xlane v6, v1;
	v4 =	vsel vm7, s30, v4  }
0x3f9: {  	v7 =	vperm.xlane v7, v0;
	v4 =	vperm.xlane v4, v1;
	_ =	sdelay $0x1  }
0x3fa: {  	v5 =	vsel vm8, v6, v5;
	v4 =	vsel vm8, v4, v7  }
0x3fb: {  	v4 =	vadd.s32 v5, v4  }
0x3fc: {  	v4 =	vmul.u32 $0x28, v4  }
0x3fd: {  	s31 =	rddreg [dreg:$0xa]  }
0x3fe: {  	s0 =	sadd.s32 $0x8, s31;
	v3 =	vsub.s32 v3, v4  }
0x3ff: {  	p1 =	slt.u32 s0, $0x140;
	v3 =	vadd.s32 s15, v3  }
.Ltmp4:
0x400: {  	_ = 	snop;
	(pc) =	sbr.rel @p1 .LBB2_5-.Ltmp4, $2  }
0x401: {  	_ =	sdelay $0x2  }
0x402: {  	s16 =	sadd.s32 $0x80, s16;
	s2 =	simm.s32 $0x1480;
	s15 =	sadd.s32 $0x140, s15;
	[tilespmem:v3+s14+$0x0] =	vst.idx.add.f32.msk $0xffff, v2  }
0x403: {  	s0 =	simm.s32 $0x0;
	s1 =	rddreg [dreg:$0x5];
	s4 =	simm.s32 $0x1  }
0x404: {  	[hbm4b:s1+s0] =	stream.linear.scatter [tilespmem:s2], [sflag:$0x1], $0x30C0, $0x38;
	[tilespmem:$0x4800] =	vst v63  }
0x405: {  	_ =	swait.ge [sflag:s4], $0x30C0  }
0x406: {  	s31 =	simm.s32 $0x4540;
	[sflag:s4] =	ssyncset.done $0x0  }
.Ltmp5:
0x407: {  	s30 =	rddreg [dreg:$0x6];
	[sflag:s4] =	ssyncadd.s32 $0xFFFFCF40;
	(pc) =	sbr.rel .LBB2_8-.Ltmp5, $4  }
0x408: {  	[hbm4b:s30+s0] =	stream.linear.scatter [tilespmem:s31], [sflag:$0x1], $0x280, $0x38;
	[tilespmem:$0x4800] =	vst v63  }
0x409: {  	_ =	swait.ge [sflag:s4], $0x280  }
0x40a: {  	[sflag:s4] =	ssyncset.done $0x0  }
0x40b: {  	s5 =	simm.s32 $0x1480;
	s2 =	rddreg [dreg:$0x8];
	[sflag:s4] =	ssyncadd.s32 $0xFFFFFD80  }
.LBB2_9:
0x40c: {  	_ =	sfence.sel $0x180000  }
0x40d: {  	[bflag:$0x0] =	sbarrier.arrive $0xFFFF  }
0x40e: {  	_ =	strace $0x90000047  }
0x40f: {  	s0 =	stileid.u32;
	[bflag:$0x2] =	sbarrier.arrive $0xFFFF  }
0x410: {  	p0 =	sne.s32 s0, $0x0;
	s0 =	rddreg [dreg:$0x2]  }
0x411: {  	s0 =	sadd.s32 @!p0 $0x100000, s0  }
0x412: {  	[sflag:s0] =	ssyncadd.tile.s32 @!p0 $0x1;
	_ =	shalt  }
.Lfunc_end2:
_tile_overlayer_lowered:
.L_overlay_start_2:
0x413: {  	(tag) =	ssettag $0x2  }
0x414: {  	s0 =	rddreg [dreg:$0x0];
	s2 =	stileid.u32  }
0x415: {  	s1 =	rddreg [dreg:$0x1];
	p0 =	sne.s32 s2, $0x0  }
0x416: {  	s3 =	rddreg [dreg:$0x2];
	[bflag:$0x3] =	sbarrier.arrive $0xFFFF;
	s2 =	simm.s32 @!p0 $0x1C01  }
0x417: {  	[timem:s3], [sflag:s2] =	dma.local @!p0 [hbm:s0], s1  }
0x418: {  	s0 =	simm.s32 @!p0 $0x1  }
0x419: {  	_ =	swait.ge @!p0 [sflag:s0], s1  }
0x41a: {  	s1 =	ssub.s32 @!p0 $0x0, s1;
	[sflag:s0] =	ssyncset.done @!p0 $0x0  }
0x41b: {  	[sflag:s0] =	ssyncadd.s32 @!p0 s1  }
0x41c: {  	[bflag:$0x3] =	sbarrier.arrive $0xFFFF  }
0x41d: {  	_ =	shalt  }

</sc_bundles>
